<compile_context>
chip_gen: v7x
topology: tpu7x:2x2x1
jax: 0.10.2.dev20260603
libtpu: 0.0.44.dev20260713+nightly
codegen_flags: <defaults>
</compile_context>

<pallas_src>
import functools

import jax
import jax.numpy as jnp
from jax import lax
from jax.experimental import pallas as pl
from jax.experimental.pallas import tpu as pltpu
from jax.experimental.pallas import tpu_sc as plsc

NUM_BINS_ = 256
L = 16
NC = 2
NS = 16
NW = NC * NS
NCHUNK = 4
CCOLS = 128


def _sc_body(x_hbm, w_hbm, out_hbm, tw_v, tg_v, ib0, ib1, ob0, ob1,
             sem_i0, sem_i1, sem_i2, sem_i3, sem_o0, sem_o1, sem_o2, sem_o3,
             rows):
    wid = lax.axis_index("s") * NC + lax.axis_index("c")
    base = wid * NCHUNK * CCOLS

    ibufs = (ib0, ib1)
    obufs = (ob0, ob1)
    sem_i = (sem_i0, sem_i1, sem_i2, sem_i3)
    sem_o = (sem_o0, sem_o1, sem_o2, sem_o3)

    in_desc = [
        pltpu.async_copy(x_hbm.at[:, pl.ds(base + g * CCOLS, CCOLS)],
                         ibufs[g], sem_i[g])
        for g in range(2)
    ] + [None] * (NCHUNK - 2)
    pltpu.sync_copy(w_hbm, tw_v)

    @plsc.parallel_loop(0, NUM_BINS_, L)
    def _prep(k):
        ids = lax.iota(jnp.int32, L) + k
        wv = plsc.load_gather(tw_v, [ids])
        tg_v[pl.ds(k, L)] = wv * ((ids.astype(jnp.float32) + 0.5)
                                  * (1.0 / NUM_BINS_))

    out_desc = [None] * NCHUNK
    for g in range(NCHUNK):
        s = g % 2
        ibuf, obuf = ibufs[s], obufs[s]
        in_desc[g].wait()
        if g >= 2:
            out_desc[g - 2].wait()

        @plsc.parallel_loop(0, rows, 1, unroll=4)
        def _body(r):
            for c in range(0, CCOLS, L):
                xv = ibuf[r, pl.ds(c, L)]
                idx = (xv * 255.0).astype(jnp.int32)
                obuf[r, pl.ds(c, L)] = plsc.load_gather(tg_v, [idx])

        out_desc[g] = pltpu.async_copy(
            obuf, out_hbm.at[:, pl.ds(base + g * CCOLS, CCOLS)], sem_o[g])
        if g + 2 < NCHUNK:
            in_desc[g + 2] = pltpu.async_copy(
                x_hbm.at[:, pl.ds(base + (g + 2) * CCOLS, CCOLS)],
                ibuf, sem_i[g + 2])
    out_desc[NCHUNK - 2].wait()
    out_desc[NCHUNK - 1].wait()


def kernel(input_tensor, emb_weight):
    rows, cols = input_tensor.shape
    x_t = input_tensor.T
    tcols = x_t.shape[1]
    assert tcols % (NW * NCHUNK * CCOLS) == 0
    w_flat = emb_weight.reshape(-1)

    mesh = plsc.VectorSubcoreMesh(core_axis_name="c", subcore_axis_name="s")
    run = functools.partial(
        pl.kernel,
        mesh=mesh,
        out_type=jax.ShapeDtypeStruct(x_t.shape, jnp.float32),
        scratch_types=[
            pltpu.VMEM((NUM_BINS_,), jnp.float32),
            pltpu.VMEM((NUM_BINS_,), jnp.float32),
            pltpu.VMEM((cols, CCOLS), jnp.float32),
            pltpu.VMEM((cols, CCOLS), jnp.float32),
            pltpu.VMEM((cols, CCOLS), jnp.float32),
            pltpu.VMEM((cols, CCOLS), jnp.float32),
            pltpu.SemaphoreType.DMA,
            pltpu.SemaphoreType.DMA,
            pltpu.SemaphoreType.DMA,
            pltpu.SemaphoreType.DMA,
            pltpu.SemaphoreType.DMA,
            pltpu.SemaphoreType.DMA,
            pltpu.SemaphoreType.DMA,
            pltpu.SemaphoreType.DMA,
        ],
        compiler_params=pltpu.CompilerParams(
            needs_layout_passes=False, use_tc_tiling_on_sc=True),
    )(functools.partial(_sc_body, rows=cols))
    out_t = run(x_t, w_flat)
    return out_t.T

# --- scband reference (transcript-rebuilt; emitter-appended) ---
"""Pipeline reference for scband-mapping-embedding-45878840656546 (READ-ONLY COPY).

The authoritative reference and input builder live on the scoring server;
editing this copy changes nothing except your own understanding.
"""

import jax, jax.numpy as jnp
import numpy as np

NUM_BINS = 256


def setup_inputs(seed: int = 0) -> dict:
    key = jax.random.key(seed)
    k1 = jax.random.fold_in(key, 1)
    input_tensor = jax.random.uniform(k1, (16384, 200), dtype=jnp.float32)
    # nn.Embedding(num_bins, 1) weight, initialized to constant 1.0 per the module
    emb_weight = jnp.ones((NUM_BINS, 1), dtype=jnp.float32)
    return {"input_tensor": input_tensor, "emb_weight": emb_weight}


def reference(input_tensor, emb_weight):
    nb = NUM_BINS
    x = jnp.clip(input_tensor, 0.0, 1.0)
    bin_indices = jnp.floor(x * (nb - 1)).astype(jnp.int32)
    one_hot = jnp.take(emb_weight, bin_indices.reshape(-1), axis=0)
    one_hot = one_hot.reshape(*bin_indices.shape, -1)
    bin_centers = (bin_indices.astype(jnp.float32) + 0.5) / nb
    mapped = (one_hot * bin_centers[..., None]).sum(axis=-1).reshape(input_tensor.shape)
    return mapped

if __name__ == "__main__":
    import jax
    _d = setup_inputs()
    print(jax.jit(kernel)(*tuple(_d.values())))

</pallas_src>

<mosaic_0001>
#map = affine_map<(d0, d1) -> (0, 0)>
#map1 = affine_map<(d0, d1) -> (0)>
module attributes {stable_mosaic.version = 14 : i64} {
  func.func @_sc_body(%arg0: i32, %arg1: i32, %arg2: memref<200x16384xf32, #tpu.memory_space<hbm>>, %arg3: memref<256xf32, #tpu.memory_space<hbm>>, %arg4: memref<200x16384xf32, #tpu.memory_space<hbm>>, %arg5: memref<256xf32, #tpu.memory_space<vmem>>, %arg6: memref<256xf32, #tpu.memory_space<vmem>>, %arg7: memref<200x128xf32, #tpu.memory_space<vmem>>, %arg8: memref<200x128xf32, #tpu.memory_space<vmem>>, %arg9: memref<200x128xf32, #tpu.memory_space<vmem>>, %arg10: memref<200x128xf32, #tpu.memory_space<vmem>>, %arg11: memref<!tpu.dma_semaphore, #tpu.memory_space<semaphore_mem>>, %arg12: memref<!tpu.dma_semaphore, #tpu.memory_space<semaphore_mem>>, %arg13: memref<!tpu.dma_semaphore, #tpu.memory_space<semaphore_mem>>, %arg14: memref<!tpu.dma_semaphore, #tpu.memory_space<semaphore_mem>>, %arg15: memref<!tpu.dma_semaphore, #tpu.memory_space<semaphore_mem>>, %arg16: memref<!tpu.dma_semaphore, #tpu.memory_space<semaphore_mem>>, %arg17: memref<!tpu.dma_semaphore, #tpu.memory_space<semaphore_mem>>, %arg18: memref<!tpu.dma_semaphore, #tpu.memory_space<semaphore_mem>>) attributes {dimension_semantics = [#tpu.dimension_semantics<core_parallel>, #tpu.dimension_semantics<subcore_parallel>], iteration_bounds = array<i64: 2, 16>, scalar_prefetch = 0 : i64, scratch_operands = 14 : i64, tpu.core_type = #tpu.core_type<sc_vector_subcore>, window_params = [{transform_indices = #map}, {transform_indices = #map1}, {transform_indices = #map}]} {
    %mul3A = arith.constant 2 : i32
    %mul3A_0 = arith.muli %arg1, %mul3A : i32
    %add3A = arith.addi %mul3A_0, %arg0 : i32
    %mul3A_1 = arith.constant 4 : i32
    %mul3A_2 = arith.muli %add3A, %mul3A_1 : i32
    %mul3A_3 = arith.constant 128 : i32
    %mul3A_4 = arith.muli %mul3A_2, %mul3A_3 : i32
    %add3A_5 = arith.constant 0 : i32
    %add3A_6 = arith.addi %mul3A_4, %add3A_5 : i32
    %dma_start3A = arith.constant 0 : i32
    %dma_start3A_7 = tpu.memref_slice %arg2[%dma_start3A, %add3A_6] : memref<200x16384xf32, #tpu.memory_space<hbm>> -> memref<200x128xf32, #tpu.memory_space<hbm>>
    %dma_start3A_8 = arith.constant 0 : i32
    %dma_start3A_9 = tpu.memref_slice %arg2[%dma_start3A_8, %add3A_6] : memref<200x16384xf32, #tpu.memory_space<hbm>> -> memref<200x128xf32, #tpu.memory_space<hbm>>
    tpu.enqueue_dma source(%dma_start3A_9 : memref<200x128xf32, #tpu.memory_space<hbm>>) target(%arg7 : memref<200x128xf32, #tpu.memory_space<vmem>>) target_semaphore(%arg11 : memref<!tpu.dma_semaphore, #tpu.memory_space<semaphore_mem>>)
    %add3A_10 = arith.constant 128 : i32
    %add3A_11 = arith.addi %mul3A_4, %add3A_10 : i32
    %dma_start3A_12 = arith.constant 0 : i32
    %dma_start3A_13 = tpu.memref_slice %arg2[%dma_start3A_12, %add3A_11] : memref<200x16384xf32, #tpu.memory_space<hbm>> -> memref<200x128xf32, #tpu.memory_space<hbm>>
    %dma_start3A_14 = arith.constant 0 : i32
    %dma_start3A_15 = tpu.memref_slice %arg2[%dma_start3A_14, %add3A_11] : memref<200x16384xf32, #tpu.memory_space<hbm>> -> memref<200x128xf32, #tpu.memory_space<hbm>>
    tpu.enqueue_dma source(%dma_start3A_15 : memref<200x128xf32, #tpu.memory_space<hbm>>) target(%arg8 : memref<200x128xf32, #tpu.memory_space<vmem>>) target_semaphore(%arg12 : memref<!tpu.dma_semaphore, #tpu.memory_space<semaphore_mem>>)
    "tpu.region"() ({
      %run_scoped3A = tpu.sem_alloc : memref<!tpu.dma_semaphore, #tpu.memory_space<semaphore_mem>>
      tpu.enqueue_dma source(%arg3 : memref<256xf32, #tpu.memory_space<hbm>>) target(%arg5 : memref<256xf32, #tpu.memory_space<vmem>>) target_semaphore(%run_scoped3A : memref<!tpu.dma_semaphore, #tpu.memory_space<semaphore_mem>>)
      tpu.wait_dma2 semaphore(%run_scoped3A : memref<!tpu.dma_semaphore, #tpu.memory_space<semaphore_mem>>) src(%arg3 : memref<256xf32, #tpu.memory_space<hbm>>) dst(%arg5 : memref<256xf32, #tpu.memory_space<vmem>>)
      tpu.yield
    }) : () -> ()
    %parallel_loop3A = arith.constant 0 : i32
    %parallel_loop3A_16 = arith.constant 256 : i32
    %parallel_loop3A_17 = arith.constant 16 : i32
    scf.for %parallel_loop3A_97 = %parallel_loop3A to %parallel_loop3A_16 step %parallel_loop3A_17  : i32 {
      %parallel_loop3A_98 = tpu.iota {dimensions = array<i32: 0>} : vector<16xi32>
      %parallel_loop3A_99 = vector.broadcast %parallel_loop3A_97 : i32 to vector<16xi32>
      %parallel_loop3A_100 = arith.addi %parallel_loop3A_98, %parallel_loop3A_99 : vector<16xi32>
      %parallel_loop3A_101 = tpu.vector_load_idx %arg5[%parallel_loop3A_100] : memref<256xf32, #tpu.memory_space<vmem>>[vector<16xi32>], vector<16xf32>,
      %parallel_loop3A_102 = arith.sitofp %parallel_loop3A_100 : vector<16xi32> to vector<16xf32>
      %parallel_loop3A_103 = arith.constant 5.000000e-01 : f32
      %parallel_loop3A_104 = vector.broadcast %parallel_loop3A_103 : f32 to vector<16xf32>
      %parallel_loop3A_105 = arith.addf %parallel_loop3A_102, %parallel_loop3A_104 : vector<16xf32>
      %parallel_loop3A_106 = arith.constant 3.906250e-03 : f32
      %parallel_loop3A_107 = vector.broadcast %parallel_loop3A_106 : f32 to vector<16xf32>
      %parallel_loop3A_108 = arith.mulf %parallel_loop3A_105, %parallel_loop3A_107 : vector<16xf32>
      %parallel_loop3A_109 = arith.mulf %parallel_loop3A_101, %parallel_loop3A_108 : vector<16xf32>
      %parallel_loop3A_110 = arith.index_cast %parallel_loop3A_97 : i32 to index
      %parallel_loop3A_111 = tpu.vector_load %arg6[%parallel_loop3A_110] {strides = array<i32>} : memref<256xf32, #tpu.memory_space<vmem>>, vector<16xf32>,
      tpu.vector_store %arg6[%parallel_loop3A_110], %parallel_loop3A_109 {strides = array<i32>} : memref<256xf32, #tpu.memory_space<vmem>>, vector<16xf32>,
    } {sc.loop_unroll_factor = 1 : i64, sc.parallel_access}
    %dma_wait3A = arith.constant 0 : i32
    %dma_wait3A_18 = tpu.memref_slice %arg2[%dma_wait3A, %add3A_6] : memref<200x16384xf32, #tpu.memory_space<hbm>> -> memref<200x128xf32, #tpu.memory_space<hbm>>
    %dma_wait3A_19 = arith.constant 0 : i32
    %dma_wait3A_20 = tpu.memref_slice %arg2[%dma_wait3A_19, %add3A_6] : memref<200x16384xf32, #tpu.memory_space<hbm>> -> memref<200x128xf32, #tpu.memory_space<hbm>>
    tpu.wait_dma2 semaphore(%arg11 : memref<!tpu.dma_semaphore, #tpu.memory_space<semaphore_mem>>) src(%dma_wait3A_20 : memref<200x128xf32, #tpu.memory_space<hbm>>) dst(%arg7 : memref<200x128xf32, #tpu.memory_space<vmem>>)
    %parallel_loop3A_21 = arith.constant 0 : i32
    %parallel_loop3A_22 = arith.constant 200 : i32
    %parallel_loop3A_23 = arith.constant 1 : i32
    scf.for %parallel_loop3A_97 = %parallel_loop3A_21 to %parallel_loop3A_22 step %parallel_loop3A_23  : i32 {
      %parallel_loop3A_98 = arith.index_cast %parallel_loop3A_97 : i32 to index
      %parallel_loop3A_99 = arith.constant 0 : index
      %parallel_loop3A_100 = tpu.vector_load %arg7[%parallel_loop3A_98, %parallel_loop3A_99] {strides = array<i32>} : memref<200x128xf32, #tpu.memory_space<vmem>>, vector<16xf32>,
      %parallel_loop3A_101 = arith.constant 2.550000e+02 : f32
      %parallel_loop3A_102 = vector.broadcast %parallel_loop3A_101 : f32 to vector<16xf32>
      %parallel_loop3A_103 = arith.mulf %parallel_loop3A_100, %parallel_loop3A_102 : vector<16xf32>
      %parallel_loop3A_104 = arith.fptosi %parallel_loop3A_103 : vector<16xf32> to vector<16xi32>
      %parallel_loop3A_105 = tpu.vector_load_idx %arg6[%parallel_loop3A_104] : memref<256xf32, #tpu.memory_space<vmem>>[vector<16xi32>], vector<16xf32>,
      %parallel_loop3A_106 = arith.index_cast %parallel_loop3A_97 : i32 to index
      %parallel_loop3A_107 = arith.constant 0 : index
      %parallel_loop3A_108 = tpu.vector_load %arg9[%parallel_loop3A_106, %parallel_loop3A_107] {strides = array<i32>} : memref<200x128xf32, #tpu.memory_space<vmem>>, vector<16xf32>,
      tpu.vector_store %arg9[%parallel_loop3A_106, %parallel_loop3A_107], %parallel_loop3A_105 {strides = array<i32>} : memref<200x128xf32, #tpu.memory_space<vmem>>, vector<16xf32>,
      %parallel_loop3A_109 = arith.index_cast %parallel_loop3A_97 : i32 to index
      %parallel_loop3A_110 = arith.constant 16 : index
      %parallel_loop3A_111 = tpu.vector_load %arg7[%parallel_loop3A_109, %parallel_loop3A_110] {strides = array<i32>} : memref<200x128xf32, #tpu.memory_space<vmem>>, vector<16xf32>,
      %parallel_loop3A_112 = arith.constant 2.550000e+02 : f32
      %parallel_loop3A_113 = vector.broadcast %parallel_loop3A_112 : f32 to vector<16xf32>
      %parallel_loop3A_114 = arith.mulf %parallel_loop3A_111, %parallel_loop3A_113 : vector<16xf32>
      %parallel_loop3A_115 = arith.fptosi %parallel_loop3A_114 : vector<16xf32> to vector<16xi32>
      %parallel_loop3A_116 = tpu.vector_load_idx %arg6[%parallel_loop3A_115] : memref<256xf32, #tpu.memory_space<vmem>>[vector<16xi32>], vector<16xf32>,
      %parallel_loop3A_117 = arith.index_cast %parallel_loop3A_97 : i32 to index
      %parallel_loop3A_118 = arith.constant 16 : index
      %parallel_loop3A_119 = tpu.vector_load %arg9[%parallel_loop3A_117, %parallel_loop3A_118] {strides = array<i32>} : memref<200x128xf32, #tpu.memory_space<vmem>>, vector<16xf32>,
      tpu.vector_store %arg9[%parallel_loop3A_117, %parallel_loop3A_118], %parallel_loop3A_116 {strides = array<i32>} : memref<200x128xf32, #tpu.memory_space<vmem>>, vector<16xf32>,
      %parallel_loop3A_120 = arith.index_cast %parallel_loop3A_97 : i32 to index
      %parallel_loop3A_121 = arith.constant 32 : index
      %parallel_loop3A_122 = tpu.vector_load %arg7[%parallel_loop3A_120, %parallel_loop3A_121] {strides = array<i32>} : memref<200x128xf32, #tpu.memory_space<vmem>>, vector<16xf32>,
      %parallel_loop3A_123 = arith.constant 2.550000e+02 : f32
      %parallel_loop3A_124 = vector.broadcast %parallel_loop3A_123 : f32 to vector<16xf32>
      %parallel_loop3A_125 = arith.mulf %parallel_loop3A_122, %parallel_loop3A_124 : vector<16xf32>
      %parallel_loop3A_126 = arith.fptosi %parallel_loop3A_125 : vector<16xf32> to vector<16xi32>
      %parallel_loop3A_127 = tpu.vector_load_idx %arg6[%parallel_loop3A_126] : memref<256xf32, #tpu.memory_space<vmem>>[vector<16xi32>], vector<16xf32>,
      %parallel_loop3A_128 = arith.index_cast %parallel_loop3A_97 : i32 to index
      %parallel_loop3A_129 = arith.constant 32 : index
      %parallel_loop3A_130 = tpu.vector_load %arg9[%parallel_loop3A_128, %parallel_loop3A_129] {strides = array<i32>} : memref<200x128xf32, #tpu.memory_space<vmem>>, vector<16xf32>,
      tpu.vector_store %arg9[%parallel_loop3A_128, %parallel_loop3A_129], %parallel_loop3A_127 {strides = array<i32>} : memref<200x128xf32, #tpu.memory_space<vmem>>, vector<16xf32>,
      %parallel_loop3A_131 = arith.index_cast %parallel_loop3A_97 : i32 to index
      %parallel_loop3A_132 = arith.constant 48 : index
      %parallel_loop3A_133 = tpu.vector_load %arg7[%parallel_loop3A_131, %parallel_loop3A_132] {strides = array<i32>} : memref<200x128xf32, #tpu.memory_space<vmem>>, vector<16xf32>,
      %parallel_loop3A_134 = arith.constant 2.550000e+02 : f32
      %parallel_loop3A_135 = vector.broadcast %parallel_loop3A_134 : f32 to vector<16xf32>
      %parallel_loop3A_136 = arith.mulf %parallel_loop3A_133, %parallel_loop3A_135 : vector<16xf32>
      %parallel_loop3A_137 = arith.fptosi %parallel_loop3A_136 : vector<16xf32> to vector<16xi32>
      %parallel_loop3A_138 = tpu.vector_load_idx %arg6[%parallel_loop3A_137] : memref<256xf32, #tpu.memory_space<vmem>>[vector<16xi32>], vector<16xf32>,
      %parallel_loop3A_139 = arith.index_cast %parallel_loop3A_97 : i32 to index
      %parallel_loop3A_140 = arith.constant 48 : index
      %parallel_loop3A_141 = tpu.vector_load %arg9[%parallel_loop3A_139, %parallel_loop3A_140] {strides = array<i32>} : memref<200x128xf32, #tpu.memory_space<vmem>>, vector<16xf32>,
      tpu.vector_store %arg9[%parallel_loop3A_139, %parallel_loop3A_140], %parallel_loop3A_138 {strides = array<i32>} : memref<200x128xf32, #tpu.memory_space<vmem>>, vector<16xf32>,
      %parallel_loop3A_142 = arith.index_cast %parallel_loop3A_97 : i32 to index
      %parallel_loop3A_143 = arith.constant 64 : index
      %parallel_loop3A_144 = tpu.vector_load %arg7[%parallel_loop3A_142, %parallel_loop3A_143] {strides = array<i32>} : memref<200x128xf32, #tpu.memory_space<vmem>>, vector<16xf32>,
      %parallel_loop3A_145 = arith.constant 2.550000e+02 : f32
      %parallel_loop3A_146 = vector.broadcast %parallel_loop3A_145 : f32 to vector<16xf32>
      %parallel_loop3A_147 = arith.mulf %parallel_loop3A_144, %parallel_loop3A_146 : vector<16xf32>
      %parallel_loop3A_148 = arith.fptosi %parallel_loop3A_147 : vector<16xf32> to vector<16xi32>
      %parallel_loop3A_149 = tpu.vector_load_idx %arg6[%parallel_loop3A_148] : memref<256xf32, #tpu.memory_space<vmem>>[vector<16xi32>], vector<16xf32>,
      %parallel_loop3A_150 = arith.index_cast %parallel_loop3A_97 : i32 to index
      %parallel_loop3A_151 = arith.constant 64 : index
      %parallel_loop3A_152 = tpu.vector_load %arg9[%parallel_loop3A_150, %parallel_loop3A_151] {strides = array<i32>} : memref<200x128xf32, #tpu.memory_space<vmem>>, vector<16xf32>,
      tpu.vector_store %arg9[%parallel_loop3A_150, %parallel_loop3A_151], %parallel_loop3A_149 {strides = array<i32>} : memref<200x128xf32, #tpu.memory_space<vmem>>, vector<16xf32>,
      %parallel_loop3A_153 = arith.index_cast %parallel_loop3A_97 : i32 to index
      %parallel_loop3A_154 = arith.constant 80 : index
      %parallel_loop3A_155 = tpu.vector_load %arg7[%parallel_loop3A_153, %parallel_loop3A_154] {strides = array<i32>} : memref<200x128xf32, #tpu.memory_space<vmem>>, vector<16xf32>,
      %parallel_loop3A_156 = arith.constant 2.550000e+02 : f32
      %parallel_loop3A_157 = vector.broadcast %parallel_loop3A_156 : f32 to vector<16xf32>
      %parallel_loop3A_158 = arith.mulf %parallel_loop3A_155, %parallel_loop3A_157 : vector<16xf32>
      %parallel_loop3A_159 = arith.fptosi %parallel_loop3A_158 : vector<16xf32> to vector<16xi32>
      %parallel_loop3A_160 = tpu.vector_load_idx %arg6[%parallel_loop3A_159] : memref<256xf32, #tpu.memory_space<vmem>>[vector<16xi32>], vector<16xf32>,
      %parallel_loop3A_161 = arith.index_cast %parallel_loop3A_97 : i32 to index
      %parallel_loop3A_162 = arith.constant 80 : index
      %parallel_loop3A_163 = tpu.vector_load %arg9[%parallel_loop3A_161, %parallel_loop3A_162] {strides = array<i32>} : memref<200x128xf32, #tpu.memory_space<vmem>>, vector<16xf32>,
      tpu.vector_store %arg9[%parallel_loop3A_161, %parallel_loop3A_162], %parallel_loop3A_160 {strides = array<i32>} : memref<200x128xf32, #tpu.memory_space<vmem>>, vector<16xf32>,
      %parallel_loop3A_164 = arith.index_cast %parallel_loop3A_97 : i32 to index
      %parallel_loop3A_165 = arith.constant 96 : index
      %parallel_loop3A_166 = tpu.vector_load %arg7[%parallel_loop3A_164, %parallel_loop3A_165] {strides = array<i32>} : memref<200x128xf32, #tpu.memory_space<vmem>>, vector<16xf32>,
      %parallel_loop3A_167 = arith.constant 2.550000e+02 : f32
      %parallel_loop3A_168 = vector.broadcast %parallel_loop3A_167 : f32 to vector<16xf32>
      %parallel_loop3A_169 = arith.mulf %parallel_loop3A_166, %parallel_loop3A_168 : vector<16xf32>
      %parallel_loop3A_170 = arith.fptosi %parallel_loop3A_169 : vector<16xf32> to vector<16xi32>
      %parallel_loop3A_171 = tpu.vector_load_idx %arg6[%parallel_loop3A_170] : memref<256xf32, #tpu.memory_space<vmem>>[vector<16xi32>], vector<16xf32>,
      %parallel_loop3A_172 = arith.index_cast %parallel_loop3A_97 : i32 to index
      %parallel_loop3A_173 = arith.constant 96 : index
      %parallel_loop3A_174 = tpu.vector_load %arg9[%parallel_loop3A_172, %parallel_loop3A_173] {strides = array<i32>} : memref<200x128xf32, #tpu.memory_space<vmem>>, vector<16xf32>,
      tpu.vector_store %arg9[%parallel_loop3A_172, %parallel_loop3A_173], %parallel_loop3A_171 {strides = array<i32>} : memref<200x128xf32, #tpu.memory_space<vmem>>, vector<16xf32>,
      %parallel_loop3A_175 = arith.index_cast %parallel_loop3A_97 : i32 to index
      %parallel_loop3A_176 = arith.constant 112 : index
      %parallel_loop3A_177 = tpu.vector_load %arg7[%parallel_loop3A_175, %parallel_loop3A_176] {strides = array<i32>} : memref<200x128xf32, #tpu.memory_space<vmem>>, vector<16xf32>,
      %parallel_loop3A_178 = arith.constant 2.550000e+02 : f32
      %parallel_loop3A_179 = vector.broadcast %parallel_loop3A_178 : f32 to vector<16xf32>
      %parallel_loop3A_180 = arith.mulf %parallel_loop3A_177, %parallel_loop3A_179 : vector<16xf32>
      %parallel_loop3A_181 = arith.fptosi %parallel_loop3A_180 : vector<16xf32> to vector<16xi32>
      %parallel_loop3A_182 = tpu.vector_load_idx %arg6[%parallel_loop3A_181] : memref<256xf32, #tpu.memory_space<vmem>>[vector<16xi32>], vector<16xf32>,
      %parallel_loop3A_183 = arith.index_cast %parallel_loop3A_97 : i32 to index
      %parallel_loop3A_184 = arith.constant 112 : index
      %parallel_loop3A_185 = tpu.vector_load %arg9[%parallel_loop3A_183, %parallel_loop3A_184] {strides = array<i32>} : memref<200x128xf32, #tpu.memory_space<vmem>>, vector<16xf32>,
      tpu.vector_store %arg9[%parallel_loop3A_183, %parallel_loop3A_184], %parallel_loop3A_182 {strides = array<i32>} : memref<200x128xf32, #tpu.memory_space<vmem>>, vector<16xf32>,
    } {sc.loop_unroll_factor = 4 : i64, sc.parallel_access}
    %add3A_24 = arith.constant 0 : i32
    %add3A_25 = arith.addi %mul3A_4, %add3A_24 : i32
    %dma_start3A_26 = arith.constant 0 : i32
    %dma_start3A_27 = tpu.memref_slice %arg4[%dma_start3A_26, %add3A_25] : memref<200x16384xf32, #tpu.memory_space<hbm>> -> memref<200x128xf32, #tpu.memory_space<hbm>>
    %dma_start3A_28 = arith.constant 0 : i32
    %dma_start3A_29 = tpu.memref_slice %arg4[%dma_start3A_28, %add3A_25] : memref<200x16384xf32, #tpu.memory_space<hbm>> -> memref<200x128xf32, #tpu.memory_space<hbm>>
    tpu.enqueue_dma source(%arg9 : memref<200x128xf32, #tpu.memory_space<vmem>>) target(%dma_start3A_29 : memref<200x128xf32, #tpu.memory_space<hbm>>) target_semaphore(%arg15 : memref<!tpu.dma_semaphore, #tpu.memory_space<semaphore_mem>>)
    %add3A_30 = arith.constant 256 : i32
    %add3A_31 = arith.addi %mul3A_4, %add3A_30 : i32
    %dma_start3A_32 = arith.constant 0 : i32
    %dma_start3A_33 = tpu.memref_slice %arg2[%dma_start3A_32, %add3A_31] : memref<200x16384xf32, #tpu.memory_space<hbm>> -> memref<200x128xf32, #tpu.memory_space<hbm>>
    %dma_start3A_34 = arith.constant 0 : i32
    %dma_start3A_35 = tpu.memref_slice %arg2[%dma_start3A_34, %add3A_31] : memref<200x16384xf32, #tpu.memory_space<hbm>> -> memref<200x128xf32, #tpu.memory_space<hbm>>
    tpu.enqueue_dma source(%dma_start3A_35 : memref<200x128xf32, #tpu.memory_space<hbm>>) target(%arg7 : memref<200x128xf32, #tpu.memory_space<vmem>>) target_semaphore(%arg13 : memref<!tpu.dma_semaphore, #tpu.memory_space<semaphore_mem>>)
    %dma_wait3A_36 = arith.constant 0 : i32
    %dma_wait3A_37 = tpu.memref_slice %arg2[%dma_wait3A_36, %add3A_11] : memref<200x16384xf32, #tpu.memory_space<hbm>> -> memref<200x128xf32, #tpu.memory_space<hbm>>
    %dma_wait3A_38 = arith.constant 0 : i32
    %dma_wait3A_39 = tpu.memref_slice %arg2[%dma_wait3A_38, %add3A_11] : memref<200x16384xf32, #tpu.memory_space<hbm>> -> memref<200x128xf32, #tpu.memory_space<hbm>>
    tpu.wait_dma2 semaphore(%arg12 : memref<!tpu.dma_semaphore, #tpu.memory_space<semaphore_mem>>) src(%dma_wait3A_39 : memref<200x128xf32, #tpu.memory_space<hbm>>) dst(%arg8 : memref<200x128xf32, #tpu.memory_space<vmem>>)
    %parallel_loop3A_40 = arith.constant 0 : i32
    %parallel_loop3A_41 = arith.constant 200 : i32
    %parallel_loop3A_42 = arith.constant 1 : i32
    scf.for %parallel_loop3A_97 = %parallel_loop3A_40 to %parallel_loop3A_41 step %parallel_loop3A_42  : i32 {
      %parallel_loop3A_98 = arith.index_cast %parallel_loop3A_97 : i32 to index
      %parallel_loop3A_99 = arith.constant 0 : index
      %parallel_loop3A_100 = tpu.vector_load %arg8[%parallel_loop3A_98, %parallel_loop3A_99] {strides = array<i32>} : memref<200x128xf32, #tpu.memory_space<vmem>>, vector<16xf32>,
      %parallel_loop3A_101 = arith.constant 2.550000e+02 : f32
      %parallel_loop3A_102 = vector.broadcast %parallel_loop3A_101 : f32 to vector<16xf32>
      %parallel_loop3A_103 = arith.mulf %parallel_loop3A_100, %parallel_loop3A_102 : vector<16xf32>
      %parallel_loop3A_104 = arith.fptosi %parallel_loop3A_103 : vector<16xf32> to vector<16xi32>
      %parallel_loop3A_105 = tpu.vector_load_idx %arg6[%parallel_loop3A_104] : memref<256xf32, #tpu.memory_space<vmem>>[vector<16xi32>], vector<16xf32>,
      %parallel_loop3A_106 = arith.index_cast %parallel_loop3A_97 : i32 to index
      %parallel_loop3A_107 = arith.constant 0 : index
      %parallel_loop3A_108 = tpu.vector_load %arg10[%parallel_loop3A_106, %parallel_loop3A_107] {strides = array<i32>} : memref<200x128xf32, #tpu.memory_space<vmem>>, vector<16xf32>,
      tpu.vector_store %arg10[%parallel_loop3A_106, %parallel_loop3A_107], %parallel_loop3A_105 {strides = array<i32>} : memref<200x128xf32, #tpu.memory_space<vmem>>, vector<16xf32>,
      %parallel_loop3A_109 = arith.index_cast %parallel_loop3A_97 : i32 to index
      %parallel_loop3A_110 = arith.constant 16 : index
      %parallel_loop3A_111 = tpu.vector_load %arg8[%parallel_loop3A_109, %parallel_loop3A_110] {strides = array<i32>} : memref<200x128xf32, #tpu.memory_space<vmem>>, vector<16xf32>,
      %parallel_loop3A_112 = arith.constant 2.550000e+02 : f32
      %parallel_loop3A_113 = vector.broadcast %parallel_loop3A_112 : f32 to vector<16xf32>
      %parallel_loop3A_114 = arith.mulf %parallel_loop3A_111, %parallel_loop3A_113 : vector<16xf32>
      %parallel_loop3A_115 = arith.fptosi %parallel_loop3A_114 : vector<16xf32> to vector<16xi32>
      %parallel_loop3A_116 = tpu.vector_load_idx %arg6[%parallel_loop3A_115] : memref<256xf32, #tpu.memory_space<vmem>>[vector<16xi32>], vector<16xf32>,
      %parallel_loop3A_117 = arith.index_cast %parallel_loop3A_97 : i32 to index
      %parallel_loop3A_118 = arith.constant 16 : index
      %parallel_loop3A_119 = tpu.vector_load %arg10[%parallel_loop3A_117, %parallel_loop3A_118] {strides = array<i32>} : memref<200x128xf32, #tpu.memory_space<vmem>>, vector<16xf32>,
      tpu.vector_store %arg10[%parallel_loop3A_117, %parallel_loop3A_118], %parallel_loop3A_116 {strides = array<i32>} : memref<200x128xf32, #tpu.memory_space<vmem>>, vector<16xf32>,
      %parallel_loop3A_120 = arith.index_cast %parallel_loop3A_97 : i32 to index
      %parallel_loop3A_121 = arith.constant 32 : index
      %parallel_loop3A_122 = tpu.vector_load %arg8[%parallel_loop3A_120, %parallel_loop3A_121] {strides = array<i32>} : memref<200x128xf32, #tpu.memory_space<vmem>>, vector<16xf32>,
      %parallel_loop3A_123 = arith.constant 2.550000e+02 : f32
      %parallel_loop3A_124 = vector.broadcast %parallel_loop3A_123 : f32 to vector<16xf32>
      %parallel_loop3A_125 = arith.mulf %parallel_loop3A_122, %parallel_loop3A_124 : vector<16xf32>
      %parallel_loop3A_126 = arith.fptosi %parallel_loop3A_125 : vector<16xf32> to vector<16xi32>
      %parallel_loop3A_127 = tpu.vector_load_idx %arg6[%parallel_loop3A_126] : memref<256xf32, #tpu.memory_space<vmem>>[vector<16xi32>], vector<16xf32>,
      %parallel_loop3A_128 = arith.index_cast %parallel_loop3A_97 : i32 to index
      %parallel_loop3A_129 = arith.constant 32 : index
      %parallel_loop3A_130 = tpu.vector_load %arg10[%parallel_loop3A_128, %parallel_loop3A_129] {strides = array<i32>} : memref<200x128xf32, #tpu.memory_space<vmem>>, vector<16xf32>,
      tpu.vector_store %arg10[%parallel_loop3A_128, %parallel_loop3A_129], %parallel_loop3A_127 {strides = array<i32>} : memref<200x128xf32, #tpu.memory_space<vmem>>, vector<16xf32>,
      %parallel_loop3A_131 = arith.index_cast %parallel_loop3A_97 : i32 to index
      %parallel_loop3A_132 = arith.constant 48 : index
      %parallel_loop3A_133 = tpu.vector_load %arg8[%parallel_loop3A_131, %parallel_loop3A_132] {strides = array<i32>} : memref<200x128xf32, #tpu.memory_space<vmem>>, vector<16xf32>,
      %parallel_loop3A_134 = arith.constant 2.550000e+02 : f32
      %parallel_loop3A_135 = vector.broadcast %parallel_loop3A_134 : f32 to vector<16xf32>
      %parallel_loop3A_136 = arith.mulf %parallel_loop3A_133, %parallel_loop3A_135 : vector<16xf32>
      %parallel_loop3A_137 = arith.fptosi %parallel_loop3A_136 : vector<16xf32> to vector<16xi32>
      %parallel_loop3A_138 = tpu.vector_load_idx %arg6[%parallel_loop3A_137] : memref<256xf32, #tpu.memory_space<vmem>>[vector<16xi32>], vector<16xf32>,
      %parallel_loop3A_139 = arith.index_cast %parallel_loop3A_97 : i32 to index
      %parallel_loop3A_140 = arith.constant 48 : index
      %parallel_loop3A_141 = tpu.vector_load %arg10[%parallel_loop3A_139, %parallel_loop3A_140] {strides = array<i32>} : memref<200x128xf32, #tpu.memory_space<vmem>>, vector<16xf32>,
      tpu.vector_store %arg10[%parallel_loop3A_139, %parallel_loop3A_140], %parallel_loop3A_138 {strides = array<i32>} : memref<200x128xf32, #tpu.memory_space<vmem>>, vector<16xf32>,
      %parallel_loop3A_142 = arith.index_cast %parallel_loop3A_97 : i32 to index
      %parallel_loop3A_143 = arith.constant 64 : index
      %parallel_loop3A_144 = tpu.vector_load %arg8[%parallel_loop3A_142, %parallel_loop3A_143] {strides = array<i32>} : memref<200x128xf32, #tpu.memory_space<vmem>>, vector<16xf32>,
      %parallel_loop3A_145 = arith.constant 2.550000e+02 : f32
      %parallel_loop3A_146 = vector.broadcast %parallel_loop3A_145 : f32 to vector<16xf32>
      %parallel_loop3A_147 = arith.mulf %parallel_loop3A_144, %parallel_loop3A_146 : vector<16xf32>
      %parallel_loop3A_148 = arith.fptosi %parallel_loop3A_147 : vector<16xf32> to vector<16xi32>
      %parallel_loop3A_149 = tpu.vector_load_idx %arg6[%parallel_loop3A_148] : memref<256xf32, #tpu.memory_space<vmem>>[vector<16xi32>], vector<16xf32>,
      %parallel_loop3A_150 = arith.index_cast %parallel_loop3A_97 : i32 to index
      %parallel_loop3A_151 = arith.constant 64 : index
      %parallel_loop3A_152 = tpu.vector_load %arg10[%parallel_loop3A_150, %parallel_loop3A_151] {strides = array<i32>} : memref<200x128xf32, #tpu.memory_space<vmem>>, vector<16xf32>,
      tpu.vector_store %arg10[%parallel_loop3A_150, %parallel_loop3A_151], %parallel_loop3A_149 {strides = array<i32>} : memref<200x128xf32, #tpu.memory_space<vmem>>, vector<16xf32>,
      %parallel_loop3A_153 = arith.index_cast %parallel_loop3A_97 : i32 to index
      %parallel_loop3A_154 = arith.constant 80 : index
      %parallel_loop3A_155 = tpu.vector_load %arg8[%parallel_loop3A_153, %parallel_loop3A_154] {strides = array<i32>} : memref<200x128xf32, #tpu.memory_space<vmem>>, vector<16xf32>,
      %parallel_loop3A_156 = arith.constant 2.550000e+02 : f32
      %parallel_loop3A_157 = vector.broadcast %parallel_loop3A_156 : f32 to vector<16xf32>
      %parallel_loop3A_158 = arith.mulf %parallel_loop3A_155, %parallel_loop3A_157 : vector<16xf32>
      %parallel_loop3A_159 = arith.fptosi %parallel_loop3A_158 : vector<16xf32> to vector<16xi32>
      %parallel_loop3A_160 = tpu.vector_load_idx %arg6[%parallel_loop3A_159] : memref<256xf32, #tpu.memory_space<vmem>>[vector<16xi32>], vector<16xf32>,
      %parallel_loop3A_161 = arith.index_cast %parallel_loop3A_97 : i32 to index
      %parallel_loop3A_162 = arith.constant 80 : index
      %parallel_loop3A_163 = tpu.vector_load %arg10[%parallel_loop3A_161, %parallel_loop3A_162] {strides = array<i32>} : memref<200x128xf32, #tpu.memory_space<vmem>>, vector<16xf32>,
      tpu.vector_store %arg10[%parallel_loop3A_161, %parallel_loop3A_162], %parallel_loop3A_160 {strides = array<i32>} : memref<200x128xf32, #tpu.memory_space<vmem>>, vector<16xf32>,
      %parallel_loop3A_164 = arith.index_cast %parallel_loop3A_97 : i32 to index
      %parallel_loop3A_165 = arith.constant 96 : index
      %parallel_loop3A_166 = tpu.vector_load %arg8[%parallel_loop3A_164, %parallel_loop3A_165] {strides = array<i32>} : memref<200x128xf32, #tpu.memory_space<vmem>>, vector<16xf32>,
      %parallel_loop3A_167 = arith.constant 2.550000e+02 : f32
      %parallel_loop3A_168 = vector.broadcast %parallel_loop3A_167 : f32 to vector<16xf32>
      %parallel_loop3A_169 = arith.mulf %parallel_loop3A_166, %parallel_loop3A_168 : vector<16xf32>
      %parallel_loop3A_170 = arith.fptosi %parallel_loop3A_169 : vector<16xf32> to vector<16xi32>
      %parallel_loop3A_171 = tpu.vector_load_idx %arg6[%parallel_loop3A_170] : memref<256xf32, #tpu.memory_space<vmem>>[vector<16xi32>], vector<16xf32>,
      %parallel_loop3A_172 = arith.index_cast %parallel_loop3A_97 : i32 to index
      %parallel_loop3A_173 = arith.constant 96 : index
      %parallel_loop3A_174 = tpu.vector_load %arg10[%parallel_loop3A_172, %parallel_loop3A_173] {strides = array<i32>} : memref<200x128xf32, #tpu.memory_space<vmem>>, vector<16xf32>,
      tpu.vector_store %arg10[%parallel_loop3A_172, %parallel_loop3A_173], %parallel_loop3A_171 {strides = array<i32>} : memref<200x128xf32, #tpu.memory_space<vmem>>, vector<16xf32>,
      %parallel_loop3A_175 = arith.index_cast %parallel_loop3A_97 : i32 to index
      %parallel_loop3A_176 = arith.constant 112 : index
      %parallel_loop3A_177 = tpu.vector_load %arg8[%parallel_loop3A_175, %parallel_loop3A_176] {strides = array<i32>} : memref<200x128xf32, #tpu.memory_space<vmem>>, vector<16xf32>,
      %parallel_loop3A_178 = arith.constant 2.550000e+02 : f32
      %parallel_loop3A_179 = vector.broadcast %parallel_loop3A_178 : f32 to vector<16xf32>
      %parallel_loop3A_180 = arith.mulf %parallel_loop3A_177, %parallel_loop3A_179 : vector<16xf32>
      %parallel_loop3A_181 = arith.fptosi %parallel_loop3A_180 : vector<16xf32> to vector<16xi32>
      %parallel_loop3A_182 = tpu.vector_load_idx %arg6[%parallel_loop3A_181] : memref<256xf32, #tpu.memory_space<vmem>>[vector<16xi32>], vector<16xf32>,
      %parallel_loop3A_183 = arith.index_cast %parallel_loop3A_97 : i32 to index
      %parallel_loop3A_184 = arith.constant 112 : index
      %parallel_loop3A_185 = tpu.vector_load %arg10[%parallel_loop3A_183, %parallel_loop3A_184] {strides = array<i32>} : memref<200x128xf32, #tpu.memory_space<vmem>>, vector<16xf32>,
      tpu.vector_store %arg10[%parallel_loop3A_183, %parallel_loop3A_184], %parallel_loop3A_182 {strides = array<i32>} : memref<200x128xf32, #tpu.memory_space<vmem>>, vector<16xf32>,
    } {sc.loop_unroll_factor = 4 : i64, sc.parallel_access}
    %add3A_43 = arith.constant 128 : i32
    %add3A_44 = arith.addi %mul3A_4, %add3A_43 : i32
    %dma_start3A_45 = arith.constant 0 : i32
    %dma_start3A_46 = tpu.memref_slice %arg4[%dma_start3A_45, %add3A_44] : memref<200x16384xf32, #tpu.memory_space<hbm>> -> memref<200x128xf32, #tpu.memory_space<hbm>>
    %dma_start3A_47 = arith.constant 0 : i32
    %dma_start3A_48 = tpu.memref_slice %arg4[%dma_start3A_47, %add3A_44] : memref<200x16384xf32, #tpu.memory_space<hbm>> -> memref<200x128xf32, #tpu.memory_space<hbm>>
    tpu.enqueue_dma source(%arg10 : memref<200x128xf32, #tpu.memory_space<vmem>>) target(%dma_start3A_48 : memref<200x128xf32, #tpu.memory_space<hbm>>) target_semaphore(%arg16 : memref<!tpu.dma_semaphore, #tpu.memory_space<semaphore_mem>>)
    %add3A_49 = arith.constant 384 : i32
    %add3A_50 = arith.addi %mul3A_4, %add3A_49 : i32
    %dma_start3A_51 = arith.constant 0 : i32
    %dma_start3A_52 = tpu.memref_slice %arg2[%dma_start3A_51, %add3A_50] : memref<200x16384xf32, #tpu.memory_space<hbm>> -> memref<200x128xf32, #tpu.memory_space<hbm>>
    %dma_start3A_53 = arith.constant 0 : i32
    %dma_start3A_54 = tpu.memref_slice %arg2[%dma_start3A_53, %add3A_50] : memref<200x16384xf32, #tpu.memory_space<hbm>> -> memref<200x128xf32, #tpu.memory_space<hbm>>
    tpu.enqueue_dma source(%dma_start3A_54 : memref<200x128xf32, #tpu.memory_space<hbm>>) target(%arg8 : memref<200x128xf32, #tpu.memory_space<vmem>>) target_semaphore(%arg14 : memref<!tpu.dma_semaphore, #tpu.memory_space<semaphore_mem>>)
    %dma_wait3A_55 = arith.constant 0 : i32
    %dma_wait3A_56 = tpu.memref_slice %arg2[%dma_wait3A_55, %add3A_31] : memref<200x16384xf32, #tpu.memory_space<hbm>> -> memref<200x128xf32, #tpu.memory_space<hbm>>
    %dma_wait3A_57 = arith.constant 0 : i32
    %dma_wait3A_58 = tpu.memref_slice %arg2[%dma_wait3A_57, %add3A_31] : memref<200x16384xf32, #tpu.memory_space<hbm>> -> memref<200x128xf32, #tpu.memory_space<hbm>>
    tpu.wait_dma2 semaphore(%arg13 : memref<!tpu.dma_semaphore, #tpu.memory_space<semaphore_mem>>) src(%dma_wait3A_58 : memref<200x128xf32, #tpu.memory_space<hbm>>) dst(%arg7 : memref<200x128xf32, #tpu.memory_space<vmem>>)
    %dma_wait3A_59 = arith.constant 0 : i32
    %dma_wait3A_60 = tpu.memref_slice %arg4[%dma_wait3A_59, %add3A_25] : memref<200x16384xf32, #tpu.memory_space<hbm>> -> memref<200x128xf32, #tpu.memory_space<hbm>>
    %dma_wait3A_61 = arith.constant 0 : i32
    %dma_wait3A_62 = tpu.memref_slice %arg4[%dma_wait3A_61, %add3A_25] : memref<200x16384xf32, #tpu.memory_space<hbm>> -> memref<200x128xf32, #tpu.memory_space<hbm>>
    tpu.wait_dma2 semaphore(%arg15 : memref<!tpu.dma_semaphore, #tpu.memory_space<semaphore_mem>>) src(%arg9 : memref<200x128xf32, #tpu.memory_space<vmem>>) dst(%dma_wait3A_62 : memref<200x128xf32, #tpu.memory_space<hbm>>)
    %parallel_loop3A_63 = arith.constant 0 : i32
    %parallel_loop3A_64 = arith.constant 200 : i32
    %parallel_loop3A_65 = arith.constant 1 : i32
    scf.for %parallel_loop3A_97 = %parallel_loop3A_63 to %parallel_loop3A_64 step %parallel_loop3A_65  : i32 {
      %parallel_loop3A_98 = arith.index_cast %parallel_loop3A_97 : i32 to index
      %parallel_loop3A_99 = arith.constant 0 : index
      %parallel_loop3A_100 = tpu.vector_load %arg7[%parallel_loop3A_98, %parallel_loop3A_99] {strides = array<i32>} : memref<200x128xf32, #tpu.memory_space<vmem>>, vector<16xf32>,
      %parallel_loop3A_101 = arith.constant 2.550000e+02 : f32
      %parallel_loop3A_102 = vector.broadcast %parallel_loop3A_101 : f32 to vector<16xf32>
      %parallel_loop3A_103 = arith.mulf %parallel_loop3A_100, %parallel_loop3A_102 : vector<16xf32>
      %parallel_loop3A_104 = arith.fptosi %parallel_loop3A_103 : vector<16xf32> to vector<16xi32>
      %parallel_loop3A_105 = tpu.vector_load_idx %arg6[%parallel_loop3A_104] : memref<256xf32, #tpu.memory_space<vmem>>[vector<16xi32>], vector<16xf32>,
      %parallel_loop3A_106 = arith.index_cast %parallel_loop3A_97 : i32 to index
      %parallel_loop3A_107 = arith.constant 0 : index
      %parallel_loop3A_108 = tpu.vector_load %arg9[%parallel_loop3A_106, %parallel_loop3A_107] {strides = array<i32>} : memref<200x128xf32, #tpu.memory_space<vmem>>, vector<16xf32>,
      tpu.vector_store %arg9[%parallel_loop3A_106, %parallel_loop3A_107], %parallel_loop3A_105 {strides = array<i32>} : memref<200x128xf32, #tpu.memory_space<vmem>>, vector<16xf32>,
      %parallel_loop3A_109 = arith.index_cast %parallel_loop3A_97 : i32 to index
      %parallel_loop3A_110 = arith.constant 16 : index
      %parallel_loop3A_111 = tpu.vector_load %arg7[%parallel_loop3A_109, %parallel_loop3A_110] {strides = array<i32>} : memref<200x128xf32, #tpu.memory_space<vmem>>, vector<16xf32>,
      %parallel_loop3A_112 = arith.constant 2.550000e+02 : f32
      %parallel_loop3A_113 = vector.broadcast %parallel_loop3A_112 : f32 to vector<16xf32>
      %parallel_loop3A_114 = arith.mulf %parallel_loop3A_111, %parallel_loop3A_113 : vector<16xf32>
      %parallel_loop3A_115 = arith.fptosi %parallel_loop3A_114 : vector<16xf32> to vector<16xi32>
      %parallel_loop3A_116 = tpu.vector_load_idx %arg6[%parallel_loop3A_115] : memref<256xf32, #tpu.memory_space<vmem>>[vector<16xi32>], vector<16xf32>,
      %parallel_loop3A_117 = arith.index_cast %parallel_loop3A_97 : i32 to index
      %parallel_loop3A_118 = arith.constant 16 : index
      %parallel_loop3A_119 = tpu.vector_load %arg9[%parallel_loop3A_117, %parallel_loop3A_118] {strides = array<i32>} : memref<200x128xf32, #tpu.memory_space<vmem>>, vector<16xf32>,
      tpu.vector_store %arg9[%parallel_loop3A_117, %parallel_loop3A_118], %parallel_loop3A_116 {strides = array<i32>} : memref<200x128xf32, #tpu.memory_space<vmem>>, vector<16xf32>,
      %parallel_loop3A_120 = arith.index_cast %parallel_loop3A_97 : i32 to index
      %parallel_loop3A_121 = arith.constant 32 : index
      %parallel_loop3A_122 = tpu.vector_load %arg7[%parallel_loop3A_120, %parallel_loop3A_121] {strides = array<i32>} : memref<200x128xf32, #tpu.memory_space<vmem>>, vector<16xf32>,
      %parallel_loop3A_123 = arith.constant 2.550000e+02 : f32
      %parallel_loop3A_124 = vector.broadcast %parallel_loop3A_123 : f32 to vector<16xf32>
      %parallel_loop3A_125 = arith.mulf %parallel_loop3A_122, %parallel_loop3A_124 : vector<16xf32>
      %parallel_loop3A_126 = arith.fptosi %parallel_loop3A_125 : vector<16xf32> to vector<16xi32>
      %parallel_loop3A_127 = tpu.vector_load_idx %arg6[%parallel_loop3A_126] : memref<256xf32, #tpu.memory_space<vmem>>[vector<16xi32>], vector<16xf32>,
      %parallel_loop3A_128 = arith.index_cast %parallel_loop3A_97 : i32 to index
      %parallel_loop3A_129 = arith.constant 32 : index
      %parallel_loop3A_130 = tpu.vector_load %arg9[%parallel_loop3A_128, %parallel_loop3A_129] {strides = array<i32>} : memref<200x128xf32, #tpu.memory_space<vmem>>, vector<16xf32>,
      tpu.vector_store %arg9[%parallel_loop3A_128, %parallel_loop3A_129], %parallel_loop3A_127 {strides = array<i32>} : memref<200x128xf32, #tpu.memory_space<vmem>>, vector<16xf32>,
      %parallel_loop3A_131 = arith.index_cast %parallel_loop3A_97 : i32 to index
      %parallel_loop3A_132 = arith.constant 48 : index
      %parallel_loop3A_133 = tpu.vector_load %arg7[%parallel_loop3A_131, %parallel_loop3A_132] {strides = array<i32>} : memref<200x128xf32, #tpu.memory_space<vmem>>, vector<16xf32>,
      %parallel_loop3A_134 = arith.constant 2.550000e+02 : f32
      %parallel_loop3A_135 = vector.broadcast %parallel_loop3A_134 : f32 to vector<16xf32>
      %parallel_loop3A_136 = arith.mulf %parallel_loop3A_133, %parallel_loop3A_135 : vector<16xf32>
      %parallel_loop3A_137 = arith.fptosi %parallel_loop3A_136 : vector<16xf32> to vector<16xi32>
      %parallel_loop3A_138 = tpu.vector_load_idx %arg6[%parallel_loop3A_137] : memref<256xf32, #tpu.memory_space<vmem>>[vector<16xi32>], vector<16xf32>,
      %parallel_loop3A_139 = arith.index_cast %parallel_loop3A_97 : i32 to index
      %parallel_loop3A_140 = arith.constant 48 : index
      %parallel_loop3A_141 = tpu.vector_load %arg9[%parallel_loop3A_139, %parallel_loop3A_140] {strides = array<i32>} : memref<200x128xf32, #tpu.memory_space<vmem>>, vector<16xf32>,
      tpu.vector_store %arg9[%parallel_loop3A_139, %parallel_loop3A_140], %parallel_loop3A_138 {strides = array<i32>} : memref<200x128xf32, #tpu.memory_space<vmem>>, vector<16xf32>,
      %parallel_loop3A_142 = arith.index_cast %parallel_loop3A_97 : i32 to index
      %parallel_loop3A_143 = arith.constant 64 : index
      %parallel_loop3A_144 = tpu.vector_load %arg7[%parallel_loop3A_142, %parallel_loop3A_143] {strides = array<i32>} : memref<200x128xf32, #tpu.memory_space<vmem>>, vector<16xf32>,
      %parallel_loop3A_145 = arith.constant 2.550000e+02 : f32
      %parallel_loop3A_146 = vector.broadcast %parallel_loop3A_145 : f32 to vector<16xf32>
      %parallel_loop3A_147 = arith.mulf %parallel_loop3A_144, %parallel_loop3A_146 : vector<16xf32>
      %parallel_loop3A_148 = arith.fptosi %parallel_loop3A_147 : vector<16xf32> to vector<16xi32>
      %parallel_loop3A_149 = tpu.vector_load_idx %arg6[%parallel_loop3A_148] : memref<256xf32, #tpu.memory_space<vmem>>[vector<16xi32>], vector<16xf32>,
      %parallel_loop3A_150 = arith.index_cast %parallel_loop3A_97 : i32 to index
      %parallel_loop3A_151 = arith.constant 64 : index
      %parallel_loop3A_152 = tpu.vector_load %arg9[%parallel_loop3A_150, %parallel_loop3A_151] {strides = array<i32>} : memref<200x128xf32, #tpu.memory_space<vmem>>, vector<16xf32>,
      tpu.vector_store %arg9[%parallel_loop3A_150, %parallel_loop3A_151], %parallel_loop3A_149 {strides = array<i32>} : memref<200x128xf32, #tpu.memory_space<vmem>>, vector<16xf32>,
      %parallel_loop3A_153 = arith.index_cast %parallel_loop3A_97 : i32 to index
      %parallel_loop3A_154 = arith.constant 80 : index
      %parallel_loop3A_155 = tpu.vector_load %arg7[%parallel_loop3A_153, %parallel_loop3A_154] {strides = array<i32>} : memref<200x128xf32, #tpu.memory_space<vmem>>, vector<16xf32>,
      %parallel_loop3A_156 = arith.constant 2.550000e+02 : f32
      %parallel_loop3A_157 = vector.broadcast %parallel_loop3A_156 : f32 to vector<16xf32>
      %parallel_loop3A_158 = arith.mulf %parallel_loop3A_155, %parallel_loop3A_157 : vector<16xf32>
      %parallel_loop3A_159 = arith.fptosi %parallel_loop3A_158 : vector<16xf32> to vector<16xi32>
      %parallel_loop3A_160 = tpu.vector_load_idx %arg6[%parallel_loop3A_159] : memref<256xf32, #tpu.memory_space<vmem>>[vector<16xi32>], vector<16xf32>,
      %parallel_loop3A_161 = arith.index_cast %parallel_loop3A_97 : i32 to index
      %parallel_loop3A_162 = arith.constant 80 : index
      %parallel_loop3A_163 = tpu.vector_load %arg9[%parallel_loop3A_161, %parallel_loop3A_162] {strides = array<i32>} : memref<200x128xf32, #tpu.memory_space<vmem>>, vector<16xf32>,
      tpu.vector_store %arg9[%parallel_loop3A_161, %parallel_loop3A_162], %parallel_loop3A_160 {strides = array<i32>} : memref<200x128xf32, #tpu.memory_space<vmem>>, vector<16xf32>,
      %parallel_loop3A_164 = arith.index_cast %parallel_loop3A_97 : i32 to index
      %parallel_loop3A_165 = arith.constant 96 : index
      %parallel_loop3A_166 = tpu.vector_load %arg7[%parallel_loop3A_164, %parallel_loop3A_165] {strides = array<i32>} : memref<200x128xf32, #tpu.memory_space<vmem>>, vector<16xf32>,
      %parallel_loop3A_167 = arith.constant 2.550000e+02 : f32
      %parallel_loop3A_168 = vector.broadcast %parallel_loop3A_167 : f32 to vector<16xf32>
      %parallel_loop3A_169 = arith.mulf %parallel_loop3A_166, %parallel_loop3A_168 : vector<16xf32>
      %parallel_loop3A_170 = arith.fptosi %parallel_loop3A_169 : vector<16xf32> to vector<16xi32>
      %parallel_loop3A_171 = tpu.vector_load_idx %arg6[%parallel_loop3A_170] : memref<256xf32, #tpu.memory_space<vmem>>[vector<16xi32>], vector<16xf32>,
      %parallel_loop3A_172 = arith.index_cast %parallel_loop3A_97 : i32 to index
      %parallel_loop3A_173 = arith.constant 96 : index
      %parallel_loop3A_174 = tpu.vector_load %arg9[%parallel_loop3A_172, %parallel_loop3A_173] {strides = array<i32>} : memref<200x128xf32, #tpu.memory_space<vmem>>, vector<16xf32>,
      tpu.vector_store %arg9[%parallel_loop3A_172, %parallel_loop3A_173], %parallel_loop3A_171 {strides = array<i32>} : memref<200x128xf32, #tpu.memory_space<vmem>>, vector<16xf32>,
      %parallel_loop3A_175 = arith.index_cast %parallel_loop3A_97 : i32 to index
      %parallel_loop3A_176 = arith.constant 112 : index
      %parallel_loop3A_177 = tpu.vector_load %arg7[%parallel_loop3A_175, %parallel_loop3A_176] {strides = array<i32>} : memref<200x128xf32, #tpu.memory_space<vmem>>, vector<16xf32>,
      %parallel_loop3A_178 = arith.constant 2.550000e+02 : f32
      %parallel_loop3A_179 = vector.broadcast %parallel_loop3A_178 : f32 to vector<16xf32>
      %parallel_loop3A_180 = arith.mulf %parallel_loop3A_177, %parallel_loop3A_179 : vector<16xf32>
      %parallel_loop3A_181 = arith.fptosi %parallel_loop3A_180 : vector<16xf32> to vector<16xi32>
      %parallel_loop3A_182 = tpu.vector_load_idx %arg6[%parallel_loop3A_181] : memref<256xf32, #tpu.memory_space<vmem>>[vector<16xi32>], vector<16xf32>,
      %parallel_loop3A_183 = arith.index_cast %parallel_loop3A_97 : i32 to index
      %parallel_loop3A_184 = arith.constant 112 : index
      %parallel_loop3A_185 = tpu.vector_load %arg9[%parallel_loop3A_183, %parallel_loop3A_184] {strides = array<i32>} : memref<200x128xf32, #tpu.memory_space<vmem>>, vector<16xf32>,
      tpu.vector_store %arg9[%parallel_loop3A_183, %parallel_loop3A_184], %parallel_loop3A_182 {strides = array<i32>} : memref<200x128xf32, #tpu.memory_space<vmem>>, vector<16xf32>,
    } {sc.loop_unroll_factor = 4 : i64, sc.parallel_access}
    %add3A_66 = arith.constant 256 : i32
    %add3A_67 = arith.addi %mul3A_4, %add3A_66 : i32
    %dma_start3A_68 = arith.constant 0 : i32
    %dma_start3A_69 = tpu.memref_slice %arg4[%dma_start3A_68, %add3A_67] : memref<200x16384xf32, #tpu.memory_space<hbm>> -> memref<200x128xf32, #tpu.memory_space<hbm>>
    %dma_start3A_70 = arith.constant 0 : i32
    %dma_start3A_71 = tpu.memref_slice %arg4[%dma_start3A_70, %add3A_67] : memref<200x16384xf32, #tpu.memory_space<hbm>> -> memref<200x128xf32, #tpu.memory_space<hbm>>
    tpu.enqueue_dma source(%arg9 : memref<200x128xf32, #tpu.memory_space<vmem>>) target(%dma_start3A_71 : memref<200x128xf32, #tpu.memory_space<hbm>>) target_semaphore(%arg17 : memref<!tpu.dma_semaphore, #tpu.memory_space<semaphore_mem>>)
    %dma_wait3A_72 = arith.constant 0 : i32
    %dma_wait3A_73 = tpu.memref_slice %arg2[%dma_wait3A_72, %add3A_50] : memref<200x16384xf32, #tpu.memory_space<hbm>> -> memref<200x128xf32, #tpu.memory_space<hbm>>
    %dma_wait3A_74 = arith.constant 0 : i32
    %dma_wait3A_75 = tpu.memref_slice %arg2[%dma_wait3A_74, %add3A_50] : memref<200x16384xf32, #tpu.memory_space<hbm>> -> memref<200x128xf32, #tpu.memory_space<hbm>>
    tpu.wait_dma2 semaphore(%arg14 : memref<!tpu.dma_semaphore, #tpu.memory_space<semaphore_mem>>) src(%dma_wait3A_75 : memref<200x128xf32, #tpu.memory_space<hbm>>) dst(%arg8 : memref<200x128xf32, #tpu.memory_space<vmem>>)
    %dma_wait3A_76 = arith.constant 0 : i32
    %dma_wait3A_77 = tpu.memref_slice %arg4[%dma_wait3A_76, %add3A_44] : memref<200x16384xf32, #tpu.memory_space<hbm>> -> memref<200x128xf32, #tpu.memory_space<hbm>>
    %dma_wait3A_78 = arith.constant 0 : i32
    %dma_wait3A_79 = tpu.memref_slice %arg4[%dma_wait3A_78, %add3A_44] : memref<200x16384xf32, #tpu.memory_space<hbm>> -> memref<200x128xf32, #tpu.memory_space<hbm>>
    tpu.wait_dma2 semaphore(%arg16 : memref<!tpu.dma_semaphore, #tpu.memory_space<semaphore_mem>>) src(%arg10 : memref<200x128xf32, #tpu.memory_space<vmem>>) dst(%dma_wait3A_79 : memref<200x128xf32, #tpu.memory_space<hbm>>)
    %parallel_loop3A_80 = arith.constant 0 : i32
    %parallel_loop3A_81 = arith.constant 200 : i32
    %parallel_loop3A_82 = arith.constant 1 : i32
    scf.for %parallel_loop3A_97 = %parallel_loop3A_80 to %parallel_loop3A_81 step %parallel_loop3A_82  : i32 {
      %parallel_loop3A_98 = arith.index_cast %parallel_loop3A_97 : i32 to index
      %parallel_loop3A_99 = arith.constant 0 : index
      %parallel_loop3A_100 = tpu.vector_load %arg8[%parallel_loop3A_98, %parallel_loop3A_99] {strides = array<i32>} : memref<200x128xf32, #tpu.memory_space<vmem>>, vector<16xf32>,
      %parallel_loop3A_101 = arith.constant 2.550000e+02 : f32
      %parallel_loop3A_102 = vector.broadcast %parallel_loop3A_101 : f32 to vector<16xf32>
      %parallel_loop3A_103 = arith.mulf %parallel_loop3A_100, %parallel_loop3A_102 : vector<16xf32>
      %parallel_loop3A_104 = arith.fptosi %parallel_loop3A_103 : vector<16xf32> to vector<16xi32>
      %parallel_loop3A_105 = tpu.vector_load_idx %arg6[%parallel_loop3A_104] : memref<256xf32, #tpu.memory_space<vmem>>[vector<16xi32>], vector<16xf32>,
      %parallel_loop3A_106 = arith.index_cast %parallel_loop3A_97 : i32 to index
      %parallel_loop3A_107 = arith.constant 0 : index
      %parallel_loop3A_108 = tpu.vector_load %arg10[%parallel_loop3A_106, %parallel_loop3A_107] {strides = array<i32>} : memref<200x128xf32, #tpu.memory_space<vmem>>, vector<16xf32>,
      tpu.vector_store %arg10[%parallel_loop3A_106, %parallel_loop3A_107], %parallel_loop3A_105 {strides = array<i32>} : memref<200x128xf32, #tpu.memory_space<vmem>>, vector<16xf32>,
      %parallel_loop3A_109 = arith.index_cast %parallel_loop3A_97 : i32 to index
      %parallel_loop3A_110 = arith.constant 16 : index
      %parallel_loop3A_111 = tpu.vector_load %arg8[%parallel_loop3A_109, %parallel_loop3A_110] {strides = array<i32>} : memref<200x128xf32, #tpu.memory_space<vmem>>, vector<16xf32>,
      %parallel_loop3A_112 = arith.constant 2.550000e+02 : f32
      %parallel_loop3A_113 = vector.broadcast %parallel_loop3A_112 : f32 to vector<16xf32>
      %parallel_loop3A_114 = arith.mulf %parallel_loop3A_111, %parallel_loop3A_113 : vector<16xf32>
      %parallel_loop3A_115 = arith.fptosi %parallel_loop3A_114 : vector<16xf32> to vector<16xi32>
      %parallel_loop3A_116 = tpu.vector_load_idx %arg6[%parallel_loop3A_115] : memref<256xf32, #tpu.memory_space<vmem>>[vector<16xi32>], vector<16xf32>,
      %parallel_loop3A_117 = arith.index_cast %parallel_loop3A_97 : i32 to index
      %parallel_loop3A_118 = arith.constant 16 : index
      %parallel_loop3A_119 = tpu.vector_load %arg10[%parallel_loop3A_117, %parallel_loop3A_118] {strides = array<i32>} : memref<200x128xf32, #tpu.memory_space<vmem>>, vector<16xf32>,
      tpu.vector_store %arg10[%parallel_loop3A_117, %parallel_loop3A_118], %parallel_loop3A_116 {strides = array<i32>} : memref<200x128xf32, #tpu.memory_space<vmem>>, vector<16xf32>,
      %parallel_loop3A_120 = arith.index_cast %parallel_loop3A_97 : i32 to index
      %parallel_loop3A_121 = arith.constant 32 : index
      %parallel_loop3A_122 = tpu.vector_load %arg8[%parallel_loop3A_120, %parallel_loop3A_121] {strides = array<i32>} : memref<200x128xf32, #tpu.memory_space<vmem>>, vector<16xf32>,
      %parallel_loop3A_123 = arith.constant 2.550000e+02 : f32
      %parallel_loop3A_124 = vector.broadcast %parallel_loop3A_123 : f32 to vector<16xf32>
      %parallel_loop3A_125 = arith.mulf %parallel_loop3A_122, %parallel_loop3A_124 : vector<16xf32>
      %parallel_loop3A_126 = arith.fptosi %parallel_loop3A_125 : vector<16xf32> to vector<16xi32>
      %parallel_loop3A_127 = tpu.vector_load_idx %arg6[%parallel_loop3A_126] : memref<256xf32, #tpu.memory_space<vmem>>[vector<16xi32>], vector<16xf32>,
      %parallel_loop3A_128 = arith.index_cast %parallel_loop3A_97 : i32 to index
      %parallel_loop3A_129 = arith.constant 32 : index
      %parallel_loop3A_130 = tpu.vector_load %arg10[%parallel_loop3A_128, %parallel_loop3A_129] {strides = array<i32>} : memref<200x128xf32, #tpu.memory_space<vmem>>, vector<16xf32>,
      tpu.vector_store %arg10[%parallel_loop3A_128, %parallel_loop3A_129], %parallel_loop3A_127 {strides = array<i32>} : memref<200x128xf32, #tpu.memory_space<vmem>>, vector<16xf32>,
      %parallel_loop3A_131 = arith.index_cast %parallel_loop3A_97 : i32 to index
      %parallel_loop3A_132 = arith.constant 48 : index
      %parallel_loop3A_133 = tpu.vector_load %arg8[%parallel_loop3A_131, %parallel_loop3A_132] {strides = array<i32>} : memref<200x128xf32, #tpu.memory_space<vmem>>, vector<16xf32>,
      %parallel_loop3A_134 = arith.constant 2.550000e+02 : f32
      %parallel_loop3A_135 = vector.broadcast %parallel_loop3A_134 : f32 to vector<16xf32>
      %parallel_loop3A_136 = arith.mulf %parallel_loop3A_133, %parallel_loop3A_135 : vector<16xf32>
      %parallel_loop3A_137 = arith.fptosi %parallel_loop3A_136 : vector<16xf32> to vector<16xi32>
      %parallel_loop3A_138 = tpu.vector_load_idx %arg6[%parallel_loop3A_137] : memref<256xf32, #tpu.memory_space<vmem>>[vector<16xi32>], vector<16xf32>,
      %parallel_loop3A_139 = arith.index_cast %parallel_loop3A_97 : i32 to index
      %parallel_loop3A_140 = arith.constant 48 : index
      %parallel_loop3A_141 = tpu.vector_load %arg10[%parallel_loop3A_139, %parallel_loop3A_140] {strides = array<i32>} : memref<200x128xf32, #tpu.memory_space<vmem>>, vector<16xf32>,
      tpu.vector_store %arg10[%parallel_loop3A_139, %parallel_loop3A_140], %parallel_loop3A_138 {strides = array<i32>} : memref<200x128xf32, #tpu.memory_space<vmem>>, vector<16xf32>,
      %parallel_loop3A_142 = arith.index_cast %parallel_loop3A_97 : i32 to index
      %parallel_loop3A_143 = arith.constant 64 : index
      %parallel_loop3A_144 = tpu.vector_load %arg8[%parallel_loop3A_142, %parallel_loop3A_143] {strides = array<i32>} : memref<200x128xf32, #tpu.memory_space<vmem>>, vector<16xf32>,
      %parallel_loop3A_145 = arith.constant 2.550000e+02 : f32
      %parallel_loop3A_146 = vector.broadcast %parallel_loop3A_145 : f32 to vector<16xf32>
      %parallel_loop3A_147 = arith.mulf %parallel_loop3A_144, %parallel_loop3A_146 : vector<16xf32>
      %parallel_loop3A_148 = arith.fptosi %parallel_loop3A_147 : vector<16xf32> to vector<16xi32>
      %parallel_loop3A_149 = tpu.vector_load_idx %arg6[%parallel_loop3A_148] : memref<256xf32, #tpu.memory_space<vmem>>[vector<16xi32>], vector<16xf32>,
      %parallel_loop3A_150 = arith.index_cast %parallel_loop3A_97 : i32 to index
      %parallel_loop3A_151 = arith.constant 64 : index
      %parallel_loop3A_152 = tpu.vector_load %arg10[%parallel_loop3A_150, %parallel_loop3A_151] {strides = array<i32>} : memref<200x128xf32, #tpu.memory_space<vmem>>, vector<16xf32>,
      tpu.vector_store %arg10[%parallel_loop3A_150, %parallel_loop3A_151], %parallel_loop3A_149 {strides = array<i32>} : memref<200x128xf32, #tpu.memory_space<vmem>>, vector<16xf32>,
      %parallel_loop3A_153 = arith.index_cast %parallel_loop3A_97 : i32 to index
      %parallel_loop3A_154 = arith.constant 80 : index
      %parallel_loop3A_155 = tpu.vector_load %arg8[%parallel_loop3A_153, %parallel_loop3A_154] {strides = array<i32>} : memref<200x128xf32, #tpu.memory_space<vmem>>, vector<16xf32>,
      %parallel_loop3A_156 = arith.constant 2.550000e+02 : f32
      %parallel_loop3A_157 = vector.broadcast %parallel_loop3A_156 : f32 to vector<16xf32>
      %parallel_loop3A_158 = arith.mulf %parallel_loop3A_155, %parallel_loop3A_157 : vector<16xf32>
      %parallel_loop3A_159 = arith.fptosi %parallel_loop3A_158 : vector<16xf32> to vector<16xi32>
      %parallel_loop3A_160 = tpu.vector_load_idx %arg6[%parallel_loop3A_159] : memref<256xf32, #tpu.memory_space<vmem>>[vector<16xi32>], vector<16xf32>,
      %parallel_loop3A_161 = arith.index_cast %parallel_loop3A_97 : i32 to index
      %parallel_loop3A_162 = arith.constant 80 : index
      %parallel_loop3A_163 = tpu.vector_load %arg10[%parallel_loop3A_161, %parallel_loop3A_162] {strides = array<i32>} : memref<200x128xf32, #tpu.memory_space<vmem>>, vector<16xf32>,
      tpu.vector_store %arg10[%parallel_loop3A_161, %parallel_loop3A_162], %parallel_loop3A_160 {strides = array<i32>} : memref<200x128xf32, #tpu.memory_space<vmem>>, vector<16xf32>,
      %parallel_loop3A_164 = arith.index_cast %parallel_loop3A_97 : i32 to index
      %parallel_loop3A_165 = arith.constant 96 : index
      %parallel_loop3A_166 = tpu.vector_load %arg8[%parallel_loop3A_164, %parallel_loop3A_165] {strides = array<i32>} : memref<200x128xf32, #tpu.memory_space<vmem>>, vector<16xf32>,
      %parallel_loop3A_167 = arith.constant 2.550000e+02 : f32
      %parallel_loop3A_168 = vector.broadcast %parallel_loop3A_167 : f32 to vector<16xf32>
      %parallel_loop3A_169 = arith.mulf %parallel_loop3A_166, %parallel_loop3A_168 : vector<16xf32>
      %parallel_loop3A_170 = arith.fptosi %parallel_loop3A_169 : vector<16xf32> to vector<16xi32>
      %parallel_loop3A_171 = tpu.vector_load_idx %arg6[%parallel_loop3A_170] : memref<256xf32, #tpu.memory_space<vmem>>[vector<16xi32>], vector<16xf32>,
      %parallel_loop3A_172 = arith.index_cast %parallel_loop3A_97 : i32 to index
      %parallel_loop3A_173 = arith.constant 96 : index
      %parallel_loop3A_174 = tpu.vector_load %arg10[%parallel_loop3A_172, %parallel_loop3A_173] {strides = array<i32>} : memref<200x128xf32, #tpu.memory_space<vmem>>, vector<16xf32>,
      tpu.vector_store %arg10[%parallel_loop3A_172, %parallel_loop3A_173], %parallel_loop3A_171 {strides = array<i32>} : memref<200x128xf32, #tpu.memory_space<vmem>>, vector<16xf32>,
      %parallel_loop3A_175 = arith.index_cast %parallel_loop3A_97 : i32 to index
      %parallel_loop3A_176 = arith.constant 112 : index
      %parallel_loop3A_177 = tpu.vector_load %arg8[%parallel_loop3A_175, %parallel_loop3A_176] {strides = array<i32>} : memref<200x128xf32, #tpu.memory_space<vmem>>, vector<16xf32>,
      %parallel_loop3A_178 = arith.constant 2.550000e+02 : f32
      %parallel_loop3A_179 = vector.broadcast %parallel_loop3A_178 : f32 to vector<16xf32>
      %parallel_loop3A_180 = arith.mulf %parallel_loop3A_177, %parallel_loop3A_179 : vector<16xf32>
      %parallel_loop3A_181 = arith.fptosi %parallel_loop3A_180 : vector<16xf32> to vector<16xi32>
      %parallel_loop3A_182 = tpu.vector_load_idx %arg6[%parallel_loop3A_181] : memref<256xf32, #tpu.memory_space<vmem>>[vector<16xi32>], vector<16xf32>,
      %parallel_loop3A_183 = arith.index_cast %parallel_loop3A_97 : i32 to index
      %parallel_loop3A_184 = arith.constant 112 : index
      %parallel_loop3A_185 = tpu.vector_load %arg10[%parallel_loop3A_183, %parallel_loop3A_184] {strides = array<i32>} : memref<200x128xf32, #tpu.memory_space<vmem>>, vector<16xf32>,
      tpu.vector_store %arg10[%parallel_loop3A_183, %parallel_loop3A_184], %parallel_loop3A_182 {strides = array<i32>} : memref<200x128xf32, #tpu.memory_space<vmem>>, vector<16xf32>,
    } {sc.loop_unroll_factor = 4 : i64, sc.parallel_access}
    %add3A_83 = arith.constant 384 : i32
    %add3A_84 = arith.addi %mul3A_4, %add3A_83 : i32
    %dma_start3A_85 = arith.constant 0 : i32
    %dma_start3A_86 = tpu.memref_slice %arg4[%dma_start3A_85, %add3A_84] : memref<200x16384xf32, #tpu.memory_space<hbm>> -> memref<200x128xf32, #tpu.memory_space<hbm>>
    %dma_start3A_87 = arith.constant 0 : i32
    %dma_start3A_88 = tpu.memref_slice %arg4[%dma_start3A_87, %add3A_84] : memref<200x16384xf32, #tpu.memory_space<hbm>> -> memref<200x128xf32, #tpu.memory_space<hbm>>
    tpu.enqueue_dma source(%arg10 : memref<200x128xf32, #tpu.memory_space<vmem>>) target(%dma_start3A_88 : memref<200x128xf32, #tpu.memory_space<hbm>>) target_semaphore(%arg18 : memref<!tpu.dma_semaphore, #tpu.memory_space<semaphore_mem>>)
    %dma_wait3A_89 = arith.constant 0 : i32
    %dma_wait3A_90 = tpu.memref_slice %arg4[%dma_wait3A_89, %add3A_67] : memref<200x16384xf32, #tpu.memory_space<hbm>> -> memref<200x128xf32, #tpu.memory_space<hbm>>
    %dma_wait3A_91 = arith.constant 0 : i32
    %dma_wait3A_92 = tpu.memref_slice %arg4[%dma_wait3A_91, %add3A_67] : memref<200x16384xf32, #tpu.memory_space<hbm>> -> memref<200x128xf32, #tpu.memory_space<hbm>>
    tpu.wait_dma2 semaphore(%arg17 : memref<!tpu.dma_semaphore, #tpu.memory_space<semaphore_mem>>) src(%arg9 : memref<200x128xf32, #tpu.memory_space<vmem>>) dst(%dma_wait3A_92 : memref<200x128xf32, #tpu.memory_space<hbm>>)
    %dma_wait3A_93 = arith.constant 0 : i32
    %dma_wait3A_94 = tpu.memref_slice %arg4[%dma_wait3A_93, %add3A_84] : memref<200x16384xf32, #tpu.memory_space<hbm>> -> memref<200x128xf32, #tpu.memory_space<hbm>>
    %dma_wait3A_95 = arith.constant 0 : i32
    %dma_wait3A_96 = tpu.memref_slice %arg4[%dma_wait3A_95, %add3A_84] : memref<200x16384xf32, #tpu.memory_space<hbm>> -> memref<200x128xf32, #tpu.memory_space<hbm>>
    tpu.wait_dma2 semaphore(%arg18 : memref<!tpu.dma_semaphore, #tpu.memory_space<semaphore_mem>>) src(%arg10 : memref<200x128xf32, #tpu.memory_space<vmem>>) dst(%dma_wait3A_96 : memref<200x128xf32, #tpu.memory_space<hbm>>)
    return
  }
}

</mosaic_0001>

<sc_bundles>
// kernel: kernel.3.cloned.1.call-start
scs
__scs_entry_jumppad:
0x0: {  	(pc) =	sbr.rel $0x88, $3  }
0x1: {  	(tag) =	ssettag $0x0;
	lr =	simm.s32 $0x1  }
0x2: {  	[smem:$0x3F9F] =	sst lr;
	_ =	strace $0xD0000000  }
0x3: {  	_ = 	snop  }
0x4: {  	_ = 	snop  }
0x5: {  	_ = 	snop  }
0x6: {  	_ = 	snop  }
0x7: {  	_ = 	snop  }
__scs_overlays_trampoline_lowered:
0x8: {  	[smem:$0x3FAE] =	sst s0  }
0x9: {  	[smem:$0x3FAF] =	sst s1  }
0xa: {  	[smem:$0x3FB0] =	sst s2  }
0xb: {  	[smem:$0x3FB1] =	sst s3  }
0xc: {  	[smem:$0x3FB2] =	sst s4  }
0xd: {  	[smem:$0x3FB3] =	sst s5  }
0xe: {  	[smem:$0x3FB4] =	sst s6  }
0xf: {  	[smem:$0x3FB5] =	sst s7  }
0x10: {  	[smem:$0x3FB6] =	sst s8  }
0x11: {  	[smem:$0x3FB7] =	sst s9;
	s0 =	simm.s32 @!p0 $0x0  }
0x12: {  	s1 =	sld [smem:$0x3F9D];
	s0 =	simm.s32 @p0 $0x1  }
0x13: {  	[smem:$0x3FB8] =	sst s0;
	s0 =	simm.s32 @!p1 $0x0  }
0x14: {  	s2 =	sld [smem:$0x3F9C];
	s0 =	simm.s32 @p1 $0x1  }
0x15: {  	[smem:$0x3FB9] =	sst s0;
	s0 =	simm.s32 @!p2 $0x0  }
0x16: {  	s3 =	sld [smem:$0x3FDB];
	s0 =	simm.s32 @p2 $0x1  }
0x17: {  	s4 =	simm.s32 $0x1BF5;
	[smem:$0x3FBB] =	sst s0  }
0x18: {  	s0 =	sld [smem:$0x3F9E];
	_ =	swait.ge [sflag:s4], $0x0  }
0x19: {  	s7 =	sld [smem:$0x3F9F]  }
0x1a: {  	s8 =	sadd.s32 $0xFFFFE003, lr  }
0x1b: {  	s9 =	sadd.s32 $0xFFFFFEF7, lr;
	s5 =	simm.s32 $0xFFFFFFFF;
	p2 =	slt.u32 s8, $0xFFFFF086  }
0x1c: {  	p1 =	slt.u32 s9, $0xF7A;
	s5 =	simm.s32 @!p2 $0x0  }
0x1d: {  	s5 =	simm.s32 @p1 $0x1;
	p0 =	seq.s32 s7, s2  }
0x1e: {  	s7 =	smul.u32 @!p0 $0xF7A, s2;
	p2 =	seq.s32 @!p0 s5, $0x0  }
0x1f: {  	s9 =	smul.u32 $0xF7A, s1;
	s8 =	simm.s32 @!p0 $0x1BF5;
	p2 =	por !p2, p0  }
0x20: {  	[sflag:s8] =	ssyncset.s32 @!p0 $0xFFFFF086;
	s6 =	sadd.s32 @!p0 s3, s7;
	s7 =	simm.s32 @!p0 $0x108  }
0x21: {  	s3 =	sadd.s32 s3, s9;
	s6 =	sadd.s32 @!p0 $0x88, s6;
	s7 =	simm.s32 @p2 $0x1082  }
0x22: {  	[simem:s7], [sflag:s8] =	dma.local @!p0 [hbm:s6], $0xF7A  }
0x23: {  	s9 =	sor.u32 $0xD0000000, s2;
	s6 =	simm.s32 $0x108;
	_ =	swait.ge @!p0 [sflag:s8], $0x0  }
0x24: {  	s3 =	sadd.s32 $0x88, s3;
	s6 =	simm.s32 @!p1 $0x1082;
	[sflag:s4] =	ssyncset.s32 $0xFFFFF086  }
0x25: {  	[simem:s6], [sflag:s4] =	dma.local [hbm:s3], $0xF7A  }
0x26: {  	[smem:$0x3F9F] =	sst s1;
	(tag) =	ssettag s2;
	_ =	strace s9  }
0x27: {  	s1 =	sld [smem:$0x3FAF]  }
0x28: {  	s2 =	sld [smem:$0x3FB0]  }
0x29: {  	s4 =	sld [smem:$0x3FB2]  }
0x2a: {  	p0 =	seq.s32 s5, $0x0;
	s5 =	sld [smem:$0x3FB3]  }
0x2b: {  	s6 =	sld [smem:$0x3FB4]  }
0x2c: {  	s7 =	sld [smem:$0x3FB5]  }
0x2d: {  	s3 =	simm.s32 $0x108;
	s8 =	sld [smem:$0x3FB6]  }
0x2e: {  	s3 =	simm.s32 @!p0 $0x1082;
	s9 =	sld [smem:$0x3FB7]  }
0x2f: {  	lr =	sadd.s32 s0, s3;
	s0 =	sld [smem:$0x3FAE]  }
0x30: {  	s3 =	sld [smem:$0x3FB1]  }
0x31: {  	[smem:$0x3FBA] =	sst s10  }
0x32: {  	s10 =	sld [smem:$0x3FB8];
	_ =	sdelay $0x3  }
0x33: {  	p0 =	seq.s32 s10, $0x1;
	s10 =	sld [smem:$0x3FBA];
	_ =	sdelay $0x3  }
0x34: {  	[smem:$0x3FBA] =	sst s10  }
0x35: {  	s10 =	sld [smem:$0x3FB9];
	_ =	sdelay $0x3  }
0x36: {  	p1 =	seq.s32 s10, $0x1;
	s10 =	sld [smem:$0x3FBA];
	_ =	sdelay $0x3  }
0x37: {  	[smem:$0x3FBA] =	sst s10  }
0x38: {  	s10 =	sld [smem:$0x3FBB]  }
0x39: {  	_ = 	snop;
	(pc) =	sbr.ind lr, $3  }
0x3a: {  	_ = 	snop  }
0x3b: {  	_ = 	snop  }
0x3c: {  	p2 =	seq.s32 s10, $0x1;
	s10 =	sld [smem:$0x3FBA]  }
0x3d: {  	_ =	shalt  }
0x3e: {  	_ =	shalt  }
0x3f: {  	_ =	shalt  }
0x40: {  	_ =	shalt  }
0x41: {  	_ =	shalt  }
0x42: {  	_ =	shalt  }
0x43: {  	_ =	shalt  }
0x44: {  	_ =	shalt  }
0x45: {  	_ =	shalt  }
0x46: {  	_ =	shalt  }
0x47: {  	_ =	shalt  }
0x48: {  	_ =	shalt  }
0x49: {  	_ =	shalt  }
0x4a: {  	_ =	shalt  }
0x4b: {  	_ =	shalt  }
0x4c: {  	_ =	shalt  }
0x4d: {  	_ =	shalt  }
0x4e: {  	_ =	shalt  }
0x4f: {  	_ =	shalt  }
0x50: {  	_ =	shalt  }
0x51: {  	_ =	shalt  }
0x52: {  	_ =	shalt  }
0x53: {  	_ =	shalt  }
0x54: {  	_ =	shalt  }
0x55: {  	_ =	shalt  }
0x56: {  	_ =	shalt  }
0x57: {  	_ =	shalt  }
0x58: {  	_ =	shalt  }
0x59: {  	_ =	shalt  }
0x5a: {  	_ =	shalt  }
0x5b: {  	_ =	shalt  }
0x5c: {  	_ =	shalt  }
0x5d: {  	_ =	shalt  }
0x5e: {  	_ =	shalt  }
0x5f: {  	_ =	shalt  }
0x60: {  	_ =	shalt  }
0x61: {  	_ =	shalt  }
0x62: {  	_ =	shalt  }
0x63: {  	_ =	shalt  }
0x64: {  	_ =	shalt  }
0x65: {  	_ =	shalt  }
0x66: {  	_ =	shalt  }
0x67: {  	_ =	shalt  }
0x68: {  	_ =	shalt  }
0x69: {  	_ =	shalt  }
0x6a: {  	_ =	shalt  }
0x6b: {  	_ =	shalt  }
0x6c: {  	_ =	shalt  }
0x6d: {  	_ =	shalt  }
0x6e: {  	_ =	shalt  }
0x6f: {  	_ =	shalt  }
0x70: {  	_ =	shalt  }
0x71: {  	_ =	shalt  }
0x72: {  	_ =	shalt  }
0x73: {  	_ =	shalt  }
0x74: {  	_ =	shalt  }
0x75: {  	_ =	shalt  }
0x76: {  	_ =	shalt  }
0x77: {  	_ =	shalt  }
0x78: {  	_ =	shalt  }
0x79: {  	_ =	shalt  }
0x7a: {  	_ =	shalt  }
0x7b: {  	_ =	shalt  }
0x7c: {  	_ =	shalt  }
0x7d: {  	_ =	shalt  }
0x7e: {  	_ =	shalt  }
0x7f: {  	_ =	shalt  }
0x80: {  	_ =	shalt  }
0x81: {  	_ =	shalt  }
0x82: {  	_ =	shalt  }
0x83: {  	_ =	shalt  }
0x84: {  	_ =	shalt  }
0x85: {  	_ =	shalt  }
0x86: {  	_ =	shalt  }
0x87: {  	_ =	shalt  }
.Lfunc_end0:
.L_simem_size_0:
called_computation_lowered:
.L_overlay_start_0:
0x88: {  	s2 =	sld [smem:$0x3FD9]  }
0x89: {  	s3 =	sld [smem:$0x3FFE];
	_ =	sdelay $0x1  }
0x8a: {  	s1 =	srdreg.scid  }
0x8b: {  	s0 =	sand.u32 $0x1, s1  }
0x8c: {  	s18 =	sshll.u32 s0, $0xA;
	s2 =	sadd.s32 s3, s2  }
0x8d: {  	s2 =	sadd.s32 s2, s18  }
0x8e: {  	[smem:$0x3FC6] =	sst s2  }
0x8f: {  	_ = 	snop  }
0x90: {  	s2 =	sld [smem:$0x3FC9]  }
0x91: {  	s19 =	sld [smem:$0x3FC8]  }
0x92: {  	s4 =	sld [smem:$0x3FD0];
	(tm) =	ssettm $0x1  }
0x93: {  	s5 =	sld [smem:$0x3FFB];
	_ =	sdelay $0x3  }
0x94: {  	_ =	strace s5  }
0x95: {  	s5 =	sld [smem:$0x3FFC];
	_ =	sdelay $0x3  }
0x96: {  	_ =	strace s5  }
0x97: {  	s5 =	sld [smem:$0x3FFD];
	_ =	sdelay $0x3  }
0x98: {  	_ =	strace s5  }
0x99: {  	_ =	strace $0x8FFFFFFF  }
0x9a: {  	s20 =	sld [smem:$0x3FDB];
	_ =	sdelay $0x1  }
0x9b: {  	s6 =	simm.s32 $_scs_section_size  }
0x9c: {  	s7 =	simm.s32 $_size__tile_overlayer_lowered;
	s8 =	simm.s32 $_tile_overlayer_lowered  }
0x9d: {  	s23 =	simm.s32 $0x1BFF;
	s22 =	sshll.u32 s8, $0x1;
	s5 =	sadd.s32 s6, s20  }
0x9e: {  	s9 =	simm.s32 $0x0;
	s21 =	sshll.u32 s7, $0x1;
	s7 =	sadd.s32 s22, s5  }
0x9f: {  	[timem:s9], [sflag:s23] =	dma.local [hbm:s7], s21  }
0xa0: {  	_ =	swait.ge [sflag:s23], s21  }
0xa1: {  	s6 =	ssub.s32 $0x0, s21;
	[sflag:s23] =	ssyncset.done $0x0  }
0xa2: {  	[sflag:s23] =	ssyncadd.s32 s6;
	_ =	sdelay $0x1  }
0xa3: {  	s24 =	simm.s32 $0x1B8B  }
0xa4: {  	_ =	swait.ge [sflag:s24], $0x1  }
0xa5: {  	[sflag:s24] =	ssyncset.done $0x0  }
0xa6: {  	s25 =	simm.s32 $0x1B8E;
	[sflag:s24] =	ssyncadd.s32 $0xFFFFFFFF  }
0xa7: {  	s26 =	simm.s32 $execute0_lowered;
	[smem:$0x3FD2] =	sst s25  }
0xa8: {  	s6 =	sshll.u32 s26, $0x1;
	_ =	strace $0x80000046;
	[dreg:$0x1] =	wrdreg $0xFFFFFFFF  }
0xa9: {  	s28 =	simm.s32 $_size_execute0_lowered;
	s5 =	sadd.s32 s5, s6;
	[dreg:$0x0] =	wrdreg $0x0  }
0xaa: {  	s6 =	sshll.u32 s28, $0x1;
	[dreg:$0x2] =	wrdreg s5  }
0xab: {  	[dreg:$0x3] =	wrdreg s6  }
0xac: {  	[dreg:$0x4] =	wrdreg $0xC0  }
0xad: {  	_ =	task [dreg:s9], $0x5FFFF  }
0xae: {  	[dreg:$0x1] =	wrdreg $0xFFFFFFFF  }
0xaf: {  	[dreg:$0x0] =	wrdreg $0x60  }
0xb0: {  	[dreg:$0x2] =	wrdreg s2  }
0xb1: {  	[dreg:$0x3] =	wrdreg s19  }
0xb2: {  	[dreg:$0x4] =	wrdreg s4  }
0xb3: {  	[dreg:$0x5] =	wrdreg $0x9  }
0xb4: {  	_ =	task.clear_ibuf [dreg:s9], $0x6FFFF;
	_ =	strace $0x90000046  }
0xb5: {  	s29 =	simm.s32 $0x9;
	_ =	strace $0x80000048  }
0xb6: {  	_ =	swait.ge [sflag:s29], $0x1  }
0xb7: {  	[sflag:s29] =	ssyncadd.s32 $0xFFFFFFFF  }
0xb8: {  	_ =	strace $0x90000048  }
0xb9: {  	_ =	sfence  }
0xba: {  	s30 =	sld [smem:$0x0];
	_ =	sdelay $0x2  }
0xbb: {  	s31 =	sshll.u32 s1, $0xD;
	s1 =	sshrl.u32 s1, $0x2  }
0xbc: {  	s3 =	sand.u32 $0x4000, s31;
	s1 =	sadd.s32 s1, s30  }
0xbd: {  	s0 =	sor.u32 s3, s0;
	s1 =	sshll.u32 s1, $0x11  }
0xbe: {  	s0 =	sor.u32 s1, s0  }
0xbf: {  	s0 =	sadd.s32 $0x8F2B, s0  }
0xc0: {  	[sflag:s0] =	ssyncadd.remote.s32 $0x1  }
0xc1: {  	_ =	sfence.sel $0xFFFF  }
0xc2: {  	[dreg:$0x0] =	wrdreg $0xFFFFFFFF;
	(pc) =	sbr.abs _section_cstart, $3  }
0xc3: {  	[dreg:$0x1] =	wrdreg $0xFFFFFFFF  }
0xc4: {  	_ =	task.clear_ibuf [dreg:s9], $0x2FFFF;
	_ =	strace $0x9FFFFFFF  }
0xc5: {  	(tm) =	ssettm $0x7FFFFFFF  }
tec
execute0_lowered:
.L_overlay_start_1:
0x0: {  	(tag) =	ssettag $0x1  }
0x1: {  	s0 =	rddreg [dreg:$0x0]  }
0x2: {  	s1 =	rddreg [dreg:$0x2];
	s3 =	simm.s32 $0x0  }
0x3: {  	s2 =	srdreg.scid;
	s5 =	stileid.u32;
	s13 =	simm.s32 $0x400  }
0x4: {  	s14 =	simm.s32 $0x20000;
	s17 =	simm.s32 $0x9;
	s18 =	simm.s32 $0x1  }
0x5: {  	s19 =	simm.s32 $0x100;
	s21 =	simm.s32 $0x2;
	s23 =	simm.s32 $0x3  }
0x6: {  	s24 =	simm.s32 $0x5;
	s25 =	simm.s32 $0x4;
	s26 =	simm.s32 $0x6  }
0x7: {  	s28 =	simm.s32 $0x7;
	s29 =	simm.s32 $0x8;
	s2 =	sand.u32 $0x1, s2  }
0x8: {  	s30 =	simm.s32 $0x0;
	[smem:$0x7FF] =	sst s3;
	s4 =	ssub.s32 $0x2, s2  }
0x9: {  	s5 =	sshll.u32 s5, $0xA;
	s2 =	sshll.u32 s2, $0x9;
	s6 =	sshrl.u32 s4, $0x1  }
0xa: {  	_ =	strace $0x80000047;
	s2 =	sor.u32 s2, s5;
	s12 =	ssub.s32 s4, s6  }
0xb: {  	s4 =	sadd.s32 s0, s2;
	s8 =	sor.u32 $0x80, s2;
	s6 =	sadd.s32 s1, s2  }
0xc: {  	s10 =	sor.u32 $0x100, s2;
	s2 =	sor.u32 $0x180, s2;
	s5 =	sadd.s32 s0, s8  }
0xd: {  	s7 =	sadd.s32 s0, s10;
	s8 =	sadd.s32 s1, s8;
	s9 =	sadd.s32 s0, s2  }
0xe: {  	v0 =	vlaneseq.u32;
	s10 =	sadd.s32 s1, s10;
	s11 =	sadd.s32 s1, s2;
	s12 =	smax.u32 s12, $0x1  }
.LBB2_1:
0xf: {  	s0 =	simm.s32 $0x200  }
0x10: {  	[tilespmem:s0], [sflag:$0x1] =	stream.strided.gather [hbm4b:s4+s13], $0x6400, s14, s13, $0x38;
	[tilespmem:$0x19200] =	vst v63  }
0x11: {  	s16 =	simm.s32 $0x6600;
	s20 =	simm.s32 $0x0  }
0x12: {  	[tilespmem:s16], [sflag:$0x2] =	stream.strided.gather [hbm4b:s5+s13], $0x6400, s14, s13, $0x38;
	[tilespmem:$0x19200] =	vst v63  }
0x13: {  	s22 =	rddreg [dreg:$0x1];
	v1 =	vor.u32 s20, v0  }
0x14: {  	[tilespmem:s3], [sflag:$0x9] =	stream.linear.gather [hbm4b:s22+s3], $0x100, $0x38;
	[tilespmem:$0x19200] =	vst v63  }
0x15: {  	_ =	swait.ge [sflag:s17], $0x100  }
0x16: {  	[sflag:s17] =	ssyncset.done $0x0  }
0x17: {  	s31 =	simm.s32 $0x10;
	v2 =	vcvt.s32.f32 v1;
	[sflag:s17] =	ssyncadd.s32 $0xFFFFFF00  }
0x18: {  	v3 =	vor.u32 s31, v0;
	v5 =	vld.idx.msk [tilespmem:v1+s3+$0x0], $0xffff  }
0x19: {  	s0 =	simm.s32 $0x20;
	v2 =	vadd.f32 $5.000000000e-01, v2  }
0x1a: {  	v4 =	vcvt.s32.f32 v3;
	v1 =	vor.u32 s0, v0  }
0x1b: {  	v7 =	vmul.f32 $3.906250000e-03, v2;
	v6 =	vcvt.s32.f32 v1;
	_ =	sdelay $0x1  }
0x1c: {  	s1 =	simm.s32 $0x100;
	v2 =	vadd.f32 $5.000000000e-01, v4;
	v3 =	vld.idx.msk [tilespmem:v3+s3+$0x0], $0xffff;
	v4 =	vadd.f32 $5.000000000e-01, v6;
	v5 =	vmul.f32 v5, v7  }
.LBB2_2:
0x1d: {  	s0 =	sadd.s32 $0x10, s0  }
0x1e: {  	p0 =	slt.u32 s0, $0xF0  }
.Ltmp0:
0x1f: {  	[tilespmem:s1+$0x0] =	vst v5;
	s1 =	sadd.s32 $0x10, s1;
	(pc) =	sbr.rel @p0 .LBB2_2-.Ltmp0, $3  }
0x20: {  	v6 =	vor.u32 s0, v0  }
0x21: {  	v7 =	vmul.f32 $3.906250000e-03, v2;
	v2 =	vmov v4;
	v5 =	vcvt.s32.f32 v6;
	_ =	sdelay $0x1  }
0x22: {  	v4 =	vadd.f32 $5.000000000e-01, v5;
	v5 =	vmul.f32 v3, v7;
	v3 =	vld.idx.msk [tilespmem:v1+s3+$0x0], $0xffff;
	v1 =	vmov v6  }
0x23: {  	_ =	sdelay $0x3  }
0x24: {  	v1 =	vld.idx.msk [tilespmem:v1+s3+$0x0], $0xffff;
	_ =	sdelay $0x1  }
0x25: {  	v2 =	vmul.f32 $3.906250000e-03, v2  }
0x26: {  	v4 =	vmul.f32 $3.906250000e-03, v4  }
0x27: {  	v2 =	vmul.f32 v3, v2  }
0x28: {  	s0 =	sadd.s32 $0x10, s1;
	[tilespmem:s1+$0x0] =	vst v5;
	v1 =	vmul.f32 v1, v4  }
0x29: {  	[tilespmem:s0+$0x0] =	vst v2;
	s0 =	sadd.s32 $0x10, s0  }
0x2a: {  	[tilespmem:s0+$0x0] =	vst v1  }
0x2b: {  	_ =	swait.ge [sflag:s18], $0x6400  }
0x2c: {  	[sflag:s18] =	ssyncset.done $0x0  }
0x2d: {  	s15 =	simm.s32 $0x300;
	[sflag:s18] =	ssyncadd.s32 $0xFFFF9C00  }
0x2e: {  	v1 =	vld [tilespmem:s15+$0x80];
	_ =	sdelay $0x4  }
0x2f: {  	v1 =	vmul.f32 $2.550000000e+02, v1;
	_ =	sdelay $0x1  }
0x30: {  	v1 =	vtrunc.f32 v1  }
0x31: {  	v1 =	vcvt.f32.s32 v1;
	_ =	sdelay $0x3  }
0x32: {  	v2 =	vld [tilespmem:s15+$0xFFFFFF00]  }
0x33: {  	v3 =	vld [tilespmem:s15+$0xFFFFFF80]  }
0x34: {  	v1 =	vld.idx.msk [tilespmem:v1+s19+$0x0], $0xffff;
	_ =	sdelay $0x2  }
0x35: {  	v4 =	vld [tilespmem:s15+$0x0];
	v2 =	vmul.f32 $2.550000000e+02, v2  }
0x36: {  	s31 =	simm.s32 $0xCB00;
	v3 =	vmul.f32 $2.550000000e+02, v3  }
0x37: {  	v2 =	vtrunc.f32 v2;
	[tilespmem:s31+$0x80] =	vst v1  }
0x38: {  	v2 =	vcvt.f32.s32 v2;
	v1 =	vtrunc.f32 v3;
	v3 =	vld [tilespmem:s15+$0x90]  }
0x39: {  	v1 =	vcvt.f32.s32 v1  }
0x3a: {  	v4 =	vmul.f32 $2.550000000e+02, v4;
	_ =	sdelay $0x1  }
0x3b: {  	v4 =	vtrunc.f32 v4  }
0x3c: {  	v4 =	vcvt.f32.s32 v4;
	v3 =	vmul.f32 $2.550000000e+02, v3  }
0x3d: {  	v2 =	vld.idx.msk [tilespmem:v2+s19+$0x0], $0xffff  }
0x3e: {  	v1 =	vld.idx.msk [tilespmem:v1+s19+$0x0], $0xffff;
	v3 =	vtrunc.f32 v3  }
0x3f: {  	v3 =	vcvt.f32.s32 v3;
	_ =	sdelay $0x2  }
0x40: {  	v4 =	vld.idx.msk [tilespmem:v4+s19+$0x0], $0xffff;
	[tilespmem:s31+$0xFFFFFF00] =	vst v2  }
0x41: {  	v2 =	vld [tilespmem:s15+$0xFFFFFF10];
	[tilespmem:s31+$0xFFFFFF80] =	vst v1  }
0x42: {  	v1 =	vld [tilespmem:s15+$0xFFFFFF90]  }
0x43: {  	v3 =	vld.idx.msk [tilespmem:v3+s19+$0x0], $0xffff;
	_ =	sdelay $0x1  }
0x44: {  	[tilespmem:s31+$0x0] =	vst v4  }
0x45: {  	v4 =	vld [tilespmem:s15+$0x10];
	v2 =	vmul.f32 $2.550000000e+02, v2  }
0x46: {  	v1 =	vmul.f32 $2.550000000e+02, v1  }
0x47: {  	v2 =	vtrunc.f32 v2;
	[tilespmem:s31+$0x90] =	vst v3  }
0x48: {  	v2 =	vcvt.f32.s32 v2;
	v1 =	vtrunc.f32 v1;
	v3 =	vld [tilespmem:s15+$0xA0]  }
0x49: {  	v1 =	vcvt.f32.s32 v1  }
0x4a: {  	v4 =	vmul.f32 $2.550000000e+02, v4;
	_ =	sdelay $0x1  }
0x4b: {  	v4 =	vtrunc.f32 v4  }
0x4c: {  	v4 =	vcvt.f32.s32 v4;
	v3 =	vmul.f32 $2.550000000e+02, v3  }
0x4d: {  	v2 =	vld.idx.msk [tilespmem:v2+s19+$0x0], $0xffff  }
0x4e: {  	v1 =	vld.idx.msk [tilespmem:v1+s19+$0x0], $0xffff;
	v3 =	vtrunc.f32 v3  }
0x4f: {  	v3 =	vcvt.f32.s32 v3;
	_ =	sdelay $0x2  }
0x50: {  	v4 =	vld.idx.msk [tilespmem:v4+s19+$0x0], $0xffff;
	[tilespmem:s31+$0xFFFFFF10] =	vst v2  }
0x51: {  	v2 =	vld [tilespmem:s15+$0xFFFFFF20];
	[tilespmem:s31+$0xFFFFFF90] =	vst v1  }
0x52: {  	v1 =	vld [tilespmem:s15+$0xFFFFFFA0]  }
0x53: {  	v3 =	vld.idx.msk [tilespmem:v3+s19+$0x0], $0xffff;
	_ =	sdelay $0x1  }
0x54: {  	[tilespmem:s31+$0x10] =	vst v4  }
0x55: {  	v4 =	vld [tilespmem:s15+$0x20];
	v2 =	vmul.f32 $2.550000000e+02, v2;
	_ =	sdelay $0x1  }
0x56: {  	v2 =	vtrunc.f32 v2;
	v1 =	vmul.f32 $2.550000000e+02, v1;
	[tilespmem:s31+$0xA0] =	vst v3  }
0x57: {  	s2 =	simm.s32 $0x500;
	v2 =	vcvt.f32.s32 v2;
	v3 =	vld [tilespmem:s15+$0xB0]  }
0x58: {  	v5 =	vld [tilespmem:s2+$0x80];
	v1 =	vtrunc.f32 v1  }
0x59: {  	v4 =	vmul.f32 $2.550000000e+02, v4;
	v1 =	vcvt.f32.s32 v1;
	_ =	sdelay $0x1  }
0x5a: {  	v4 =	vtrunc.f32 v4  }
0x5b: {  	v4 =	vcvt.f32.s32 v4;
	v3 =	vmul.f32 $2.550000000e+02, v3  }
0x5c: {  	v5 =	vmul.f32 $2.550000000e+02, v5;
	v2 =	vld.idx.msk [tilespmem:v2+s19+$0x0], $0xffff  }
0x5d: {  	v6 =	vld [tilespmem:s2+$0xFFFFFF00];
	v3 =	vtrunc.f32 v3  }
0x5e: {  	v5 =	vtrunc.f32 v5;
	v1 =	vld.idx.msk [tilespmem:v1+s19+$0x0], $0xffff;
	v3 =	vcvt.f32.s32 v3  }
0x5f: {  	v7 =	vld [tilespmem:s2+$0xFFFFFF80];
	v5 =	vcvt.f32.s32 v5  }
0x60: {  	v8 =	vld [tilespmem:s2+$0x0]  }
0x61: {  	[tilespmem:s31+$0xFFFFFF20] =	vst v2;
	v2 =	vld.idx.msk [tilespmem:v4+s19+$0x0], $0xffff;
	_ =	sdelay $0x1  }
0x62: {  	v4 =	vld [tilespmem:s15+$0xFFFFFF30];
	[tilespmem:s31+$0xFFFFFFA0] =	vst v1;
	v1 =	vmul.f32 $2.550000000e+02, v6  }
0x63: {  	v7 =	vmul.f32 $2.550000000e+02, v7;
	v3 =	vld.idx.msk [tilespmem:v3+s19+$0x0], $0xffff  }
0x64: {  	v8 =	vmul.f32 $2.550000000e+02, v8;
	v5 =	vld.idx.msk [tilespmem:v5+s19+$0x0], $0xffff;
	v1 =	vtrunc.f32 v1  }
0x65: {  	v7 =	vtrunc.f32 v7;
	[tilespmem:s31+$0x20] =	vst v2;
	v6 =	vld [tilespmem:s15+$0xFFFFFFB0];
	v1 =	vcvt.f32.s32 v1  }
0x66: {  	v8 =	vtrunc.f32 v8;
	v2 =	vcvt.f32.s32 v7;
	v7 =	vld [tilespmem:s15+$0x30]  }
0x67: {  	v8 =	vcvt.f32.s32 v8;
	v4 =	vmul.f32 $2.550000000e+02, v4  }
0x68: {  	s0 =	simm.s32 $0xCD00;
	[tilespmem:s31+$0xB0] =	vst v3  }
0x69: {  	[tilespmem:s0+$0x80] =	vst v5;
	v3 =	vtrunc.f32 v4;
	v5 =	vld [tilespmem:s15+$0xC0]  }
0x6a: {  	v4 =	vmul.f32 $2.550000000e+02, v6;
	v6 =	vld [tilespmem:s2+$0x90];
	v3 =	vcvt.f32.s32 v3  }
0x6b: {  	v7 =	vmul.f32 $2.550000000e+02, v7;
	v1 =	vld.idx.msk [tilespmem:v1+s19+$0x0], $0xffff  }
0x6c: {  	v2 =	vld.idx.msk [tilespmem:v2+s19+$0x0], $0xffff  }
0x6d: {  	v8 =	vld.idx.msk [tilespmem:v8+s19+$0x0], $0xffff;
	v7 =	vtrunc.f32 v7;
	v4 =	vtrunc.f32 v4  }
0x6e: {  	v4 =	vcvt.f32.s32 v4;
	v5 =	vmul.f32 $2.550000000e+02, v5  }
0x6f: {  	v7 =	vcvt.f32.s32 v7;
	v6 =	vmul.f32 $2.550000000e+02, v6  }
0x70: {  	[tilespmem:s0+$0xFFFFFF00] =	vst v1;
	v1 =	vld.idx.msk [tilespmem:v3+s19+$0x0], $0xffff;
	v3 =	vtrunc.f32 v5  }
0x71: {  	[tilespmem:s0+$0xFFFFFF80] =	vst v2;
	v6 =	vtrunc.f32 v6;
	v5 =	vld [tilespmem:s2+$0xFFFFFF10];
	v3 =	vcvt.f32.s32 v3  }
0x72: {  	[tilespmem:s0+$0x0] =	vst v8;
	v2 =	vcvt.f32.s32 v6;
	v6 =	vld [tilespmem:s2+$0xFFFFFF90]  }
0x73: {  	v8 =	vld [tilespmem:s2+$0x10]  }
0x74: {  	v4 =	vld.idx.msk [tilespmem:v4+s19+$0x0], $0xffff  }
0x75: {  	[tilespmem:s31+$0xFFFFFF30] =	vst v1;
	v1 =	vld.idx.msk [tilespmem:v7+s19+$0x0], $0xffff  }
0x76: {  	v5 =	vmul.f32 $2.550000000e+02, v5;
	v7 =	vld [tilespmem:s15+$0xFFFFFF40]  }
0x77: {  	v6 =	vmul.f32 $2.550000000e+02, v6;
	v3 =	vld.idx.msk [tilespmem:v3+s19+$0x0], $0xffff  }
0x78: {  	v2 =	vld.idx.msk [tilespmem:v2+s19+$0x0], $0xffff;
	v5 =	vtrunc.f32 v5  }
0x79: {  	[tilespmem:s31+$0xFFFFFFB0] =	vst v4;
	v6 =	vtrunc.f32 v6;
	v4 =	vcvt.f32.s32 v5  }
0x7a: {  	v5 =	vmul.f32 $2.550000000e+02, v8;
	v8 =	vld [tilespmem:s15+$0xFFFFFFC0];
	v6 =	vcvt.f32.s32 v6  }
0x7b: {  	[tilespmem:s31+$0x30] =	vst v1  }
0x7c: {  	v1 =	vtrunc.f32 v5;
	v5 =	vld [tilespmem:s15+$0x40];
	[tilespmem:s31+$0xC0] =	vst v3  }
0x7d: {  	v1 =	vcvt.f32.s32 v1;
	[tilespmem:s0+$0x90] =	vst v2;
	v3 =	vmul.f32 $2.550000000e+02, v7;
	v2 =	vld [tilespmem:s15+$0xD0]  }
0x7e: {  	v7 =	vld [tilespmem:s2+$0xA0]  }
0x7f: {  	v8 =	vmul.f32 $2.550000000e+02, v8;
	v4 =	vld.idx.msk [tilespmem:v4+s19+$0x0], $0xffff;
	v3 =	vtrunc.f32 v3  }
0x80: {  	v6 =	vld.idx.msk [tilespmem:v6+s19+$0x0], $0xffff;
	v3 =	vcvt.f32.s32 v3  }
0x81: {  	v8 =	vtrunc.f32 v8;
	v5 =	vmul.f32 $2.550000000e+02, v5  }
0x82: {  	v8 =	vcvt.f32.s32 v8;
	v2 =	vmul.f32 $2.550000000e+02, v2  }
0x83: {  	v1 =	vld.idx.msk [tilespmem:v1+s19+$0x0], $0xffff;
	v5 =	vtrunc.f32 v5;
	v7 =	vmul.f32 $2.550000000e+02, v7  }
0x84: {  	[tilespmem:s0+$0xFFFFFF10] =	vst v4;
	v4 =	vcvt.f32.s32 v5;
	v2 =	vtrunc.f32 v2  }
0x85: {  	v7 =	vtrunc.f32 v7;
	[tilespmem:s0+$0xFFFFFF90] =	vst v6;
	v5 =	vld [tilespmem:s2+$0xFFFFFF20];
	v2 =	vcvt.f32.s32 v2  }
0x86: {  	v6 =	vcvt.f32.s32 v7;
	v7 =	vld [tilespmem:s2+$0xFFFFFFA0]  }
0x87: {  	v3 =	vld.idx.msk [tilespmem:v3+s19+$0x0], $0xffff  }
0x88: {  	s1 =	simm.s32 $0x700;
	[tilespmem:s0+$0x10] =	vst v1;
	v1 =	vld.idx.msk [tilespmem:v8+s19+$0x0], $0xffff  }
0x89: {  	v10 =	vld [tilespmem:s1+$0xFFFFFF80]  }
0x8a: {  	v8 =	vld [tilespmem:s2+$0x20]  }
0x8b: {  	v5 =	vmul.f32 $2.550000000e+02, v5;
	v2 =	vld.idx.msk [tilespmem:v2+s19+$0x0], $0xffff  }
0x8c: {  	v7 =	vmul.f32 $2.550000000e+02, v7;
	[tilespmem:s31+$0xFFFFFF40] =	vst v3;
	v3 =	vld.idx.msk [tilespmem:v6+s19+$0x0], $0xffff  }
0x8d: {  	v9 =	vld [tilespmem:s1+$0x80];
	[tilespmem:s31+$0xFFFFFFC0] =	vst v1;
	v1 =	vtrunc.f32 v5  }
0x8e: {  	v6 =	vld [tilespmem:s15+$0xFFFFFF50];
	v7 =	vtrunc.f32 v7;
	v1 =	vcvt.f32.s32 v1  }
0x8f: {  	v11 =	vld [tilespmem:s1+$0xFFFFFF00];
	v10 =	vmul.f32 $2.550000000e+02, v10;
	v7 =	vcvt.f32.s32 v7  }
0x90: {  	v5 =	vld [tilespmem:s15+$0xFFFFFFD0];
	[tilespmem:s31+$0xD0] =	vst v2  }
0x91: {  	v10 =	vtrunc.f32 v10;
	[tilespmem:s0+$0xA0] =	vst v3;
	v2 =	vmul.f32 $2.550000000e+02, v8;
	v3 =	vld [tilespmem:s15+$0xE0]  }
0x92: {  	v9 =	vmul.f32 $2.550000000e+02, v9;
	v10 =	vcvt.f32.s32 v10;
	v8 =	vld [tilespmem:s2+$0xB0]  }
0x93: {  	v4 =	vld.idx.msk [tilespmem:v4+s19+$0x0], $0xffff;
	v6 =	vmul.f32 $2.550000000e+02, v6;
	v2 =	vtrunc.f32 v2  }
0x94: {  	v11 =	vmul.f32 $2.550000000e+02, v11;
	v1 =	vld.idx.msk [tilespmem:v1+s19+$0x0], $0xffff;
	v2 =	vcvt.f32.s32 v2  }
0x95: {  	v5 =	vmul.f32 $2.550000000e+02, v5;
	v6 =	vtrunc.f32 v6;
	v7 =	vld.idx.msk [tilespmem:v7+s19+$0x0], $0xffff  }
0x96: {  	v6 =	vcvt.f32.s32 v6;
	v3 =	vmul.f32 $2.550000000e+02, v3  }
0x97: {  	v12 =	vld [tilespmem:s1+$0x0];
	v5 =	vtrunc.f32 v5;
	v8 =	vmul.f32 $2.550000000e+02, v8  }
0x98: {  	v10 =	vld.idx.msk [tilespmem:v10+s19+$0x0], $0xffff;
	[tilespmem:s31+$0x40] =	vst v4;
	v5 =	vcvt.f32.s32 v5;
	v3 =	vtrunc.f32 v3  }
0x99: {  	v4 =	vld [tilespmem:s15+$0x50];
	v8 =	vtrunc.f32 v8;
	[tilespmem:s0+$0xFFFFFF20] =	vst v1;
	v3 =	vcvt.f32.s32 v3  }
0x9a: {  	[tilespmem:s0+$0xFFFFFFA0] =	vst v7;
	v8 =	vcvt.f32.s32 v8;
	v1 =	vld.idx.msk [tilespmem:v2+s19+$0x0], $0xffff;
	v2 =	vtrunc.f32 v9  }
0x9b: {  	v7 =	vtrunc.f32 v11;
	v11 =	vld [tilespmem:s2+$0xFFFFFFB0];
	v2 =	vcvt.f32.s32 v2  }
0x9c: {  	v7 =	vcvt.f32.s32 v7;
	v9 =	vld [tilespmem:s2+$0xFFFFFF30]  }
0x9d: {  	v6 =	vld.idx.msk [tilespmem:v6+s19+$0x0], $0xffff  }
0x9e: {  	v4 =	vmul.f32 $2.550000000e+02, v4;
	v5 =	vld.idx.msk [tilespmem:v5+s19+$0x0], $0xffff  }
0x9f: {  	v3 =	vld.idx.msk [tilespmem:v3+s19+$0x0], $0xffff  }
0xa0: {  	v12 =	vmul.f32 $2.550000000e+02, v12;
	v4 =	vtrunc.f32 v4;
	v8 =	vld.idx.msk [tilespmem:v8+s19+$0x0], $0xffff  }
0xa1: {  	v4 =	vcvt.f32.s32 v4;
	[tilespmem:s0+$0x20] =	vst v1;
	v1 =	vld.idx.msk [tilespmem:v2+s19+$0x0], $0xffff  }
0xa2: {  	v9 =	vmul.f32 $2.550000000e+02, v9;
	v7 =	vld.idx.msk [tilespmem:v7+s19+$0x0], $0xffff;
	v2 =	vtrunc.f32 v12  }
0xa3: {  	[tilespmem:s31+$0xFFFFFF50] =	vst v6;
	v60 =	vld [tilespmem:s2+$0x30];
	v2 =	vcvt.f32.s32 v2  }
0xa4: {  	v6 =	vtrunc.f32 v9;
	v9 =	vmul.f32 $2.550000000e+02, v11;
	v11 =	vld [tilespmem:s15+$0xFFFFFF60];
	[tilespmem:s31+$0xE0] =	vst v3  }
0xa5: {  	s16 =	simm.s32 $0xCF00;
	[tilespmem:s0+$0xB0] =	vst v8;
	v8 =	vld [tilespmem:s15+$0xF0]  }
0xa6: {  	v6 =	vcvt.f32.s32 v6;
	v3 =	vtrunc.f32 v9;
	[tilespmem:s16+$0x80] =	vst v1;
	v1 =	vld [tilespmem:s2+$0xC0]  }
0xa7: {  	v3 =	vcvt.f32.s32 v3;
	v61 =	vld [tilespmem:s1+$0x90]  }
0xa8: {  	v4 =	vld.idx.msk [tilespmem:v4+s19+$0x0], $0xffff;
	v9 =	vmul.f32 $2.550000000e+02, v60  }
0xa9: {  	[tilespmem:s31+$0xFFFFFFD0] =	vst v5;
	v11 =	vmul.f32 $2.550000000e+02, v11;
	v2 =	vld.idx.msk [tilespmem:v2+s19+$0x0], $0xffff  }
0xaa: {  	v62 =	vld [tilespmem:s15+$0xFFFFFFE0];
	[tilespmem:s16+$0xFFFFFF00] =	vst v7;
	v9 =	vtrunc.f32 v9;
	v7 =	vmul.f32 $2.550000000e+02, v8  }
0xab: {  	v8 =	vcvt.f32.s32 v9;
	v9 =	vld [tilespmem:s1+$0xFFFFFF10];
	v1 =	vmul.f32 $2.550000000e+02, v1  }
0xac: {  	v6 =	vld.idx.msk [tilespmem:v6+s19+$0x0], $0xffff;
	v5 =	vmul.f32 $2.550000000e+02, v61;
	v7 =	vtrunc.f32 v7  }
0xad: {  	[tilespmem:s16+$0xFFFFFF80] =	vst v10;
	v3 =	vld.idx.msk [tilespmem:v3+s19+$0x0], $0xffff;
	v1 =	vtrunc.f32 v1;
	v7 =	vcvt.f32.s32 v7  }
0xae: {  	v10 =	vld [tilespmem:s1+$0xFFFFFF90];
	[tilespmem:s16+$0x0] =	vst v2;
	v5 =	vtrunc.f32 v5;
	v1 =	vcvt.f32.s32 v1  }
0xaf: {  	[tilespmem:s31+$0x50] =	vst v4;
	v12 =	vmul.f32 $2.550000000e+02, v62;
	v4 =	vld [tilespmem:s1+$0x10];
	v2 =	vcvt.f32.s32 v5  }
0xb0: {  	v5 =	vtrunc.f32 v11;
	v11 =	vld [tilespmem:s15+$0x60];
	v9 =	vmul.f32 $2.550000000e+02, v9  }
0xb1: {  	[tilespmem:s0+$0xFFFFFF30] =	vst v6;
	v5 =	vcvt.f32.s32 v5;
	v6 =	vld.idx.msk [tilespmem:v8+s19+$0x0], $0xffff  }
0xb2: {  	[tilespmem:s0+$0xFFFFFFB0] =	vst v3;
	v3 =	vtrunc.f32 v12;
	v8 =	vtrunc.f32 v9;
	v9 =	vld [tilespmem:s2+$0xFFFFFF40]  }
0xb3: {  	v3 =	vcvt.f32.s32 v3;
	v8 =	vcvt.f32.s32 v8;
	v13 =	vld.idx.msk [tilespmem:v7+s19+$0x0], $0xffff  }
0xb4: {  	v4 =	vmul.f32 $2.550000000e+02, v4;
	v7 =	vmul.f32 $2.550000000e+02, v10;
	v1 =	vld.idx.msk [tilespmem:v1+s19+$0x0], $0xffff  }
0xb5: {  	v10 =	vld [tilespmem:s2+$0xFFFFFFC0]  }
0xb6: {  	v2 =	vld.idx.msk [tilespmem:v2+s19+$0x0], $0xffff;
	v4 =	vtrunc.f32 v4;
	v7 =	vtrunc.f32 v7  }
0xb7: {  	[tilespmem:s0+$0x30] =	vst v6;
	v5 =	vld.idx.msk [tilespmem:v5+s19+$0x0], $0xffff;
	v4 =	vcvt.f32.s32 v4;
	v7 =	vcvt.f32.s32 v7  }
0xb8: {  	v6 =	vmul.f32 $2.550000000e+02, v9;
	v9 =	vmul.f32 $2.550000000e+02, v11;
	v11 =	vld [tilespmem:s2+$0x40]  }
0xb9: {  	v8 =	vld.idx.msk [tilespmem:v8+s19+$0x0], $0xffff  }
0xba: {  	v3 =	vld.idx.msk [tilespmem:v3+s19+$0x0], $0xffff;
	v6 =	vtrunc.f32 v6;
	[tilespmem:s0+$0xC0] =	vst v1;
	v1 =	vtrunc.f32 v9  }
0xbb: {  	v9 =	vmul.f32 $2.550000000e+02, v10;
	[tilespmem:s16+$0x90] =	vst v2;
	v2 =	vcvt.f32.s32 v6;
	v6 =	vld [tilespmem:s2+$0xD0]  }
0xbc: {  	v1 =	vcvt.f32.s32 v1;
	v10 =	vld [tilespmem:s1+$0xA0]  }
0xbd: {  	v9 =	vtrunc.f32 v9;
	v11 =	vmul.f32 $2.550000000e+02, v11;
	v4 =	vld.idx.msk [tilespmem:v4+s19+$0x0], $0xffff  }
0xbe: {  	v9 =	vcvt.f32.s32 v9;
	v7 =	vld.idx.msk [tilespmem:v7+s19+$0x0], $0xffff;
	[tilespmem:s16+$0xFFFFFF10] =	vst v8  }
0xbf: {  	[tilespmem:s31+$0xFFFFFFE0] =	vst v3;
	v8 =	vtrunc.f32 v11;
	v11 =	vld [tilespmem:s1+$0xFFFFFF20]  }
0xc0: {  	v63 =	vld [tilespmem:s15+$0xFFFFFFF0];
	v6 =	vmul.f32 $2.550000000e+02, v6  }
0xc1: {  	v8 =	vcvt.f32.s32 v8;
	v10 =	vmul.f32 $2.550000000e+02, v10;
	v2 =	vld.idx.msk [tilespmem:v2+s19+$0x0], $0xffff  }
0xc2: {  	[tilespmem:s31+$0xFFFFFF60] =	vst v5;
	v1 =	vld.idx.msk [tilespmem:v1+s19+$0x0], $0xffff;
	v5 =	vtrunc.f32 v6  }
0xc3: {  	[tilespmem:s16+$0xFFFFFF90] =	vst v7;
	v6 =	vtrunc.f32 v10;
	v5 =	vcvt.f32.s32 v5;
	v7 =	vld [tilespmem:s15+$0xFFFFFF70]  }
0xc4: {  	[tilespmem:s16+$0x10] =	vst v4;
	v9 =	vld.idx.msk [tilespmem:v9+s19+$0x0], $0xffff;
	v4 =	vcvt.f32.s32 v6;
	v6 =	vmul.f32 $2.550000000e+02, v11  }
0xc5: {  	v10 =	vld [tilespmem:s1+$0xFFFFFFA0]  }
0xc6: {  	v11 =	vld [tilespmem:s1+$0x20];
	v6 =	vtrunc.f32 v6  }
0xc7: {  	[tilespmem:s0+$0xFFFFFF40] =	vst v2;
	v2 =	vld.idx.msk [tilespmem:v8+s19+$0x0], $0xffff;
	v6 =	vcvt.f32.s32 v6  }
0xc8: {  	v8 =	vld [tilespmem:s2+$0xFFFFFF50]  }
0xc9: {  	v3 =	vmul.f32 $2.550000000e+02, v7;
	v5 =	vld.idx.msk [tilespmem:v5+s19+$0x0], $0xffff  }
0xca: {  	[tilespmem:s31+$0x60] =	vst v1;
	v1 =	vmul.f32 $2.550000000e+02, v10;
	v4 =	vld.idx.msk [tilespmem:v4+s19+$0x0], $0xffff  }
0xcb: {  	v14 =	vld [tilespmem:s15+$0x70];
	[tilespmem:s0+$0xFFFFFFC0] =	vst v9;
	v11 =	vmul.f32 $2.550000000e+02, v11;
	v3 =	vtrunc.f32 v3  }
0xcc: {  	v7 =	vld [tilespmem:s2+$0xFFFFFFD0];
	v9 =	vtrunc.f32 v1;
	v1 =	vcvt.f32.s32 v3  }
0xcd: {  	[tilespmem:s0+$0x40] =	vst v2;
	v15 =	vmul.f32 $2.550000000e+02, v8;
	v2 =	vtrunc.f32 v11;
	v10 =	vld.idx.msk [tilespmem:v6+s19+$0x0], $0xffff  }
0xce: {  	v8 =	vcvt.f32.s32 v9;
	v9 =	vcvt.f32.s32 v2;
	v6 =	vld [tilespmem:s2+$0x50];
	[tilespmem:s0+$0xD0] =	vst v5  }
0xcf: {  	v2 =	vmul.f32 $2.550000000e+02, v63;
	v3 =	vtrunc.f32 v15;
	[tilespmem:s16+$0xA0] =	vst v4;
	v4 =	vld [tilespmem:s2+$0xE0]  }
0xd0: {  	s20 =	simm.s32 $0x8;
	s22 =	simm.s32 $0x900;
	[tilespmem:s31+$0xF0] =	vst v13;
	s15 =	simm.s32 $0xCF00;
	v5 =	vcvt.f32.s32 v3;
	v3 =	vmul.f32 $2.550000000e+02, v14;
	v11 =	vld [tilespmem:s1+$0xB0]  }
.LBB2_4:
0xd1: {  	v12 =	vld [tilespmem:s22+$0x80];
	s20 =	sadd.s32 $0x4, s20;
	v7 =	vmul.f32 $2.550000000e+02, v7;
	v2 =	vtrunc.f32 v2  }
0xd2: {  	v13 =	vld [tilespmem:s22+$0xFFFFFF80];
	p0 =	slt.u32 s20, $0xC4;
	v2 =	vcvt.f32.s32 v2;
	v3 =	vtrunc.f32 v3  }
0xd3: {  	v14 =	vld [tilespmem:s22+$0x0];
	[tilespmem:s16+$0xFFFFFF20] =	vst v10;
	v7 =	vtrunc.f32 v7;
	v6 =	vmul.f32 $2.550000000e+02, v6  }
0xd4: {  	v10 =	vld [tilespmem:s22+$0xFFFFFF00];
	v7 =	vcvt.f32.s32 v7;
	v4 =	vmul.f32 $2.550000000e+02, v4  }
0xd5: {  	v8 =	vld.idx.msk [tilespmem:v8+s19+$0x0], $0xffff;
	v11 =	vmul.f32 $2.550000000e+02, v11;
	v6 =	vtrunc.f32 v6  }
0xd6: {  	v12 =	vmul.f32 $2.550000000e+02, v12;
	v9 =	vld.idx.msk [tilespmem:v9+s19+$0x0], $0xffff;
	v4 =	vtrunc.f32 v4  }
0xd7: {  	v15 =	vld [tilespmem:s1+$0xFFFFFF30];
	v11 =	vtrunc.f32 v11;
	v4 =	vcvt.f32.s32 v4  }
0xd8: {  	v12 =	vtrunc.f32 v12;
	v11 =	vcvt.f32.s32 v11;
	v5 =	vld.idx.msk [tilespmem:v5+s19+$0x0], $0xffff  }
0xd9: {  	v10 =	vmul.f32 $2.550000000e+02, v10;
	v12 =	vcvt.f32.s32 v12;
	v1 =	vld.idx.msk [tilespmem:v1+s19+$0x0], $0xffff  }
0xda: {  	v13 =	vmul.f32 $2.550000000e+02, v13;
	v14 =	vmul.f32 $2.550000000e+02, v14;
	v7 =	vld.idx.msk [tilespmem:v7+s19+$0x0], $0xffff  }
0xdb: {  	v6 =	vcvt.f32.s32 v6;
	v10 =	vtrunc.f32 v10;
	[tilespmem:s16+$0xFFFFFFA0] =	vst v8;
	v2 =	vld.idx.msk [tilespmem:v2+s19+$0x0], $0xffff  }
0xdc: {  	v8 =	vtrunc.f32 v13;
	v13 =	vtrunc.f32 v14;
	v14 =	vld [tilespmem:s1+$0xFFFFFFB0];
	[tilespmem:s16+$0x20] =	vst v9  }
0xdd: {  	v9 =	vcvt.f32.s32 v10;
	v8 =	vcvt.f32.s32 v8;
	v4 =	vld.idx.msk [tilespmem:v4+s19+$0x0], $0xffff  }
0xde: {  	v10 =	vcvt.f32.s32 v13;
	v13 =	vmul.f32 $2.550000000e+02, v15;
	v11 =	vld.idx.msk [tilespmem:v11+s19+$0x0], $0xffff;
	[tilespmem:s0+$0xFFFFFF50] =	vst v5  }
0xdf: {  	v5 =	vld.idx.msk [tilespmem:v12+s19+$0x0], $0xffff;
	[tilespmem:s31+$0xFFFFFF70] =	vst v1;
	v1 =	vcvt.f32.s32 v3  }
0xe0: {  	v3 =	vtrunc.f32 v13;
	v12 =	vld [tilespmem:s1+$0x30];
	[tilespmem:s0+$0xFFFFFFD0] =	vst v7  }
0xe1: {  	v3 =	vcvt.f32.s32 v3;
	v7 =	vmul.f32 $2.550000000e+02, v14;
	v6 =	vld.idx.msk [tilespmem:v6+s19+$0x0], $0xffff;
	[tilespmem:s31+$0xFFFFFFF0] =	vst v2  }
0xe2: {  	v2 =	vld [tilespmem:s2+$0xFFFFFF60]  }
0xe3: {  	v9 =	vld.idx.msk [tilespmem:v9+s19+$0x0], $0xffff;
	v7 =	vtrunc.f32 v7;
	[tilespmem:s0+$0xE0] =	vst v4  }
0xe4: {  	s16 =	sadd.s32 $0x200, s16;
	v4 =	vcvt.f32.s32 v7;
	[tilespmem:s15+$0xB0] =	vst v11;
	v7 =	vld [tilespmem:s2+$0xF0]  }
0xe5: {  	[tilespmem:s16+$0x80] =	vst v5;
	v5 =	vmul.f32 $2.550000000e+02, v12;
	v11 =	vld [tilespmem:s1+$0xC0]  }
0xe6: {  	v12 =	vld [tilespmem:s22+$0x90]  }
0xe7: {  	v8 =	vld.idx.msk [tilespmem:v8+s19+$0x0], $0xffff;
	v5 =	vtrunc.f32 v5;
	v2 =	vmul.f32 $2.550000000e+02, v2;
	[tilespmem:s0+$0x50] =	vst v6  }
0xe8: {  	v6 =	vld.idx.msk [tilespmem:v10+s19+$0x0], $0xffff;
	v5 =	vcvt.f32.s32 v5  }
0xe9: {  	[tilespmem:s16+$0xFFFFFF00] =	vst v9;
	v3 =	vld.idx.msk [tilespmem:v3+s19+$0x0], $0xffff;
	v2 =	vtrunc.f32 v2;
	v7 =	vmul.f32 $2.550000000e+02, v7  }
0xea: {  	v9 =	vld [tilespmem:s22+$0xFFFFFF10];
	v10 =	vmul.f32 $2.550000000e+02, v11;
	v2 =	vcvt.f32.s32 v2  }
0xeb: {  	v11 =	vmul.f32 $2.550000000e+02, v12;
	v4 =	vld.idx.msk [tilespmem:v4+s19+$0x0], $0xffff;
	v7 =	vtrunc.f32 v7  }
0xec: {  	v10 =	vtrunc.f32 v10;
	v12 =	vld [tilespmem:s2+$0xFFFFFFE0];
	v7 =	vcvt.f32.s32 v7  }
0xed: {  	[tilespmem:s16+$0xFFFFFF80] =	vst v8;
	v8 =	vtrunc.f32 v11;
	v10 =	vcvt.f32.s32 v10;
	v11 =	vld [tilespmem:s2+$0x60]  }
0xee: {  	v13 =	vld [tilespmem:s22+$0xFFFFFF90];
	[tilespmem:s16+$0x0] =	vst v6;
	v6 =	vcvt.f32.s32 v8  }
0xef: {  	v8 =	vmul.f32 $2.550000000e+02, v9;
	v9 =	vld [tilespmem:s22+$0x10];
	[tilespmem:s15+$0xFFFFFF30] =	vst v3  }
0xf0: {  	v3 =	vld.idx.msk [tilespmem:v5+s19+$0x0], $0xffff  }
0xf1: {  	v5 =	vtrunc.f32 v8;
	v8 =	vld [tilespmem:s1+$0xFFFFFF40];
	[tilespmem:s15+$0xFFFFFFB0] =	vst v4;
	v4 =	vmul.f32 $2.550000000e+02, v12  }
0xf2: {  	v5 =	vcvt.f32.s32 v5;
	v11 =	vmul.f32 $2.550000000e+02, v11;
	v7 =	vld.idx.msk [tilespmem:v7+s19+$0x0], $0xffff  }
0xf3: {  	v12 =	vmul.f32 $2.550000000e+02, v13;
	v10 =	vld.idx.msk [tilespmem:v10+s19+$0x0], $0xffff;
	v4 =	vtrunc.f32 v4  }
0xf4: {  	v9 =	vmul.f32 $2.550000000e+02, v9;
	v6 =	vld.idx.msk [tilespmem:v6+s19+$0x0], $0xffff;
	v11 =	vtrunc.f32 v11  }
0xf5: {  	v4 =	vcvt.f32.s32 v4;
	v12 =	vtrunc.f32 v12;
	v13 =	vld [tilespmem:s1+$0xFFFFFFC0]  }
0xf6: {  	v12 =	vcvt.f32.s32 v12;
	v9 =	vtrunc.f32 v9;
	[tilespmem:s15+$0x30] =	vst v3;
	v2 =	vld.idx.msk [tilespmem:v2+s19+$0x0], $0xffff  }
0xf7: {  	v8 =	vmul.f32 $2.550000000e+02, v8;
	v3 =	vcvt.f32.s32 v9;
	v9 =	vld [tilespmem:s1+$0x40]  }
0xf8: {  	v11 =	vcvt.f32.s32 v11;
	v5 =	vld.idx.msk [tilespmem:v5+s19+$0x0], $0xffff;
	[tilespmem:s0+$0xF0] =	vst v7  }
0xf9: {  	v7 =	vtrunc.f32 v8;
	[tilespmem:s15+$0xC0] =	vst v10;
	v1 =	vld.idx.msk [tilespmem:v1+s19+$0x0], $0xffff  }
0xfa: {  	[tilespmem:s16+$0x90] =	vst v6;
	v6 =	vcvt.f32.s32 v7;
	v7 =	vmul.f32 $2.550000000e+02, v13;
	v8 =	vld [tilespmem:s1+$0xD0]  }
0xfb: {  	v10 =	vld [tilespmem:s22+$0xA0]  }
0xfc: {  	v12 =	vld.idx.msk [tilespmem:v12+s19+$0x0], $0xffff;
	v7 =	vtrunc.f32 v7;
	v9 =	vmul.f32 $2.550000000e+02, v9;
	[tilespmem:s0+$0xFFFFFF60] =	vst v2  }
0xfd: {  	v2 =	vld.idx.msk [tilespmem:v3+s19+$0x0], $0xffff;
	v3 =	vcvt.f32.s32 v7  }
0xfe: {  	[tilespmem:s16+$0xFFFFFF10] =	vst v5;
	v5 =	vtrunc.f32 v9;
	v4 =	vld.idx.msk [tilespmem:v4+s19+$0x0], $0xffff  }
0xff: {  	v7 =	vld [tilespmem:s22+$0xFFFFFF20];
	v5 =	vcvt.f32.s32 v5;
	v8 =	vmul.f32 $2.550000000e+02, v8;
	[tilespmem:s31+$0x70] =	vst v1;
	s31 =	smov.u32 s0;
	s0 =	smov.u32 s15;
	s15 =	smov.u32 s16  }
0x100: {  	v1 =	vmul.f32 $2.550000000e+02, v10;
	v6 =	vld.idx.msk [tilespmem:v6+s19+$0x0], $0xffff  }
0x101: {  	v8 =	vtrunc.f32 v8;
	v9 =	vld.idx.msk [tilespmem:v11+s19+$0x0], $0xffff  }
0x102: {  	[tilespmem:s16+$0xFFFFFF90] =	vst v12;
	v1 =	vtrunc.f32 v1;
	v8 =	vcvt.f32.s32 v8;
	v10 =	vld [tilespmem:s2+$0xFFFFFF70]  }
0x103: {  	v11 =	vld [tilespmem:s22+$0xFFFFFFA0];
	[tilespmem:s16+$0x10] =	vst v2;
	v1 =	vcvt.f32.s32 v1  }
0x104: {  	v2 =	vmul.f32 $2.550000000e+02, v7;
	v7 =	vld [tilespmem:s22+$0x20];
	[tilespmem:s31+$0xFFFFFFE0] =	vst v4  }
0x105: {  	v3 =	vld.idx.msk [tilespmem:v3+s19+$0x0], $0xffff  }
0x106: {  	v2 =	vtrunc.f32 v2;
	[tilespmem:s0+$0xFFFFFF40] =	vst v6;
	v4 =	vld.idx.msk [tilespmem:v5+s19+$0x0], $0xffff  }
0x107: {  	v2 =	vcvt.f32.s32 v2;
	v5 =	vld [tilespmem:s1+$0xFFFFFF50];
	v6 =	vmul.f32 $2.550000000e+02, v10;
	[tilespmem:s31+$0x60] =	vst v9  }
0x108: {  	v9 =	vmul.f32 $2.550000000e+02, v11;
	v11 =	vld.idx.msk [tilespmem:v8+s19+$0x0], $0xffff  }
0x109: {  	v7 =	vmul.f32 $2.550000000e+02, v7;
	v12 =	vld.idx.msk [tilespmem:v1+s19+$0x0], $0xffff;
	v1 =	vtrunc.f32 v6  }
0x10a: {  	v6 =	vtrunc.f32 v9;
	v1 =	vcvt.f32.s32 v1;
	v13 =	vld [tilespmem:s2+$0xFFFFFFF0]  }
0x10b: {  	v8 =	vcvt.f32.s32 v6;
	v6 =	vtrunc.f32 v7;
	[tilespmem:s0+$0xFFFFFFC0] =	vst v3;
	v3 =	vld [tilespmem:s2+$0x70];
	s2 =	smov.u32 s1;
	s1 =	smov.u32 s22  }
.Ltmp1:
0x10c: {  	v9 =	vcvt.f32.s32 v6;
	v5 =	vmul.f32 $2.550000000e+02, v5;
	v7 =	vld [tilespmem:s2+$0xFFFFFFD0];
	[tilespmem:s0+$0x40] =	vst v4;
	(pc) =	sbr.rel @p0 .LBB2_4-.Ltmp1, $4  }
0x10d: {  	v10 =	vld.idx.msk [tilespmem:v2+s19+$0x0], $0xffff  }
0x10e: {  	v2 =	vtrunc.f32 v5;
	v6 =	vld [tilespmem:s2+$0x50];
	[tilespmem:s0+$0xD0] =	vst v11  }
0x10f: {  	[tilespmem:s16+$0xA0] =	vst v12;
	v5 =	vcvt.f32.s32 v2;
	v4 =	vld [tilespmem:s2+$0xE0];
	v2 =	vmul.f32 $2.550000000e+02, v13  }
0x110: {  	s22 =	sadd.s32 $0x200, s22;
	v11 =	vld [tilespmem:s1+$0xB0];
	v3 =	vmul.f32 $2.550000000e+02, v3  }
0x111: {  	_ =	sdelay $0x3  }
0x112: {  	v8 =	vld.idx.msk [tilespmem:v8+s19+$0x0], $0xffff  }
0x113: {  	v9 =	vld.idx.msk [tilespmem:v9+s19+$0x0], $0xffff;
	[tilespmem:s16+$0xFFFFFF20] =	vst v10  }
0x114: {  	v10 =	vld [tilespmem:s1+$0xFFFFFF30];
	_ =	sdelay $0x1  }
0x115: {  	v11 =	vmul.f32 $2.550000000e+02, v11  }
0x116: {  	[tilespmem:s16+$0xFFFFFFA0] =	vst v8  }
0x117: {  	[tilespmem:s16+$0x20] =	vst v9;
	v8 =	vld [tilespmem:s1+$0xFFFFFFB0];
	v11 =	vtrunc.f32 v11  }
0x118: {  	v9 =	vld [tilespmem:s1+$0x30];
	v10 =	vmul.f32 $2.550000000e+02, v10;
	v11 =	vcvt.f32.s32 v11;
	_ =	sdelay $0x1  }
0x119: {  	v10 =	vtrunc.f32 v10  }
0x11a: {  	v10 =	vcvt.f32.s32 v10  }
0x11b: {  	v8 =	vmul.f32 $2.550000000e+02, v8  }
0x11c: {  	v9 =	vmul.f32 $2.550000000e+02, v9  }
0x11d: {  	v8 =	vtrunc.f32 v8;
	v11 =	vld.idx.msk [tilespmem:v11+s19+$0x0], $0xffff  }
0x11e: {  	v9 =	vtrunc.f32 v9;
	v8 =	vcvt.f32.s32 v8  }
0x11f: {  	v9 =	vcvt.f32.s32 v9  }
0x120: {  	v10 =	vld.idx.msk [tilespmem:v10+s19+$0x0], $0xffff;
	_ =	sdelay $0x1  }
0x121: {  	[tilespmem:s15+$0xB0] =	vst v11  }
0x122: {  	v11 =	vld [tilespmem:s1+$0xC0]  }
0x123: {  	v8 =	vld.idx.msk [tilespmem:v8+s19+$0x0], $0xffff  }
0x124: {  	v9 =	vld.idx.msk [tilespmem:v9+s19+$0x0], $0xffff;
	[tilespmem:s15+$0xFFFFFF30] =	vst v10  }
0x125: {  	v10 =	vld [tilespmem:s1+$0xFFFFFF40];
	_ =	sdelay $0x1  }
0x126: {  	v11 =	vmul.f32 $2.550000000e+02, v11  }
0x127: {  	[tilespmem:s15+$0xFFFFFFB0] =	vst v8  }
0x128: {  	[tilespmem:s15+$0x30] =	vst v9;
	v8 =	vld [tilespmem:s1+$0xFFFFFFC0];
	v11 =	vtrunc.f32 v11  }
0x129: {  	v9 =	vld [tilespmem:s1+$0x40];
	v10 =	vmul.f32 $2.550000000e+02, v10;
	v11 =	vcvt.f32.s32 v11;
	_ =	sdelay $0x1  }
0x12a: {  	v10 =	vtrunc.f32 v10  }
0x12b: {  	v10 =	vcvt.f32.s32 v10  }
0x12c: {  	v8 =	vmul.f32 $2.550000000e+02, v8  }
0x12d: {  	v9 =	vmul.f32 $2.550000000e+02, v9  }
0x12e: {  	v8 =	vtrunc.f32 v8;
	v11 =	vld.idx.msk [tilespmem:v11+s19+$0x0], $0xffff  }
0x12f: {  	v9 =	vtrunc.f32 v9;
	v8 =	vcvt.f32.s32 v8  }
0x130: {  	v9 =	vcvt.f32.s32 v9  }
0x131: {  	v10 =	vld.idx.msk [tilespmem:v10+s19+$0x0], $0xffff;
	_ =	sdelay $0x1  }
0x132: {  	[tilespmem:s15+$0xC0] =	vst v11  }
0x133: {  	v6 =	vmul.f32 $2.550000000e+02, v6;
	v11 =	vld [tilespmem:s1+$0xD0]  }
0x134: {  	v8 =	vld.idx.msk [tilespmem:v8+s19+$0x0], $0xffff  }
0x135: {  	v7 =	vmul.f32 $2.550000000e+02, v7;
	v6 =	vtrunc.f32 v6;
	v9 =	vld.idx.msk [tilespmem:v9+s19+$0x0], $0xffff;
	[tilespmem:s15+$0xFFFFFF40] =	vst v10  }
0x136: {  	v6 =	vcvt.f32.s32 v6;
	v10 =	vld [tilespmem:s1+$0xFFFFFF50]  }
0x137: {  	v7 =	vtrunc.f32 v7  }
0x138: {  	v7 =	vcvt.f32.s32 v7;
	v11 =	vmul.f32 $2.550000000e+02, v11  }
0x139: {  	v5 =	vld.idx.msk [tilespmem:v5+s19+$0x0], $0xffff;
	[tilespmem:s15+$0xFFFFFFC0] =	vst v8  }
0x13a: {  	[tilespmem:s15+$0x40] =	vst v9;
	v8 =	vld [tilespmem:s1+$0xFFFFFFD0];
	v11 =	vtrunc.f32 v11  }
0x13b: {  	v9 =	vld [tilespmem:s1+$0x50];
	v10 =	vmul.f32 $2.550000000e+02, v10;
	v11 =	vcvt.f32.s32 v11  }
0x13c: {  	v6 =	vld.idx.msk [tilespmem:v6+s19+$0x0], $0xffff  }
0x13d: {  	v10 =	vtrunc.f32 v10  }
0x13e: {  	[tilespmem:s0+$0xFFFFFF50] =	vst v5;
	v7 =	vld.idx.msk [tilespmem:v7+s19+$0x0], $0xffff;
	v5 =	vcvt.f32.s32 v10  }
0x13f: {  	v8 =	vmul.f32 $2.550000000e+02, v8  }
0x140: {  	v10 =	vld [tilespmem:s2+$0xFFFFFF60];
	v9 =	vmul.f32 $2.550000000e+02, v9  }
0x141: {  	[tilespmem:s0+$0x50] =	vst v6;
	v8 =	vtrunc.f32 v8;
	v6 =	vld.idx.msk [tilespmem:v11+s19+$0x0], $0xffff  }
0x142: {  	v9 =	vtrunc.f32 v9;
	v11 =	vld [tilespmem:s2+$0x60];
	v8 =	vcvt.f32.s32 v8  }
0x143: {  	v4 =	vmul.f32 $2.550000000e+02, v4;
	[tilespmem:s0+$0xFFFFFFD0] =	vst v7;
	v7 =	vcvt.f32.s32 v9  }
0x144: {  	v5 =	vld.idx.msk [tilespmem:v5+s19+$0x0], $0xffff  }
0x145: {  	v4 =	vtrunc.f32 v4;
	v9 =	vld [tilespmem:s2+$0xFFFFFFE0]  }
0x146: {  	v4 =	vcvt.f32.s32 v4;
	[tilespmem:s15+$0xD0] =	vst v6  }
0x147: {  	v10 =	vmul.f32 $2.550000000e+02, v10;
	v6 =	vmul.f32 $2.550000000e+02, v11;
	v11 =	vld [tilespmem:s1+$0xE0]  }
0x148: {  	v8 =	vld.idx.msk [tilespmem:v8+s19+$0x0], $0xffff  }
0x149: {  	v10 =	vtrunc.f32 v10;
	v7 =	vld.idx.msk [tilespmem:v7+s19+$0x0], $0xffff;
	[tilespmem:s15+$0xFFFFFF50] =	vst v5;
	v5 =	vtrunc.f32 v6  }
0x14a: {  	v9 =	vmul.f32 $2.550000000e+02, v9;
	v5 =	vcvt.f32.s32 v5  }
0x14b: {  	v10 =	vcvt.f32.s32 v10  }
0x14c: {  	v9 =	vtrunc.f32 v9;
	v6 =	vld [tilespmem:s1+$0xFFFFFF60];
	v11 =	vmul.f32 $2.550000000e+02, v11  }
0x14d: {  	v4 =	vld.idx.msk [tilespmem:v4+s19+$0x0], $0xffff;
	v9 =	vcvt.f32.s32 v9;
	[tilespmem:s15+$0xFFFFFFD0] =	vst v8  }
0x14e: {  	[tilespmem:s15+$0x50] =	vst v7;
	v7 =	vld [tilespmem:s1+$0xFFFFFFE0];
	v11 =	vtrunc.f32 v11  }
0x14f: {  	v8 =	vld [tilespmem:s1+$0x60];
	v11 =	vcvt.f32.s32 v11  }
0x150: {  	v5 =	vld.idx.msk [tilespmem:v5+s19+$0x0], $0xffff  }
0x151: {  	v10 =	vld.idx.msk [tilespmem:v10+s19+$0x0], $0xffff;
	v6 =	vmul.f32 $2.550000000e+02, v6;
	_ =	sdelay $0x1  }
0x152: {  	v9 =	vld.idx.msk [tilespmem:v9+s19+$0x0], $0xffff;
	v6 =	vtrunc.f32 v6;
	v7 =	vmul.f32 $2.550000000e+02, v7  }
0x153: {  	[tilespmem:s0+$0xE0] =	vst v4;
	v4 =	vcvt.f32.s32 v6;
	v8 =	vmul.f32 $2.550000000e+02, v8  }
0x154: {  	v6 =	vtrunc.f32 v7;
	[tilespmem:s0+$0x60] =	vst v5;
	v5 =	vld.idx.msk [tilespmem:v11+s19+$0x0], $0xffff  }
0x155: {  	[tilespmem:s0+$0xFFFFFF60] =	vst v10;
	v8 =	vtrunc.f32 v8;
	v6 =	vcvt.f32.s32 v6  }
0x156: {  	v10 =	vld [tilespmem:s2+$0xFFFFFF70];
	v8 =	vcvt.f32.s32 v8  }
0x157: {  	v7 =	vld [tilespmem:s2+$0xF0];
	[tilespmem:s0+$0xFFFFFFE0] =	vst v9  }
0x158: {  	v9 =	vld [tilespmem:s2+$0xFFFFFFF0]  }
0x159: {  	v4 =	vld.idx.msk [tilespmem:v4+s19+$0x0], $0xffff;
	[tilespmem:s15+$0xE0] =	vst v5  }
0x15a: {  	v5 =	vld [tilespmem:s1+$0xF0]  }
0x15b: {  	v6 =	vld.idx.msk [tilespmem:v6+s19+$0x0], $0xffff  }
0x15c: {  	v7 =	vmul.f32 $2.550000000e+02, v7;
	v8 =	vld.idx.msk [tilespmem:v8+s19+$0x0], $0xffff  }
0x15d: {  	v2 =	vtrunc.f32 v2;
	v3 =	vtrunc.f32 v3;
	v11 =	vld [tilespmem:s2+$0x70]  }
0x15e: {  	v2 =	vcvt.f32.s32 v2;
	v7 =	vtrunc.f32 v7  }
0x15f: {  	[tilespmem:s15+$0xFFFFFF60] =	vst v4;
	v4 =	vcvt.f32.s32 v7;
	v7 =	vmul.f32 $2.550000000e+02, v9  }
0x160: {  	v3 =	vcvt.f32.s32 v3;
	v10 =	vmul.f32 $2.550000000e+02, v10;
	v9 =	vld [tilespmem:s1+$0xFFFFFF70];
	[tilespmem:s15+$0xFFFFFFE0] =	vst v6  }
0x161: {  	v7 =	vtrunc.f32 v7;
	v5 =	vmul.f32 $2.550000000e+02, v5;
	[tilespmem:s15+$0x60] =	vst v8;
	v8 =	vld [tilespmem:s1+$0xFFFFFFF0]  }
0x162: {  	v6 =	vtrunc.f32 v10;
	v10 =	vmul.f32 $2.550000000e+02, v11;
	v11 =	vld [tilespmem:s1+$0x70]  }
0x163: {  	v7 =	vcvt.f32.s32 v7;
	v6 =	vcvt.f32.s32 v6  }
0x164: {  	v5 =	vtrunc.f32 v5;
	v10 =	vtrunc.f32 v10  }
0x165: {  	v1 =	vld.idx.msk [tilespmem:v1+s19+$0x0], $0xffff;
	v9 =	vmul.f32 $2.550000000e+02, v9;
	v5 =	vcvt.f32.s32 v5  }
0x166: {  	v10 =	vcvt.f32.s32 v10;
	v8 =	vmul.f32 $2.550000000e+02, v8  }
0x167: {  	v2 =	vld.idx.msk [tilespmem:v2+s19+$0x0], $0xffff;
	v9 =	vtrunc.f32 v9;
	v11 =	vmul.f32 $2.550000000e+02, v11  }
0x168: {  	v4 =	vld.idx.msk [tilespmem:v4+s19+$0x0], $0xffff;
	v9 =	vcvt.f32.s32 v9;
	v8 =	vtrunc.f32 v8  }
0x169: {  	v3 =	vld.idx.msk [tilespmem:v3+s19+$0x0], $0xffff;
	v11 =	vtrunc.f32 v11;
	v8 =	vcvt.f32.s32 v8  }
0x16a: {  	[tilespmem:s31+$0xFFFFFF70] =	vst v1;
	v1 =	vld.idx.msk [tilespmem:v7+s19+$0x0], $0xffff;
	v11 =	vcvt.f32.s32 v11  }
0x16b: {  	v6 =	vld.idx.msk [tilespmem:v6+s19+$0x0], $0xffff  }
0x16c: {  	[tilespmem:s31+$0xFFFFFFF0] =	vst v2;
	v2 =	vld.idx.msk [tilespmem:v5+s19+$0x0], $0xffff  }
0x16d: {  	[tilespmem:s0+$0xF0] =	vst v4;
	v4 =	vld.idx.msk [tilespmem:v10+s19+$0x0], $0xffff  }
0x16e: {  	[tilespmem:s31+$0x70] =	vst v3;
	v3 =	vld.idx.msk [tilespmem:v9+s19+$0x0], $0xffff  }
0x16f: {  	[tilespmem:s0+$0xFFFFFFF0] =	vst v1;
	v5 =	vld.idx.msk [tilespmem:v8+s19+$0x0], $0xffff  }
0x170: {  	[tilespmem:s0+$0xFFFFFF70] =	vst v6;
	v1 =	vld.idx.msk [tilespmem:v11+s19+$0x0], $0xffff  }
0x171: {  	[tilespmem:s15+$0xF0] =	vst v2  }
0x172: {  	[tilespmem:s0+$0x70] =	vst v4  }
0x173: {  	[tilespmem:s15+$0xFFFFFF70] =	vst v3  }
0x174: {  	[tilespmem:s15+$0xFFFFFFF0] =	vst v5  }
0x175: {  	s16 =	simm.s32 $0xCA00;
	[tilespmem:s15+$0x70] =	vst v1  }
0x176: {  	[hbm4b:s6+s13] =	stream.strided.scatter [tilespmem:s16], [sflag:$0x5], $0x6400, s14, s13, $0x38;
	[tilespmem:$0x19200] =	vst v63  }
0x177: {  	s20 =	simm.s32 $0x200  }
0x178: {  	[tilespmem:s20], [sflag:$0x3] =	stream.strided.gather [hbm4b:s7+s13], $0x6400, s14, s13, $0x38;
	[tilespmem:$0x19200] =	vst v63  }
0x179: {  	_ =	swait.ge [sflag:s21], $0x6400  }
0x17a: {  	[sflag:s21] =	ssyncset.done $0x0  }
0x17b: {  	s22 =	simm.s32 $0x6700;
	[sflag:s21] =	ssyncadd.s32 $0xFFFF9C00  }
0x17c: {  	v1 =	vld [tilespmem:s22+$0x80];
	_ =	sdelay $0x4  }
0x17d: {  	v1 =	vmul.f32 $2.550000000e+02, v1;
	_ =	sdelay $0x1  }
0x17e: {  	v1 =	vtrunc.f32 v1  }
0x17f: {  	v1 =	vcvt.f32.s32 v1;
	_ =	sdelay $0x3  }
0x180: {  	v2 =	vld [tilespmem:s22+$0xFFFFFF00]  }
0x181: {  	v3 =	vld [tilespmem:s22+$0xFFFFFF80]  }
0x182: {  	v1 =	vld.idx.msk [tilespmem:v1+s19+$0x0], $0xffff;
	_ =	sdelay $0x2  }
0x183: {  	v4 =	vld [tilespmem:s22+$0x0];
	v2 =	vmul.f32 $2.550000000e+02, v2  }
0x184: {  	s31 =	simm.s32 $0x12F00;
	v3 =	vmul.f32 $2.550000000e+02, v3  }
0x185: {  	v2 =	vtrunc.f32 v2;
	[tilespmem:s31+$0x80] =	vst v1  }
0x186: {  	v2 =	vcvt.f32.s32 v2;
	v1 =	vtrunc.f32 v3;
	v3 =	vld [tilespmem:s22+$0x90]  }
0x187: {  	v1 =	vcvt.f32.s32 v1  }
0x188: {  	v4 =	vmul.f32 $2.550000000e+02, v4;
	_ =	sdelay $0x1  }
0x189: {  	v4 =	vtrunc.f32 v4  }
0x18a: {  	v4 =	vcvt.f32.s32 v4;
	v3 =	vmul.f32 $2.550000000e+02, v3  }
0x18b: {  	v2 =	vld.idx.msk [tilespmem:v2+s19+$0x0], $0xffff  }
0x18c: {  	v1 =	vld.idx.msk [tilespmem:v1+s19+$0x0], $0xffff;
	v3 =	vtrunc.f32 v3  }
0x18d: {  	v3 =	vcvt.f32.s32 v3;
	_ =	sdelay $0x2  }
0x18e: {  	v4 =	vld.idx.msk [tilespmem:v4+s19+$0x0], $0xffff;
	[tilespmem:s31+$0xFFFFFF00] =	vst v2  }
0x18f: {  	v2 =	vld [tilespmem:s22+$0xFFFFFF10];
	[tilespmem:s31+$0xFFFFFF80] =	vst v1  }
0x190: {  	v1 =	vld [tilespmem:s22+$0xFFFFFF90]  }
0x191: {  	v3 =	vld.idx.msk [tilespmem:v3+s19+$0x0], $0xffff;
	_ =	sdelay $0x1  }
0x192: {  	[tilespmem:s31+$0x0] =	vst v4  }
0x193: {  	v4 =	vld [tilespmem:s22+$0x10];
	v2 =	vmul.f32 $2.550000000e+02, v2  }
0x194: {  	v1 =	vmul.f32 $2.550000000e+02, v1  }
0x195: {  	v2 =	vtrunc.f32 v2;
	[tilespmem:s31+$0x90] =	vst v3  }
0x196: {  	v2 =	vcvt.f32.s32 v2;
	v1 =	vtrunc.f32 v1;
	v3 =	vld [tilespmem:s22+$0xA0]  }
0x197: {  	v1 =	vcvt.f32.s32 v1  }
0x198: {  	v4 =	vmul.f32 $2.550000000e+02, v4;
	_ =	sdelay $0x1  }
0x199: {  	v4 =	vtrunc.f32 v4  }
0x19a: {  	v4 =	vcvt.f32.s32 v4;
	v3 =	vmul.f32 $2.550000000e+02, v3  }
0x19b: {  	v2 =	vld.idx.msk [tilespmem:v2+s19+$0x0], $0xffff  }
0x19c: {  	v1 =	vld.idx.msk [tilespmem:v1+s19+$0x0], $0xffff;
	v3 =	vtrunc.f32 v3  }
0x19d: {  	v3 =	vcvt.f32.s32 v3;
	_ =	sdelay $0x2  }
0x19e: {  	v4 =	vld.idx.msk [tilespmem:v4+s19+$0x0], $0xffff;
	[tilespmem:s31+$0xFFFFFF10] =	vst v2  }
0x19f: {  	v2 =	vld [tilespmem:s22+$0xFFFFFF20];
	[tilespmem:s31+$0xFFFFFF90] =	vst v1  }
0x1a0: {  	v1 =	vld [tilespmem:s22+$0xFFFFFFA0]  }
0x1a1: {  	v3 =	vld.idx.msk [tilespmem:v3+s19+$0x0], $0xffff;
	_ =	sdelay $0x1  }
0x1a2: {  	[tilespmem:s31+$0x10] =	vst v4  }
0x1a3: {  	v4 =	vld [tilespmem:s22+$0x20];
	v2 =	vmul.f32 $2.550000000e+02, v2;
	_ =	sdelay $0x1  }
0x1a4: {  	v2 =	vtrunc.f32 v2;
	v1 =	vmul.f32 $2.550000000e+02, v1;
	[tilespmem:s31+$0xA0] =	vst v3  }
0x1a5: {  	s2 =	simm.s32 $0x6900;
	v2 =	vcvt.f32.s32 v2;
	v3 =	vld [tilespmem:s22+$0xB0]  }
0x1a6: {  	v5 =	vld [tilespmem:s2+$0x80];
	v1 =	vtrunc.f32 v1  }
0x1a7: {  	v4 =	vmul.f32 $2.550000000e+02, v4;
	v1 =	vcvt.f32.s32 v1;
	_ =	sdelay $0x1  }
0x1a8: {  	v4 =	vtrunc.f32 v4  }
0x1a9: {  	v4 =	vcvt.f32.s32 v4;
	v3 =	vmul.f32 $2.550000000e+02, v3  }
0x1aa: {  	v5 =	vmul.f32 $2.550000000e+02, v5;
	v2 =	vld.idx.msk [tilespmem:v2+s19+$0x0], $0xffff  }
0x1ab: {  	v6 =	vld [tilespmem:s2+$0xFFFFFF00];
	v3 =	vtrunc.f32 v3  }
0x1ac: {  	v5 =	vtrunc.f32 v5;
	v1 =	vld.idx.msk [tilespmem:v1+s19+$0x0], $0xffff;
	v3 =	vcvt.f32.s32 v3  }
0x1ad: {  	v7 =	vld [tilespmem:s2+$0xFFFFFF80];
	v5 =	vcvt.f32.s32 v5  }
0x1ae: {  	v8 =	vld [tilespmem:s2+$0x0]  }
0x1af: {  	[tilespmem:s31+$0xFFFFFF20] =	vst v2;
	v2 =	vld.idx.msk [tilespmem:v4+s19+$0x0], $0xffff;
	_ =	sdelay $0x1  }
0x1b0: {  	v4 =	vld [tilespmem:s22+$0xFFFFFF30];
	[tilespmem:s31+$0xFFFFFFA0] =	vst v1;
	v1 =	vmul.f32 $2.550000000e+02, v6  }
0x1b1: {  	v7 =	vmul.f32 $2.550000000e+02, v7;
	v3 =	vld.idx.msk [tilespmem:v3+s19+$0x0], $0xffff  }
0x1b2: {  	v8 =	vmul.f32 $2.550000000e+02, v8;
	v5 =	vld.idx.msk [tilespmem:v5+s19+$0x0], $0xffff;
	v1 =	vtrunc.f32 v1  }
0x1b3: {  	v7 =	vtrunc.f32 v7;
	[tilespmem:s31+$0x20] =	vst v2;
	v6 =	vld [tilespmem:s22+$0xFFFFFFB0];
	v1 =	vcvt.f32.s32 v1  }
0x1b4: {  	v8 =	vtrunc.f32 v8;
	v2 =	vcvt.f32.s32 v7;
	v7 =	vld [tilespmem:s22+$0x30]  }
0x1b5: {  	v8 =	vcvt.f32.s32 v8;
	v4 =	vmul.f32 $2.550000000e+02, v4  }
0x1b6: {  	s0 =	simm.s32 $0x13100;
	[tilespmem:s31+$0xB0] =	vst v3  }
0x1b7: {  	[tilespmem:s0+$0x80] =	vst v5;
	v3 =	vtrunc.f32 v4;
	v5 =	vld [tilespmem:s22+$0xC0]  }
0x1b8: {  	v4 =	vmul.f32 $2.550000000e+02, v6;
	v6 =	vld [tilespmem:s2+$0x90];
	v3 =	vcvt.f32.s32 v3  }
0x1b9: {  	v7 =	vmul.f32 $2.550000000e+02, v7;
	v1 =	vld.idx.msk [tilespmem:v1+s19+$0x0], $0xffff  }
0x1ba: {  	v2 =	vld.idx.msk [tilespmem:v2+s19+$0x0], $0xffff  }
0x1bb: {  	v8 =	vld.idx.msk [tilespmem:v8+s19+$0x0], $0xffff;
	v7 =	vtrunc.f32 v7;
	v4 =	vtrunc.f32 v4  }
0x1bc: {  	v4 =	vcvt.f32.s32 v4;
	v5 =	vmul.f32 $2.550000000e+02, v5  }
0x1bd: {  	v7 =	vcvt.f32.s32 v7;
	v6 =	vmul.f32 $2.550000000e+02, v6  }
0x1be: {  	[tilespmem:s0+$0xFFFFFF00] =	vst v1;
	v1 =	vld.idx.msk [tilespmem:v3+s19+$0x0], $0xffff;
	v3 =	vtrunc.f32 v5  }
0x1bf: {  	[tilespmem:s0+$0xFFFFFF80] =	vst v2;
	v6 =	vtrunc.f32 v6;
	v5 =	vld [tilespmem:s2+$0xFFFFFF10];
	v3 =	vcvt.f32.s32 v3  }
0x1c0: {  	[tilespmem:s0+$0x0] =	vst v8;
	v2 =	vcvt.f32.s32 v6;
	v6 =	vld [tilespmem:s2+$0xFFFFFF90]  }
0x1c1: {  	v8 =	vld [tilespmem:s2+$0x10]  }
0x1c2: {  	v4 =	vld.idx.msk [tilespmem:v4+s19+$0x0], $0xffff  }
0x1c3: {  	[tilespmem:s31+$0xFFFFFF30] =	vst v1;
	v1 =	vld.idx.msk [tilespmem:v7+s19+$0x0], $0xffff  }
0x1c4: {  	v5 =	vmul.f32 $2.550000000e+02, v5;
	v7 =	vld [tilespmem:s22+$0xFFFFFF40]  }
0x1c5: {  	v6 =	vmul.f32 $2.550000000e+02, v6;
	v3 =	vld.idx.msk [tilespmem:v3+s19+$0x0], $0xffff  }
0x1c6: {  	v2 =	vld.idx.msk [tilespmem:v2+s19+$0x0], $0xffff;
	v5 =	vtrunc.f32 v5  }
0x1c7: {  	[tilespmem:s31+$0xFFFFFFB0] =	vst v4;
	v6 =	vtrunc.f32 v6;
	v4 =	vcvt.f32.s32 v5  }
0x1c8: {  	v5 =	vmul.f32 $2.550000000e+02, v8;
	v8 =	vld [tilespmem:s22+$0xFFFFFFC0];
	v6 =	vcvt.f32.s32 v6  }
0x1c9: {  	[tilespmem:s31+$0x30] =	vst v1  }
0x1ca: {  	v1 =	vtrunc.f32 v5;
	v5 =	vld [tilespmem:s22+$0x40];
	[tilespmem:s31+$0xC0] =	vst v3  }
0x1cb: {  	v1 =	vcvt.f32.s32 v1;
	[tilespmem:s0+$0x90] =	vst v2;
	v3 =	vmul.f32 $2.550000000e+02, v7;
	v2 =	vld [tilespmem:s22+$0xD0]  }
0x1cc: {  	v7 =	vld [tilespmem:s2+$0xA0]  }
0x1cd: {  	v8 =	vmul.f32 $2.550000000e+02, v8;
	v4 =	vld.idx.msk [tilespmem:v4+s19+$0x0], $0xffff;
	v3 =	vtrunc.f32 v3  }
0x1ce: {  	v6 =	vld.idx.msk [tilespmem:v6+s19+$0x0], $0xffff;
	v3 =	vcvt.f32.s32 v3  }
0x1cf: {  	v8 =	vtrunc.f32 v8;
	v5 =	vmul.f32 $2.550000000e+02, v5  }
0x1d0: {  	v8 =	vcvt.f32.s32 v8;
	v2 =	vmul.f32 $2.550000000e+02, v2  }
0x1d1: {  	v1 =	vld.idx.msk [tilespmem:v1+s19+$0x0], $0xffff;
	v5 =	vtrunc.f32 v5;
	v7 =	vmul.f32 $2.550000000e+02, v7  }
0x1d2: {  	[tilespmem:s0+$0xFFFFFF10] =	vst v4;
	v4 =	vcvt.f32.s32 v5;
	v2 =	vtrunc.f32 v2  }
0x1d3: {  	v7 =	vtrunc.f32 v7;
	[tilespmem:s0+$0xFFFFFF90] =	vst v6;
	v5 =	vld [tilespmem:s2+$0xFFFFFF20];
	v2 =	vcvt.f32.s32 v2  }
0x1d4: {  	v6 =	vcvt.f32.s32 v7;
	v7 =	vld [tilespmem:s2+$0xFFFFFFA0]  }
0x1d5: {  	v3 =	vld.idx.msk [tilespmem:v3+s19+$0x0], $0xffff  }
0x1d6: {  	s1 =	simm.s32 $0x6B00;
	[tilespmem:s0+$0x10] =	vst v1;
	v1 =	vld.idx.msk [tilespmem:v8+s19+$0x0], $0xffff  }
0x1d7: {  	v10 =	vld [tilespmem:s1+$0xFFFFFF80]  }
0x1d8: {  	v8 =	vld [tilespmem:s2+$0x20]  }
0x1d9: {  	v5 =	vmul.f32 $2.550000000e+02, v5;
	v2 =	vld.idx.msk [tilespmem:v2+s19+$0x0], $0xffff  }
0x1da: {  	v7 =	vmul.f32 $2.550000000e+02, v7;
	[tilespmem:s31+$0xFFFFFF40] =	vst v3;
	v3 =	vld.idx.msk [tilespmem:v6+s19+$0x0], $0xffff  }
0x1db: {  	v9 =	vld [tilespmem:s1+$0x80];
	[tilespmem:s31+$0xFFFFFFC0] =	vst v1;
	v1 =	vtrunc.f32 v5  }
0x1dc: {  	v6 =	vld [tilespmem:s22+$0xFFFFFF50];
	v7 =	vtrunc.f32 v7;
	v1 =	vcvt.f32.s32 v1  }
0x1dd: {  	v11 =	vld [tilespmem:s1+$0xFFFFFF00];
	v10 =	vmul.f32 $2.550000000e+02, v10;
	v7 =	vcvt.f32.s32 v7  }
0x1de: {  	v5 =	vld [tilespmem:s22+$0xFFFFFFD0];
	[tilespmem:s31+$0xD0] =	vst v2  }
0x1df: {  	v10 =	vtrunc.f32 v10;
	[tilespmem:s0+$0xA0] =	vst v3;
	v2 =	vmul.f32 $2.550000000e+02, v8;
	v3 =	vld [tilespmem:s22+$0xE0]  }
0x1e0: {  	v9 =	vmul.f32 $2.550000000e+02, v9;
	v10 =	vcvt.f32.s32 v10;
	v8 =	vld [tilespmem:s2+$0xB0]  }
0x1e1: {  	v4 =	vld.idx.msk [tilespmem:v4+s19+$0x0], $0xffff;
	v6 =	vmul.f32 $2.550000000e+02, v6;
	v2 =	vtrunc.f32 v2  }
0x1e2: {  	v11 =	vmul.f32 $2.550000000e+02, v11;
	v1 =	vld.idx.msk [tilespmem:v1+s19+$0x0], $0xffff;
	v2 =	vcvt.f32.s32 v2  }
0x1e3: {  	v5 =	vmul.f32 $2.550000000e+02, v5;
	v6 =	vtrunc.f32 v6;
	v7 =	vld.idx.msk [tilespmem:v7+s19+$0x0], $0xffff  }
0x1e4: {  	v6 =	vcvt.f32.s32 v6;
	v3 =	vmul.f32 $2.550000000e+02, v3  }
0x1e5: {  	v12 =	vld [tilespmem:s1+$0x0];
	v5 =	vtrunc.f32 v5;
	v8 =	vmul.f32 $2.550000000e+02, v8  }
0x1e6: {  	v10 =	vld.idx.msk [tilespmem:v10+s19+$0x0], $0xffff;
	[tilespmem:s31+$0x40] =	vst v4;
	v5 =	vcvt.f32.s32 v5;
	v3 =	vtrunc.f32 v3  }
0x1e7: {  	v4 =	vld [tilespmem:s22+$0x50];
	v8 =	vtrunc.f32 v8;
	[tilespmem:s0+$0xFFFFFF20] =	vst v1;
	v3 =	vcvt.f32.s32 v3  }
0x1e8: {  	[tilespmem:s0+$0xFFFFFFA0] =	vst v7;
	v8 =	vcvt.f32.s32 v8;
	v1 =	vld.idx.msk [tilespmem:v2+s19+$0x0], $0xffff;
	v2 =	vtrunc.f32 v9  }
0x1e9: {  	v7 =	vtrunc.f32 v11;
	v11 =	vld [tilespmem:s2+$0xFFFFFFB0];
	v2 =	vcvt.f32.s32 v2  }
0x1ea: {  	v7 =	vcvt.f32.s32 v7;
	v9 =	vld [tilespmem:s2+$0xFFFFFF30]  }
0x1eb: {  	v6 =	vld.idx.msk [tilespmem:v6+s19+$0x0], $0xffff  }
0x1ec: {  	v4 =	vmul.f32 $2.550000000e+02, v4;
	v5 =	vld.idx.msk [tilespmem:v5+s19+$0x0], $0xffff  }
0x1ed: {  	v3 =	vld.idx.msk [tilespmem:v3+s19+$0x0], $0xffff  }
0x1ee: {  	v12 =	vmul.f32 $2.550000000e+02, v12;
	v4 =	vtrunc.f32 v4;
	v8 =	vld.idx.msk [tilespmem:v8+s19+$0x0], $0xffff  }
0x1ef: {  	v4 =	vcvt.f32.s32 v4;
	[tilespmem:s0+$0x20] =	vst v1;
	v1 =	vld.idx.msk [tilespmem:v2+s19+$0x0], $0xffff  }
0x1f0: {  	v9 =	vmul.f32 $2.550000000e+02, v9;
	v7 =	vld.idx.msk [tilespmem:v7+s19+$0x0], $0xffff;
	v2 =	vtrunc.f32 v12  }
0x1f1: {  	[tilespmem:s31+$0xFFFFFF50] =	vst v6;
	v60 =	vld [tilespmem:s2+$0x30];
	v2 =	vcvt.f32.s32 v2  }
0x1f2: {  	v6 =	vtrunc.f32 v9;
	v9 =	vmul.f32 $2.550000000e+02, v11;
	v11 =	vld [tilespmem:s22+$0xFFFFFF60];
	[tilespmem:s31+$0xE0] =	vst v3  }
0x1f3: {  	s16 =	simm.s32 $0x13300;
	[tilespmem:s0+$0xB0] =	vst v8;
	v8 =	vld [tilespmem:s22+$0xF0]  }
0x1f4: {  	v6 =	vcvt.f32.s32 v6;
	v3 =	vtrunc.f32 v9;
	[tilespmem:s16+$0x80] =	vst v1;
	v1 =	vld [tilespmem:s2+$0xC0]  }
0x1f5: {  	v3 =	vcvt.f32.s32 v3;
	v61 =	vld [tilespmem:s1+$0x90]  }
0x1f6: {  	v4 =	vld.idx.msk [tilespmem:v4+s19+$0x0], $0xffff;
	v9 =	vmul.f32 $2.550000000e+02, v60  }
0x1f7: {  	[tilespmem:s31+$0xFFFFFFD0] =	vst v5;
	v11 =	vmul.f32 $2.550000000e+02, v11;
	v2 =	vld.idx.msk [tilespmem:v2+s19+$0x0], $0xffff  }
0x1f8: {  	v62 =	vld [tilespmem:s22+$0xFFFFFFE0];
	[tilespmem:s16+$0xFFFFFF00] =	vst v7;
	v9 =	vtrunc.f32 v9;
	v7 =	vmul.f32 $2.550000000e+02, v8  }
0x1f9: {  	v8 =	vcvt.f32.s32 v9;
	v9 =	vld [tilespmem:s1+$0xFFFFFF10];
	v1 =	vmul.f32 $2.550000000e+02, v1  }
0x1fa: {  	v6 =	vld.idx.msk [tilespmem:v6+s19+$0x0], $0xffff;
	v5 =	vmul.f32 $2.550000000e+02, v61;
	v7 =	vtrunc.f32 v7  }
0x1fb: {  	[tilespmem:s16+$0xFFFFFF80] =	vst v10;
	v3 =	vld.idx.msk [tilespmem:v3+s19+$0x0], $0xffff;
	v1 =	vtrunc.f32 v1;
	v7 =	vcvt.f32.s32 v7  }
0x1fc: {  	v10 =	vld [tilespmem:s1+$0xFFFFFF90];
	[tilespmem:s16+$0x0] =	vst v2;
	v5 =	vtrunc.f32 v5;
	v1 =	vcvt.f32.s32 v1  }
0x1fd: {  	[tilespmem:s31+$0x50] =	vst v4;
	v12 =	vmul.f32 $2.550000000e+02, v62;
	v4 =	vld [tilespmem:s1+$0x10];
	v2 =	vcvt.f32.s32 v5  }
0x1fe: {  	v5 =	vtrunc.f32 v11;
	v11 =	vld [tilespmem:s22+$0x60];
	v9 =	vmul.f32 $2.550000000e+02, v9  }
0x1ff: {  	[tilespmem:s0+$0xFFFFFF30] =	vst v6;
	v5 =	vcvt.f32.s32 v5;
	v6 =	vld.idx.msk [tilespmem:v8+s19+$0x0], $0xffff  }
0x200: {  	[tilespmem:s0+$0xFFFFFFB0] =	vst v3;
	v3 =	vtrunc.f32 v12;
	v8 =	vtrunc.f32 v9;
	v9 =	vld [tilespmem:s2+$0xFFFFFF40]  }
0x201: {  	v3 =	vcvt.f32.s32 v3;
	v8 =	vcvt.f32.s32 v8;
	v13 =	vld.idx.msk [tilespmem:v7+s19+$0x0], $0xffff  }
0x202: {  	v4 =	vmul.f32 $2.550000000e+02, v4;
	v7 =	vmul.f32 $2.550000000e+02, v10;
	v1 =	vld.idx.msk [tilespmem:v1+s19+$0x0], $0xffff  }
0x203: {  	v10 =	vld [tilespmem:s2+$0xFFFFFFC0]  }
0x204: {  	v2 =	vld.idx.msk [tilespmem:v2+s19+$0x0], $0xffff;
	v4 =	vtrunc.f32 v4;
	v7 =	vtrunc.f32 v7  }
0x205: {  	[tilespmem:s0+$0x30] =	vst v6;
	v5 =	vld.idx.msk [tilespmem:v5+s19+$0x0], $0xffff;
	v4 =	vcvt.f32.s32 v4;
	v7 =	vcvt.f32.s32 v7  }
0x206: {  	v6 =	vmul.f32 $2.550000000e+02, v9;
	v9 =	vmul.f32 $2.550000000e+02, v11;
	v11 =	vld [tilespmem:s2+$0x40]  }
0x207: {  	v8 =	vld.idx.msk [tilespmem:v8+s19+$0x0], $0xffff  }
0x208: {  	v3 =	vld.idx.msk [tilespmem:v3+s19+$0x0], $0xffff;
	v6 =	vtrunc.f32 v6;
	[tilespmem:s0+$0xC0] =	vst v1;
	v1 =	vtrunc.f32 v9  }
0x209: {  	v9 =	vmul.f32 $2.550000000e+02, v10;
	[tilespmem:s16+$0x90] =	vst v2;
	v2 =	vcvt.f32.s32 v6;
	v6 =	vld [tilespmem:s2+$0xD0]  }
0x20a: {  	v1 =	vcvt.f32.s32 v1;
	v10 =	vld [tilespmem:s1+$0xA0]  }
0x20b: {  	v9 =	vtrunc.f32 v9;
	v11 =	vmul.f32 $2.550000000e+02, v11;
	v4 =	vld.idx.msk [tilespmem:v4+s19+$0x0], $0xffff  }
0x20c: {  	v9 =	vcvt.f32.s32 v9;
	v7 =	vld.idx.msk [tilespmem:v7+s19+$0x0], $0xffff;
	[tilespmem:s16+$0xFFFFFF10] =	vst v8  }
0x20d: {  	[tilespmem:s31+$0xFFFFFFE0] =	vst v3;
	v8 =	vtrunc.f32 v11;
	v11 =	vld [tilespmem:s1+$0xFFFFFF20]  }
0x20e: {  	v63 =	vld [tilespmem:s22+$0xFFFFFFF0];
	v6 =	vmul.f32 $2.550000000e+02, v6  }
0x20f: {  	v8 =	vcvt.f32.s32 v8;
	v10 =	vmul.f32 $2.550000000e+02, v10;
	v2 =	vld.idx.msk [tilespmem:v2+s19+$0x0], $0xffff  }
0x210: {  	[tilespmem:s31+$0xFFFFFF60] =	vst v5;
	v1 =	vld.idx.msk [tilespmem:v1+s19+$0x0], $0xffff;
	v5 =	vtrunc.f32 v6  }
0x211: {  	[tilespmem:s16+$0xFFFFFF90] =	vst v7;
	v6 =	vtrunc.f32 v10;
	v5 =	vcvt.f32.s32 v5;
	v7 =	vld [tilespmem:s22+$0xFFFFFF70]  }
0x212: {  	[tilespmem:s16+$0x10] =	vst v4;
	v9 =	vld.idx.msk [tilespmem:v9+s19+$0x0], $0xffff;
	v4 =	vcvt.f32.s32 v6;
	v6 =	vmul.f32 $2.550000000e+02, v11  }
0x213: {  	v10 =	vld [tilespmem:s1+$0xFFFFFFA0]  }
0x214: {  	v11 =	vld [tilespmem:s1+$0x20];
	v6 =	vtrunc.f32 v6  }
0x215: {  	[tilespmem:s0+$0xFFFFFF40] =	vst v2;
	v2 =	vld.idx.msk [tilespmem:v8+s19+$0x0], $0xffff;
	v6 =	vcvt.f32.s32 v6  }
0x216: {  	v8 =	vld [tilespmem:s2+$0xFFFFFF50]  }
0x217: {  	v3 =	vmul.f32 $2.550000000e+02, v7;
	v5 =	vld.idx.msk [tilespmem:v5+s19+$0x0], $0xffff  }
0x218: {  	[tilespmem:s31+$0x60] =	vst v1;
	v1 =	vmul.f32 $2.550000000e+02, v10;
	v4 =	vld.idx.msk [tilespmem:v4+s19+$0x0], $0xffff  }
0x219: {  	v14 =	vld [tilespmem:s22+$0x70];
	[tilespmem:s0+$0xFFFFFFC0] =	vst v9;
	v11 =	vmul.f32 $2.550000000e+02, v11;
	v3 =	vtrunc.f32 v3  }
0x21a: {  	v7 =	vld [tilespmem:s2+$0xFFFFFFD0];
	v9 =	vtrunc.f32 v1;
	v1 =	vcvt.f32.s32 v3  }
0x21b: {  	[tilespmem:s0+$0x40] =	vst v2;
	v15 =	vmul.f32 $2.550000000e+02, v8;
	v2 =	vtrunc.f32 v11;
	v10 =	vld.idx.msk [tilespmem:v6+s19+$0x0], $0xffff  }
0x21c: {  	v8 =	vcvt.f32.s32 v9;
	v9 =	vcvt.f32.s32 v2;
	v6 =	vld [tilespmem:s2+$0x50];
	[tilespmem:s0+$0xD0] =	vst v5  }
0x21d: {  	v2 =	vmul.f32 $2.550000000e+02, v63;
	v3 =	vtrunc.f32 v15;
	[tilespmem:s16+$0xA0] =	vst v4;
	v4 =	vld [tilespmem:s2+$0xE0]  }
0x21e: {  	s15 =	simm.s32 $0x13300;
	s20 =	simm.s32 $0x8;
	[tilespmem:s31+$0xF0] =	vst v13;
	s22 =	simm.s32 $0x6D00;
	v5 =	vcvt.f32.s32 v3;
	v3 =	vmul.f32 $2.550000000e+02, v14;
	v11 =	vld [tilespmem:s1+$0xB0]  }
.LBB2_6:
0x21f: {  	v12 =	vld [tilespmem:s22+$0x80];
	s20 =	sadd.s32 $0x4, s20;
	v7 =	vmul.f32 $2.550000000e+02, v7;
	v2 =	vtrunc.f32 v2  }
0x220: {  	v13 =	vld [tilespmem:s22+$0xFFFFFF80];
	p0 =	slt.u32 s20, $0xC4;
	v2 =	vcvt.f32.s32 v2;
	v3 =	vtrunc.f32 v3  }
0x221: {  	v14 =	vld [tilespmem:s22+$0x0];
	[tilespmem:s16+$0xFFFFFF20] =	vst v10;
	v7 =	vtrunc.f32 v7;
	v6 =	vmul.f32 $2.550000000e+02, v6  }
0x222: {  	v10 =	vld [tilespmem:s22+$0xFFFFFF00];
	v7 =	vcvt.f32.s32 v7;
	v4 =	vmul.f32 $2.550000000e+02, v4  }
0x223: {  	v8 =	vld.idx.msk [tilespmem:v8+s19+$0x0], $0xffff;
	v11 =	vmul.f32 $2.550000000e+02, v11;
	v6 =	vtrunc.f32 v6  }
0x224: {  	v12 =	vmul.f32 $2.550000000e+02, v12;
	v9 =	vld.idx.msk [tilespmem:v9+s19+$0x0], $0xffff;
	v4 =	vtrunc.f32 v4  }
0x225: {  	v15 =	vld [tilespmem:s1+$0xFFFFFF30];
	v11 =	vtrunc.f32 v11;
	v4 =	vcvt.f32.s32 v4  }
0x226: {  	v12 =	vtrunc.f32 v12;
	v11 =	vcvt.f32.s32 v11;
	v5 =	vld.idx.msk [tilespmem:v5+s19+$0x0], $0xffff  }
0x227: {  	v10 =	vmul.f32 $2.550000000e+02, v10;
	v12 =	vcvt.f32.s32 v12;
	v1 =	vld.idx.msk [tilespmem:v1+s19+$0x0], $0xffff  }
0x228: {  	v13 =	vmul.f32 $2.550000000e+02, v13;
	v14 =	vmul.f32 $2.550000000e+02, v14;
	v7 =	vld.idx.msk [tilespmem:v7+s19+$0x0], $0xffff  }
0x229: {  	v6 =	vcvt.f32.s32 v6;
	v10 =	vtrunc.f32 v10;
	[tilespmem:s16+$0xFFFFFFA0] =	vst v8;
	v2 =	vld.idx.msk [tilespmem:v2+s19+$0x0], $0xffff  }
0x22a: {  	v8 =	vtrunc.f32 v13;
	v13 =	vtrunc.f32 v14;
	v14 =	vld [tilespmem:s1+$0xFFFFFFB0];
	[tilespmem:s16+$0x20] =	vst v9  }
0x22b: {  	v9 =	vcvt.f32.s32 v10;
	v8 =	vcvt.f32.s32 v8;
	v4 =	vld.idx.msk [tilespmem:v4+s19+$0x0], $0xffff  }
0x22c: {  	v10 =	vcvt.f32.s32 v13;
	v13 =	vmul.f32 $2.550000000e+02, v15;
	v11 =	vld.idx.msk [tilespmem:v11+s19+$0x0], $0xffff;
	[tilespmem:s0+$0xFFFFFF50] =	vst v5  }
0x22d: {  	v5 =	vld.idx.msk [tilespmem:v12+s19+$0x0], $0xffff;
	[tilespmem:s31+$0xFFFFFF70] =	vst v1;
	v1 =	vcvt.f32.s32 v3  }
0x22e: {  	v3 =	vtrunc.f32 v13;
	v12 =	vld [tilespmem:s1+$0x30];
	[tilespmem:s0+$0xFFFFFFD0] =	vst v7  }
0x22f: {  	v3 =	vcvt.f32.s32 v3;
	v7 =	vmul.f32 $2.550000000e+02, v14;
	v6 =	vld.idx.msk [tilespmem:v6+s19+$0x0], $0xffff;
	[tilespmem:s31+$0xFFFFFFF0] =	vst v2  }
0x230: {  	v2 =	vld [tilespmem:s2+$0xFFFFFF60]  }
0x231: {  	v9 =	vld.idx.msk [tilespmem:v9+s19+$0x0], $0xffff;
	v7 =	vtrunc.f32 v7;
	[tilespmem:s0+$0xE0] =	vst v4  }
0x232: {  	s16 =	sadd.s32 $0x200, s16;
	v4 =	vcvt.f32.s32 v7;
	[tilespmem:s15+$0xB0] =	vst v11;
	v7 =	vld [tilespmem:s2+$0xF0]  }
0x233: {  	[tilespmem:s16+$0x80] =	vst v5;
	v5 =	vmul.f32 $2.550000000e+02, v12;
	v11 =	vld [tilespmem:s1+$0xC0]  }
0x234: {  	v12 =	vld [tilespmem:s22+$0x90]  }
0x235: {  	v8 =	vld.idx.msk [tilespmem:v8+s19+$0x0], $0xffff;
	v5 =	vtrunc.f32 v5;
	v2 =	vmul.f32 $2.550000000e+02, v2;
	[tilespmem:s0+$0x50] =	vst v6  }
0x236: {  	v6 =	vld.idx.msk [tilespmem:v10+s19+$0x0], $0xffff;
	v5 =	vcvt.f32.s32 v5  }
0x237: {  	[tilespmem:s16+$0xFFFFFF00] =	vst v9;
	v3 =	vld.idx.msk [tilespmem:v3+s19+$0x0], $0xffff;
	v2 =	vtrunc.f32 v2;
	v7 =	vmul.f32 $2.550000000e+02, v7  }
0x238: {  	v9 =	vld [tilespmem:s22+$0xFFFFFF10];
	v10 =	vmul.f32 $2.550000000e+02, v11;
	v2 =	vcvt.f32.s32 v2  }
0x239: {  	v11 =	vmul.f32 $2.550000000e+02, v12;
	v4 =	vld.idx.msk [tilespmem:v4+s19+$0x0], $0xffff;
	v7 =	vtrunc.f32 v7  }
0x23a: {  	v10 =	vtrunc.f32 v10;
	v12 =	vld [tilespmem:s2+$0xFFFFFFE0];
	v7 =	vcvt.f32.s32 v7  }
0x23b: {  	[tilespmem:s16+$0xFFFFFF80] =	vst v8;
	v8 =	vtrunc.f32 v11;
	v10 =	vcvt.f32.s32 v10;
	v11 =	vld [tilespmem:s2+$0x60]  }
0x23c: {  	v13 =	vld [tilespmem:s22+$0xFFFFFF90];
	[tilespmem:s16+$0x0] =	vst v6;
	v6 =	vcvt.f32.s32 v8  }
0x23d: {  	v8 =	vmul.f32 $2.550000000e+02, v9;
	v9 =	vld [tilespmem:s22+$0x10];
	[tilespmem:s15+$0xFFFFFF30] =	vst v3  }
0x23e: {  	v3 =	vld.idx.msk [tilespmem:v5+s19+$0x0], $0xffff  }
0x23f: {  	v5 =	vtrunc.f32 v8;
	v8 =	vld [tilespmem:s1+$0xFFFFFF40];
	[tilespmem:s15+$0xFFFFFFB0] =	vst v4;
	v4 =	vmul.f32 $2.550000000e+02, v12  }
0x240: {  	v5 =	vcvt.f32.s32 v5;
	v11 =	vmul.f32 $2.550000000e+02, v11;
	v7 =	vld.idx.msk [tilespmem:v7+s19+$0x0], $0xffff  }
0x241: {  	v12 =	vmul.f32 $2.550000000e+02, v13;
	v10 =	vld.idx.msk [tilespmem:v10+s19+$0x0], $0xffff;
	v4 =	vtrunc.f32 v4  }
0x242: {  	v9 =	vmul.f32 $2.550000000e+02, v9;
	v6 =	vld.idx.msk [tilespmem:v6+s19+$0x0], $0xffff;
	v11 =	vtrunc.f32 v11  }
0x243: {  	v4 =	vcvt.f32.s32 v4;
	v12 =	vtrunc.f32 v12;
	v13 =	vld [tilespmem:s1+$0xFFFFFFC0]  }
0x244: {  	v12 =	vcvt.f32.s32 v12;
	v9 =	vtrunc.f32 v9;
	[tilespmem:s15+$0x30] =	vst v3;
	v2 =	vld.idx.msk [tilespmem:v2+s19+$0x0], $0xffff  }
0x245: {  	v8 =	vmul.f32 $2.550000000e+02, v8;
	v3 =	vcvt.f32.s32 v9;
	v9 =	vld [tilespmem:s1+$0x40]  }
0x246: {  	v11 =	vcvt.f32.s32 v11;
	v5 =	vld.idx.msk [tilespmem:v5+s19+$0x0], $0xffff;
	[tilespmem:s0+$0xF0] =	vst v7  }
0x247: {  	v7 =	vtrunc.f32 v8;
	[tilespmem:s15+$0xC0] =	vst v10;
	v1 =	vld.idx.msk [tilespmem:v1+s19+$0x0], $0xffff  }
0x248: {  	[tilespmem:s16+$0x90] =	vst v6;
	v6 =	vcvt.f32.s32 v7;
	v7 =	vmul.f32 $2.550000000e+02, v13;
	v8 =	vld [tilespmem:s1+$0xD0]  }
0x249: {  	v10 =	vld [tilespmem:s22+$0xA0]  }
0x24a: {  	v12 =	vld.idx.msk [tilespmem:v12+s19+$0x0], $0xffff;
	v7 =	vtrunc.f32 v7;
	v9 =	vmul.f32 $2.550000000e+02, v9;
	[tilespmem:s0+$0xFFFFFF60] =	vst v2  }
0x24b: {  	v2 =	vld.idx.msk [tilespmem:v3+s19+$0x0], $0xffff;
	v3 =	vcvt.f32.s32 v7  }
0x24c: {  	[tilespmem:s16+$0xFFFFFF10] =	vst v5;
	v5 =	vtrunc.f32 v9;
	v4 =	vld.idx.msk [tilespmem:v4+s19+$0x0], $0xffff  }
0x24d: {  	v7 =	vld [tilespmem:s22+$0xFFFFFF20];
	v5 =	vcvt.f32.s32 v5;
	v8 =	vmul.f32 $2.550000000e+02, v8;
	[tilespmem:s31+$0x70] =	vst v1;
	s31 =	smov.u32 s0;
	s0 =	smov.u32 s15;
	s15 =	smov.u32 s16  }
0x24e: {  	v1 =	vmul.f32 $2.550000000e+02, v10;
	v6 =	vld.idx.msk [tilespmem:v6+s19+$0x0], $0xffff  }
0x24f: {  	v8 =	vtrunc.f32 v8;
	v9 =	vld.idx.msk [tilespmem:v11+s19+$0x0], $0xffff  }
0x250: {  	[tilespmem:s16+$0xFFFFFF90] =	vst v12;
	v1 =	vtrunc.f32 v1;
	v8 =	vcvt.f32.s32 v8;
	v10 =	vld [tilespmem:s2+$0xFFFFFF70]  }
0x251: {  	v11 =	vld [tilespmem:s22+$0xFFFFFFA0];
	[tilespmem:s16+$0x10] =	vst v2;
	v1 =	vcvt.f32.s32 v1  }
0x252: {  	v2 =	vmul.f32 $2.550000000e+02, v7;
	v7 =	vld [tilespmem:s22+$0x20];
	[tilespmem:s31+$0xFFFFFFE0] =	vst v4  }
0x253: {  	v3 =	vld.idx.msk [tilespmem:v3+s19+$0x0], $0xffff  }
0x254: {  	v2 =	vtrunc.f32 v2;
	[tilespmem:s0+$0xFFFFFF40] =	vst v6;
	v4 =	vld.idx.msk [tilespmem:v5+s19+$0x0], $0xffff  }
0x255: {  	v2 =	vcvt.f32.s32 v2;
	v5 =	vld [tilespmem:s1+$0xFFFFFF50];
	v6 =	vmul.f32 $2.550000000e+02, v10;
	[tilespmem:s31+$0x60] =	vst v9  }
0x256: {  	v9 =	vmul.f32 $2.550000000e+02, v11;
	v11 =	vld.idx.msk [tilespmem:v8+s19+$0x0], $0xffff  }
0x257: {  	v7 =	vmul.f32 $2.550000000e+02, v7;
	v12 =	vld.idx.msk [tilespmem:v1+s19+$0x0], $0xffff;
	v1 =	vtrunc.f32 v6  }
0x258: {  	v6 =	vtrunc.f32 v9;
	v1 =	vcvt.f32.s32 v1;
	v13 =	vld [tilespmem:s2+$0xFFFFFFF0]  }
0x259: {  	v8 =	vcvt.f32.s32 v6;
	v6 =	vtrunc.f32 v7;
	[tilespmem:s0+$0xFFFFFFC0] =	vst v3;
	v3 =	vld [tilespmem:s2+$0x70];
	s2 =	smov.u32 s1;
	s1 =	smov.u32 s22  }
.Ltmp2:
0x25a: {  	v9 =	vcvt.f32.s32 v6;
	v5 =	vmul.f32 $2.550000000e+02, v5;
	v7 =	vld [tilespmem:s2+$0xFFFFFFD0];
	[tilespmem:s0+$0x40] =	vst v4;
	(pc) =	sbr.rel @p0 .LBB2_6-.Ltmp2, $4  }
0x25b: {  	v10 =	vld.idx.msk [tilespmem:v2+s19+$0x0], $0xffff  }
0x25c: {  	v2 =	vtrunc.f32 v5;
	v6 =	vld [tilespmem:s2+$0x50];
	[tilespmem:s0+$0xD0] =	vst v11  }
0x25d: {  	[tilespmem:s16+$0xA0] =	vst v12;
	v5 =	vcvt.f32.s32 v2;
	v4 =	vld [tilespmem:s2+$0xE0];
	v2 =	vmul.f32 $2.550000000e+02, v13  }
0x25e: {  	s22 =	sadd.s32 $0x200, s22;
	v11 =	vld [tilespmem:s1+$0xB0];
	v3 =	vmul.f32 $2.550000000e+02, v3  }
0x25f: {  	_ =	sdelay $0x3  }
0x260: {  	v8 =	vld.idx.msk [tilespmem:v8+s19+$0x0], $0xffff  }
0x261: {  	v9 =	vld.idx.msk [tilespmem:v9+s19+$0x0], $0xffff;
	[tilespmem:s16+$0xFFFFFF20] =	vst v10  }
0x262: {  	v10 =	vld [tilespmem:s1+$0xFFFFFF30];
	_ =	sdelay $0x1  }
0x263: {  	v11 =	vmul.f32 $2.550000000e+02, v11  }
0x264: {  	[tilespmem:s16+$0xFFFFFFA0] =	vst v8  }
0x265: {  	[tilespmem:s16+$0x20] =	vst v9;
	v8 =	vld [tilespmem:s1+$0xFFFFFFB0];
	v11 =	vtrunc.f32 v11  }
0x266: {  	v9 =	vld [tilespmem:s1+$0x30];
	v10 =	vmul.f32 $2.550000000e+02, v10;
	v11 =	vcvt.f32.s32 v11;
	_ =	sdelay $0x1  }
0x267: {  	v10 =	vtrunc.f32 v10  }
0x268: {  	v10 =	vcvt.f32.s32 v10  }
0x269: {  	v8 =	vmul.f32 $2.550000000e+02, v8  }
0x26a: {  	v9 =	vmul.f32 $2.550000000e+02, v9  }
0x26b: {  	v8 =	vtrunc.f32 v8;
	v11 =	vld.idx.msk [tilespmem:v11+s19+$0x0], $0xffff  }
0x26c: {  	v9 =	vtrunc.f32 v9;
	v8 =	vcvt.f32.s32 v8  }
0x26d: {  	v9 =	vcvt.f32.s32 v9  }
0x26e: {  	v10 =	vld.idx.msk [tilespmem:v10+s19+$0x0], $0xffff;
	_ =	sdelay $0x1  }
0x26f: {  	[tilespmem:s15+$0xB0] =	vst v11  }
0x270: {  	v11 =	vld [tilespmem:s1+$0xC0]  }
0x271: {  	v8 =	vld.idx.msk [tilespmem:v8+s19+$0x0], $0xffff  }
0x272: {  	v9 =	vld.idx.msk [tilespmem:v9+s19+$0x0], $0xffff;
	[tilespmem:s15+$0xFFFFFF30] =	vst v10  }
0x273: {  	v10 =	vld [tilespmem:s1+$0xFFFFFF40];
	_ =	sdelay $0x1  }
0x274: {  	v11 =	vmul.f32 $2.550000000e+02, v11  }
0x275: {  	[tilespmem:s15+$0xFFFFFFB0] =	vst v8  }
0x276: {  	[tilespmem:s15+$0x30] =	vst v9;
	v8 =	vld [tilespmem:s1+$0xFFFFFFC0];
	v11 =	vtrunc.f32 v11  }
0x277: {  	v9 =	vld [tilespmem:s1+$0x40];
	v10 =	vmul.f32 $2.550000000e+02, v10;
	v11 =	vcvt.f32.s32 v11;
	_ =	sdelay $0x1  }
0x278: {  	v10 =	vtrunc.f32 v10  }
0x279: {  	v10 =	vcvt.f32.s32 v10  }
0x27a: {  	v8 =	vmul.f32 $2.550000000e+02, v8  }
0x27b: {  	v9 =	vmul.f32 $2.550000000e+02, v9  }
0x27c: {  	v8 =	vtrunc.f32 v8;
	v11 =	vld.idx.msk [tilespmem:v11+s19+$0x0], $0xffff  }
0x27d: {  	v9 =	vtrunc.f32 v9;
	v8 =	vcvt.f32.s32 v8  }
0x27e: {  	v9 =	vcvt.f32.s32 v9  }
0x27f: {  	v10 =	vld.idx.msk [tilespmem:v10+s19+$0x0], $0xffff;
	_ =	sdelay $0x1  }
0x280: {  	[tilespmem:s15+$0xC0] =	vst v11  }
0x281: {  	v6 =	vmul.f32 $2.550000000e+02, v6;
	v11 =	vld [tilespmem:s1+$0xD0]  }
0x282: {  	v8 =	vld.idx.msk [tilespmem:v8+s19+$0x0], $0xffff  }
0x283: {  	v7 =	vmul.f32 $2.550000000e+02, v7;
	v6 =	vtrunc.f32 v6;
	v9 =	vld.idx.msk [tilespmem:v9+s19+$0x0], $0xffff;
	[tilespmem:s15+$0xFFFFFF40] =	vst v10  }
0x284: {  	v6 =	vcvt.f32.s32 v6;
	v10 =	vld [tilespmem:s1+$0xFFFFFF50]  }
0x285: {  	v7 =	vtrunc.f32 v7  }
0x286: {  	v7 =	vcvt.f32.s32 v7;
	v11 =	vmul.f32 $2.550000000e+02, v11  }
0x287: {  	v5 =	vld.idx.msk [tilespmem:v5+s19+$0x0], $0xffff;
	[tilespmem:s15+$0xFFFFFFC0] =	vst v8  }
0x288: {  	[tilespmem:s15+$0x40] =	vst v9;
	v8 =	vld [tilespmem:s1+$0xFFFFFFD0];
	v11 =	vtrunc.f32 v11  }
0x289: {  	v9 =	vld [tilespmem:s1+$0x50];
	v10 =	vmul.f32 $2.550000000e+02, v10;
	v11 =	vcvt.f32.s32 v11  }
0x28a: {  	v6 =	vld.idx.msk [tilespmem:v6+s19+$0x0], $0xffff  }
0x28b: {  	v10 =	vtrunc.f32 v10  }
0x28c: {  	[tilespmem:s0+$0xFFFFFF50] =	vst v5;
	v7 =	vld.idx.msk [tilespmem:v7+s19+$0x0], $0xffff;
	v5 =	vcvt.f32.s32 v10  }
0x28d: {  	v8 =	vmul.f32 $2.550000000e+02, v8  }
0x28e: {  	v10 =	vld [tilespmem:s2+$0xFFFFFF60];
	v9 =	vmul.f32 $2.550000000e+02, v9  }
0x28f: {  	[tilespmem:s0+$0x50] =	vst v6;
	v8 =	vtrunc.f32 v8;
	v6 =	vld.idx.msk [tilespmem:v11+s19+$0x0], $0xffff  }
0x290: {  	v9 =	vtrunc.f32 v9;
	v11 =	vld [tilespmem:s2+$0x60];
	v8 =	vcvt.f32.s32 v8  }
0x291: {  	v4 =	vmul.f32 $2.550000000e+02, v4;
	[tilespmem:s0+$0xFFFFFFD0] =	vst v7;
	v7 =	vcvt.f32.s32 v9  }
0x292: {  	v5 =	vld.idx.msk [tilespmem:v5+s19+$0x0], $0xffff  }
0x293: {  	v4 =	vtrunc.f32 v4;
	v9 =	vld [tilespmem:s2+$0xFFFFFFE0]  }
0x294: {  	v4 =	vcvt.f32.s32 v4;
	[tilespmem:s15+$0xD0] =	vst v6  }
0x295: {  	v10 =	vmul.f32 $2.550000000e+02, v10;
	v6 =	vmul.f32 $2.550000000e+02, v11;
	v11 =	vld [tilespmem:s1+$0xE0]  }
0x296: {  	v8 =	vld.idx.msk [tilespmem:v8+s19+$0x0], $0xffff  }
0x297: {  	v10 =	vtrunc.f32 v10;
	v7 =	vld.idx.msk [tilespmem:v7+s19+$0x0], $0xffff;
	[tilespmem:s15+$0xFFFFFF50] =	vst v5;
	v5 =	vtrunc.f32 v6  }
0x298: {  	v9 =	vmul.f32 $2.550000000e+02, v9;
	v5 =	vcvt.f32.s32 v5  }
0x299: {  	v10 =	vcvt.f32.s32 v10  }
0x29a: {  	v9 =	vtrunc.f32 v9;
	v6 =	vld [tilespmem:s1+$0xFFFFFF60];
	v11 =	vmul.f32 $2.550000000e+02, v11  }
0x29b: {  	v4 =	vld.idx.msk [tilespmem:v4+s19+$0x0], $0xffff;
	v9 =	vcvt.f32.s32 v9;
	[tilespmem:s15+$0xFFFFFFD0] =	vst v8  }
0x29c: {  	[tilespmem:s15+$0x50] =	vst v7;
	v7 =	vld [tilespmem:s1+$0xFFFFFFE0];
	v11 =	vtrunc.f32 v11  }
0x29d: {  	v8 =	vld [tilespmem:s1+$0x60];
	v11 =	vcvt.f32.s32 v11  }
0x29e: {  	v5 =	vld.idx.msk [tilespmem:v5+s19+$0x0], $0xffff  }
0x29f: {  	v10 =	vld.idx.msk [tilespmem:v10+s19+$0x0], $0xffff;
	v6 =	vmul.f32 $2.550000000e+02, v6;
	_ =	sdelay $0x1  }
0x2a0: {  	v9 =	vld.idx.msk [tilespmem:v9+s19+$0x0], $0xffff;
	v6 =	vtrunc.f32 v6;
	v7 =	vmul.f32 $2.550000000e+02, v7  }
0x2a1: {  	[tilespmem:s0+$0xE0] =	vst v4;
	v4 =	vcvt.f32.s32 v6;
	v8 =	vmul.f32 $2.550000000e+02, v8  }
0x2a2: {  	v6 =	vtrunc.f32 v7;
	[tilespmem:s0+$0x60] =	vst v5;
	v5 =	vld.idx.msk [tilespmem:v11+s19+$0x0], $0xffff  }
0x2a3: {  	[tilespmem:s0+$0xFFFFFF60] =	vst v10;
	v8 =	vtrunc.f32 v8;
	v6 =	vcvt.f32.s32 v6  }
0x2a4: {  	v10 =	vld [tilespmem:s2+$0xFFFFFF70];
	v8 =	vcvt.f32.s32 v8  }
0x2a5: {  	v7 =	vld [tilespmem:s2+$0xF0];
	[tilespmem:s0+$0xFFFFFFE0] =	vst v9  }
0x2a6: {  	v9 =	vld [tilespmem:s2+$0xFFFFFFF0]  }
0x2a7: {  	v4 =	vld.idx.msk [tilespmem:v4+s19+$0x0], $0xffff;
	[tilespmem:s15+$0xE0] =	vst v5  }
0x2a8: {  	v5 =	vld [tilespmem:s1+$0xF0]  }
0x2a9: {  	v6 =	vld.idx.msk [tilespmem:v6+s19+$0x0], $0xffff  }
0x2aa: {  	v7 =	vmul.f32 $2.550000000e+02, v7;
	v8 =	vld.idx.msk [tilespmem:v8+s19+$0x0], $0xffff  }
0x2ab: {  	v2 =	vtrunc.f32 v2;
	v3 =	vtrunc.f32 v3;
	v11 =	vld [tilespmem:s2+$0x70]  }
0x2ac: {  	v2 =	vcvt.f32.s32 v2;
	v7 =	vtrunc.f32 v7  }
0x2ad: {  	[tilespmem:s15+$0xFFFFFF60] =	vst v4;
	v4 =	vcvt.f32.s32 v7;
	v7 =	vmul.f32 $2.550000000e+02, v9  }
0x2ae: {  	v3 =	vcvt.f32.s32 v3;
	v10 =	vmul.f32 $2.550000000e+02, v10;
	v9 =	vld [tilespmem:s1+$0xFFFFFF70];
	[tilespmem:s15+$0xFFFFFFE0] =	vst v6  }
0x2af: {  	v7 =	vtrunc.f32 v7;
	v5 =	vmul.f32 $2.550000000e+02, v5;
	[tilespmem:s15+$0x60] =	vst v8;
	v8 =	vld [tilespmem:s1+$0xFFFFFFF0]  }
0x2b0: {  	v6 =	vtrunc.f32 v10;
	v10 =	vmul.f32 $2.550000000e+02, v11;
	v11 =	vld [tilespmem:s1+$0x70]  }
0x2b1: {  	v7 =	vcvt.f32.s32 v7;
	v6 =	vcvt.f32.s32 v6  }
0x2b2: {  	v5 =	vtrunc.f32 v5;
	v10 =	vtrunc.f32 v10  }
0x2b3: {  	v1 =	vld.idx.msk [tilespmem:v1+s19+$0x0], $0xffff;
	v9 =	vmul.f32 $2.550000000e+02, v9;
	v5 =	vcvt.f32.s32 v5  }
0x2b4: {  	v10 =	vcvt.f32.s32 v10;
	v8 =	vmul.f32 $2.550000000e+02, v8  }
0x2b5: {  	v2 =	vld.idx.msk [tilespmem:v2+s19+$0x0], $0xffff;
	v9 =	vtrunc.f32 v9;
	v11 =	vmul.f32 $2.550000000e+02, v11  }
0x2b6: {  	v4 =	vld.idx.msk [tilespmem:v4+s19+$0x0], $0xffff;
	v9 =	vcvt.f32.s32 v9;
	v8 =	vtrunc.f32 v8  }
0x2b7: {  	v3 =	vld.idx.msk [tilespmem:v3+s19+$0x0], $0xffff;
	v11 =	vtrunc.f32 v11;
	v8 =	vcvt.f32.s32 v8  }
0x2b8: {  	[tilespmem:s31+$0xFFFFFF70] =	vst v1;
	v1 =	vld.idx.msk [tilespmem:v7+s19+$0x0], $0xffff;
	v11 =	vcvt.f32.s32 v11  }
0x2b9: {  	v6 =	vld.idx.msk [tilespmem:v6+s19+$0x0], $0xffff  }
0x2ba: {  	[tilespmem:s31+$0xFFFFFFF0] =	vst v2;
	v2 =	vld.idx.msk [tilespmem:v5+s19+$0x0], $0xffff  }
0x2bb: {  	[tilespmem:s0+$0xF0] =	vst v4;
	v4 =	vld.idx.msk [tilespmem:v10+s19+$0x0], $0xffff  }
0x2bc: {  	[tilespmem:s31+$0x70] =	vst v3;
	v3 =	vld.idx.msk [tilespmem:v9+s19+$0x0], $0xffff  }
0x2bd: {  	[tilespmem:s0+$0xFFFFFFF0] =	vst v1;
	v5 =	vld.idx.msk [tilespmem:v8+s19+$0x0], $0xffff  }
0x2be: {  	[tilespmem:s0+$0xFFFFFF70] =	vst v6;
	v1 =	vld.idx.msk [tilespmem:v11+s19+$0x0], $0xffff  }
0x2bf: {  	[tilespmem:s15+$0xF0] =	vst v2  }
0x2c0: {  	[tilespmem:s0+$0x70] =	vst v4  }
0x2c1: {  	[tilespmem:s15+$0xFFFFFF70] =	vst v3  }
0x2c2: {  	[tilespmem:s15+$0xFFFFFFF0] =	vst v5  }
0x2c3: {  	s16 =	simm.s32 $0x12E00;
	[tilespmem:s15+$0x70] =	vst v1  }
0x2c4: {  	[hbm4b:s8+s13] =	stream.strided.scatter [tilespmem:s16], [sflag:$0x6], $0x6400, s14, s13, $0x38;
	[tilespmem:$0x19200] =	vst v63  }
0x2c5: {  	s20 =	simm.s32 $0x6600  }
0x2c6: {  	[tilespmem:s20], [sflag:$0x4] =	stream.strided.gather [hbm4b:s9+s13], $0x6400, s14, s13, $0x38;
	[tilespmem:$0x19200] =	vst v63  }
0x2c7: {  	_ =	swait.ge [sflag:s23], $0x6400  }
0x2c8: {  	[sflag:s23] =	ssyncset.done $0x0  }
0x2c9: {  	[sflag:s23] =	ssyncadd.s32 $0xFFFF9C00  }
0x2ca: {  	_ =	swait.ge [sflag:s24], $0x6400  }
0x2cb: {  	[sflag:s24] =	ssyncset.done $0x0  }
0x2cc: {  	s22 =	simm.s32 $0x300;
	[sflag:s24] =	ssyncadd.s32 $0xFFFF9C00  }
0x2cd: {  	v1 =	vld [tilespmem:s22+$0x80];
	_ =	sdelay $0x4  }
0x2ce: {  	v1 =	vmul.f32 $2.550000000e+02, v1;
	_ =	sdelay $0x1  }
0x2cf: {  	v1 =	vtrunc.f32 v1  }
0x2d0: {  	v1 =	vcvt.f32.s32 v1;
	_ =	sdelay $0x3  }
0x2d1: {  	v2 =	vld [tilespmem:s22+$0xFFFFFF00]  }
0x2d2: {  	v3 =	vld [tilespmem:s22+$0xFFFFFF80]  }
0x2d3: {  	v1 =	vld.idx.msk [tilespmem:v1+s19+$0x0], $0xffff;
	_ =	sdelay $0x2  }
0x2d4: {  	v4 =	vld [tilespmem:s22+$0x0];
	v2 =	vmul.f32 $2.550000000e+02, v2  }
0x2d5: {  	s31 =	simm.s32 $0xCB00;
	v3 =	vmul.f32 $2.550000000e+02, v3  }
0x2d6: {  	v2 =	vtrunc.f32 v2;
	[tilespmem:s31+$0x80] =	vst v1  }
0x2d7: {  	v2 =	vcvt.f32.s32 v2;
	v1 =	vtrunc.f32 v3;
	v3 =	vld [tilespmem:s22+$0x90]  }
0x2d8: {  	v1 =	vcvt.f32.s32 v1  }
0x2d9: {  	v4 =	vmul.f32 $2.550000000e+02, v4;
	_ =	sdelay $0x1  }
0x2da: {  	v4 =	vtrunc.f32 v4  }
0x2db: {  	v4 =	vcvt.f32.s32 v4;
	v3 =	vmul.f32 $2.550000000e+02, v3  }
0x2dc: {  	v2 =	vld.idx.msk [tilespmem:v2+s19+$0x0], $0xffff  }
0x2dd: {  	v1 =	vld.idx.msk [tilespmem:v1+s19+$0x0], $0xffff;
	v3 =	vtrunc.f32 v3  }
0x2de: {  	v3 =	vcvt.f32.s32 v3;
	_ =	sdelay $0x2  }
0x2df: {  	v4 =	vld.idx.msk [tilespmem:v4+s19+$0x0], $0xffff;
	[tilespmem:s31+$0xFFFFFF00] =	vst v2  }
0x2e0: {  	v2 =	vld [tilespmem:s22+$0xFFFFFF10];
	[tilespmem:s31+$0xFFFFFF80] =	vst v1  }
0x2e1: {  	v1 =	vld [tilespmem:s22+$0xFFFFFF90]  }
0x2e2: {  	v3 =	vld.idx.msk [tilespmem:v3+s19+$0x0], $0xffff;
	_ =	sdelay $0x1  }
0x2e3: {  	[tilespmem:s31+$0x0] =	vst v4  }
0x2e4: {  	v4 =	vld [tilespmem:s22+$0x10];
	v2 =	vmul.f32 $2.550000000e+02, v2  }
0x2e5: {  	v1 =	vmul.f32 $2.550000000e+02, v1  }
0x2e6: {  	v2 =	vtrunc.f32 v2;
	[tilespmem:s31+$0x90] =	vst v3  }
0x2e7: {  	v2 =	vcvt.f32.s32 v2;
	v1 =	vtrunc.f32 v1;
	v3 =	vld [tilespmem:s22+$0xA0]  }
0x2e8: {  	v1 =	vcvt.f32.s32 v1  }
0x2e9: {  	v4 =	vmul.f32 $2.550000000e+02, v4;
	_ =	sdelay $0x1  }
0x2ea: {  	v4 =	vtrunc.f32 v4  }
0x2eb: {  	v4 =	vcvt.f32.s32 v4;
	v3 =	vmul.f32 $2.550000000e+02, v3  }
0x2ec: {  	v2 =	vld.idx.msk [tilespmem:v2+s19+$0x0], $0xffff  }
0x2ed: {  	v1 =	vld.idx.msk [tilespmem:v1+s19+$0x0], $0xffff;
	v3 =	vtrunc.f32 v3  }
0x2ee: {  	v3 =	vcvt.f32.s32 v3;
	_ =	sdelay $0x2  }
0x2ef: {  	v4 =	vld.idx.msk [tilespmem:v4+s19+$0x0], $0xffff;
	[tilespmem:s31+$0xFFFFFF10] =	vst v2  }
0x2f0: {  	v2 =	vld [tilespmem:s22+$0xFFFFFF20];
	[tilespmem:s31+$0xFFFFFF90] =	vst v1  }
0x2f1: {  	v1 =	vld [tilespmem:s22+$0xFFFFFFA0]  }
0x2f2: {  	v3 =	vld.idx.msk [tilespmem:v3+s19+$0x0], $0xffff;
	_ =	sdelay $0x1  }
0x2f3: {  	[tilespmem:s31+$0x10] =	vst v4  }
0x2f4: {  	v4 =	vld [tilespmem:s22+$0x20];
	v2 =	vmul.f32 $2.550000000e+02, v2;
	_ =	sdelay $0x1  }
0x2f5: {  	v2 =	vtrunc.f32 v2;
	v1 =	vmul.f32 $2.550000000e+02, v1;
	[tilespmem:s31+$0xA0] =	vst v3  }
0x2f6: {  	s2 =	simm.s32 $0x500;
	v2 =	vcvt.f32.s32 v2;
	v3 =	vld [tilespmem:s22+$0xB0]  }
0x2f7: {  	v5 =	vld [tilespmem:s2+$0x80];
	v1 =	vtrunc.f32 v1  }
0x2f8: {  	v4 =	vmul.f32 $2.550000000e+02, v4;
	v1 =	vcvt.f32.s32 v1;
	_ =	sdelay $0x1  }
0x2f9: {  	v4 =	vtrunc.f32 v4  }
0x2fa: {  	v4 =	vcvt.f32.s32 v4;
	v3 =	vmul.f32 $2.550000000e+02, v3  }
0x2fb: {  	v5 =	vmul.f32 $2.550000000e+02, v5;
	v2 =	vld.idx.msk [tilespmem:v2+s19+$0x0], $0xffff  }
0x2fc: {  	v6 =	vld [tilespmem:s2+$0xFFFFFF00];
	v3 =	vtrunc.f32 v3  }
0x2fd: {  	v5 =	vtrunc.f32 v5;
	v1 =	vld.idx.msk [tilespmem:v1+s19+$0x0], $0xffff;
	v3 =	vcvt.f32.s32 v3  }
0x2fe: {  	v7 =	vld [tilespmem:s2+$0xFFFFFF80];
	v5 =	vcvt.f32.s32 v5  }
0x2ff: {  	v8 =	vld [tilespmem:s2+$0x0]  }
0x300: {  	[tilespmem:s31+$0xFFFFFF20] =	vst v2;
	v2 =	vld.idx.msk [tilespmem:v4+s19+$0x0], $0xffff;
	_ =	sdelay $0x1  }
0x301: {  	v4 =	vld [tilespmem:s22+$0xFFFFFF30];
	[tilespmem:s31+$0xFFFFFFA0] =	vst v1;
	v1 =	vmul.f32 $2.550000000e+02, v6  }
0x302: {  	v7 =	vmul.f32 $2.550000000e+02, v7;
	v3 =	vld.idx.msk [tilespmem:v3+s19+$0x0], $0xffff  }
0x303: {  	v8 =	vmul.f32 $2.550000000e+02, v8;
	v5 =	vld.idx.msk [tilespmem:v5+s19+$0x0], $0xffff;
	v1 =	vtrunc.f32 v1  }
0x304: {  	v7 =	vtrunc.f32 v7;
	[tilespmem:s31+$0x20] =	vst v2;
	v6 =	vld [tilespmem:s22+$0xFFFFFFB0];
	v1 =	vcvt.f32.s32 v1  }
0x305: {  	v8 =	vtrunc.f32 v8;
	v2 =	vcvt.f32.s32 v7;
	v7 =	vld [tilespmem:s22+$0x30]  }
0x306: {  	v8 =	vcvt.f32.s32 v8;
	v4 =	vmul.f32 $2.550000000e+02, v4  }
0x307: {  	s0 =	simm.s32 $0xCD00;
	[tilespmem:s31+$0xB0] =	vst v3  }
0x308: {  	[tilespmem:s0+$0x80] =	vst v5;
	v3 =	vtrunc.f32 v4;
	v5 =	vld [tilespmem:s22+$0xC0]  }
0x309: {  	v4 =	vmul.f32 $2.550000000e+02, v6;
	v6 =	vld [tilespmem:s2+$0x90];
	v3 =	vcvt.f32.s32 v3  }
0x30a: {  	v7 =	vmul.f32 $2.550000000e+02, v7;
	v1 =	vld.idx.msk [tilespmem:v1+s19+$0x0], $0xffff  }
0x30b: {  	v2 =	vld.idx.msk [tilespmem:v2+s19+$0x0], $0xffff  }
0x30c: {  	v8 =	vld.idx.msk [tilespmem:v8+s19+$0x0], $0xffff;
	v7 =	vtrunc.f32 v7;
	v4 =	vtrunc.f32 v4  }
0x30d: {  	v4 =	vcvt.f32.s32 v4;
	v5 =	vmul.f32 $2.550000000e+02, v5  }
0x30e: {  	v7 =	vcvt.f32.s32 v7;
	v6 =	vmul.f32 $2.550000000e+02, v6  }
0x30f: {  	[tilespmem:s0+$0xFFFFFF00] =	vst v1;
	v1 =	vld.idx.msk [tilespmem:v3+s19+$0x0], $0xffff;
	v3 =	vtrunc.f32 v5  }
0x310: {  	[tilespmem:s0+$0xFFFFFF80] =	vst v2;
	v6 =	vtrunc.f32 v6;
	v5 =	vld [tilespmem:s2+$0xFFFFFF10];
	v3 =	vcvt.f32.s32 v3  }
0x311: {  	[tilespmem:s0+$0x0] =	vst v8;
	v2 =	vcvt.f32.s32 v6;
	v6 =	vld [tilespmem:s2+$0xFFFFFF90]  }
0x312: {  	v8 =	vld [tilespmem:s2+$0x10]  }
0x313: {  	v4 =	vld.idx.msk [tilespmem:v4+s19+$0x0], $0xffff  }
0x314: {  	[tilespmem:s31+$0xFFFFFF30] =	vst v1;
	v1 =	vld.idx.msk [tilespmem:v7+s19+$0x0], $0xffff  }
0x315: {  	v5 =	vmul.f32 $2.550000000e+02, v5;
	v7 =	vld [tilespmem:s22+$0xFFFFFF40]  }
0x316: {  	v6 =	vmul.f32 $2.550000000e+02, v6;
	v3 =	vld.idx.msk [tilespmem:v3+s19+$0x0], $0xffff  }
0x317: {  	v2 =	vld.idx.msk [tilespmem:v2+s19+$0x0], $0xffff;
	v5 =	vtrunc.f32 v5  }
0x318: {  	[tilespmem:s31+$0xFFFFFFB0] =	vst v4;
	v6 =	vtrunc.f32 v6;
	v4 =	vcvt.f32.s32 v5  }
0x319: {  	v5 =	vmul.f32 $2.550000000e+02, v8;
	v8 =	vld [tilespmem:s22+$0xFFFFFFC0];
	v6 =	vcvt.f32.s32 v6  }
0x31a: {  	[tilespmem:s31+$0x30] =	vst v1  }
0x31b: {  	v1 =	vtrunc.f32 v5;
	v5 =	vld [tilespmem:s22+$0x40];
	[tilespmem:s31+$0xC0] =	vst v3  }
0x31c: {  	v1 =	vcvt.f32.s32 v1;
	[tilespmem:s0+$0x90] =	vst v2;
	v3 =	vmul.f32 $2.550000000e+02, v7;
	v2 =	vld [tilespmem:s22+$0xD0]  }
0x31d: {  	v7 =	vld [tilespmem:s2+$0xA0]  }
0x31e: {  	v8 =	vmul.f32 $2.550000000e+02, v8;
	v4 =	vld.idx.msk [tilespmem:v4+s19+$0x0], $0xffff;
	v3 =	vtrunc.f32 v3  }
0x31f: {  	v6 =	vld.idx.msk [tilespmem:v6+s19+$0x0], $0xffff;
	v3 =	vcvt.f32.s32 v3  }
0x320: {  	v8 =	vtrunc.f32 v8;
	v5 =	vmul.f32 $2.550000000e+02, v5  }
0x321: {  	v8 =	vcvt.f32.s32 v8;
	v2 =	vmul.f32 $2.550000000e+02, v2  }
0x322: {  	v1 =	vld.idx.msk [tilespmem:v1+s19+$0x0], $0xffff;
	v5 =	vtrunc.f32 v5;
	v7 =	vmul.f32 $2.550000000e+02, v7  }
0x323: {  	[tilespmem:s0+$0xFFFFFF10] =	vst v4;
	v4 =	vcvt.f32.s32 v5;
	v2 =	vtrunc.f32 v2  }
0x324: {  	v7 =	vtrunc.f32 v7;
	[tilespmem:s0+$0xFFFFFF90] =	vst v6;
	v5 =	vld [tilespmem:s2+$0xFFFFFF20];
	v2 =	vcvt.f32.s32 v2  }
0x325: {  	v6 =	vcvt.f32.s32 v7;
	v7 =	vld [tilespmem:s2+$0xFFFFFFA0]  }
0x326: {  	v3 =	vld.idx.msk [tilespmem:v3+s19+$0x0], $0xffff  }
0x327: {  	s1 =	simm.s32 $0x700;
	[tilespmem:s0+$0x10] =	vst v1;
	v1 =	vld.idx.msk [tilespmem:v8+s19+$0x0], $0xffff  }
0x328: {  	v10 =	vld [tilespmem:s1+$0xFFFFFF80]  }
0x329: {  	v8 =	vld [tilespmem:s2+$0x20]  }
0x32a: {  	v5 =	vmul.f32 $2.550000000e+02, v5;
	v2 =	vld.idx.msk [tilespmem:v2+s19+$0x0], $0xffff  }
0x32b: {  	v7 =	vmul.f32 $2.550000000e+02, v7;
	[tilespmem:s31+$0xFFFFFF40] =	vst v3;
	v3 =	vld.idx.msk [tilespmem:v6+s19+$0x0], $0xffff  }
0x32c: {  	v9 =	vld [tilespmem:s1+$0x80];
	[tilespmem:s31+$0xFFFFFFC0] =	vst v1;
	v1 =	vtrunc.f32 v5  }
0x32d: {  	v6 =	vld [tilespmem:s22+$0xFFFFFF50];
	v7 =	vtrunc.f32 v7;
	v1 =	vcvt.f32.s32 v1  }
0x32e: {  	v11 =	vld [tilespmem:s1+$0xFFFFFF00];
	v10 =	vmul.f32 $2.550000000e+02, v10;
	v7 =	vcvt.f32.s32 v7  }
0x32f: {  	v5 =	vld [tilespmem:s22+$0xFFFFFFD0];
	[tilespmem:s31+$0xD0] =	vst v2  }
0x330: {  	v10 =	vtrunc.f32 v10;
	[tilespmem:s0+$0xA0] =	vst v3;
	v2 =	vmul.f32 $2.550000000e+02, v8;
	v3 =	vld [tilespmem:s22+$0xE0]  }
0x331: {  	v9 =	vmul.f32 $2.550000000e+02, v9;
	v10 =	vcvt.f32.s32 v10;
	v8 =	vld [tilespmem:s2+$0xB0]  }
0x332: {  	v4 =	vld.idx.msk [tilespmem:v4+s19+$0x0], $0xffff;
	v6 =	vmul.f32 $2.550000000e+02, v6;
	v2 =	vtrunc.f32 v2  }
0x333: {  	v11 =	vmul.f32 $2.550000000e+02, v11;
	v1 =	vld.idx.msk [tilespmem:v1+s19+$0x0], $0xffff;
	v2 =	vcvt.f32.s32 v2  }
0x334: {  	v5 =	vmul.f32 $2.550000000e+02, v5;
	v6 =	vtrunc.f32 v6;
	v7 =	vld.idx.msk [tilespmem:v7+s19+$0x0], $0xffff  }
0x335: {  	v6 =	vcvt.f32.s32 v6;
	v3 =	vmul.f32 $2.550000000e+02, v3  }
0x336: {  	v12 =	vld [tilespmem:s1+$0x0];
	v5 =	vtrunc.f32 v5;
	v8 =	vmul.f32 $2.550000000e+02, v8  }
0x337: {  	v10 =	vld.idx.msk [tilespmem:v10+s19+$0x0], $0xffff;
	[tilespmem:s31+$0x40] =	vst v4;
	v5 =	vcvt.f32.s32 v5;
	v3 =	vtrunc.f32 v3  }
0x338: {  	v4 =	vld [tilespmem:s22+$0x50];
	v8 =	vtrunc.f32 v8;
	[tilespmem:s0+$0xFFFFFF20] =	vst v1;
	v3 =	vcvt.f32.s32 v3  }
0x339: {  	[tilespmem:s0+$0xFFFFFFA0] =	vst v7;
	v8 =	vcvt.f32.s32 v8;
	v1 =	vld.idx.msk [tilespmem:v2+s19+$0x0], $0xffff;
	v2 =	vtrunc.f32 v9  }
0x33a: {  	v7 =	vtrunc.f32 v11;
	v11 =	vld [tilespmem:s2+$0xFFFFFFB0];
	v2 =	vcvt.f32.s32 v2  }
0x33b: {  	v7 =	vcvt.f32.s32 v7;
	v9 =	vld [tilespmem:s2+$0xFFFFFF30]  }
0x33c: {  	v6 =	vld.idx.msk [tilespmem:v6+s19+$0x0], $0xffff  }
0x33d: {  	v4 =	vmul.f32 $2.550000000e+02, v4;
	v5 =	vld.idx.msk [tilespmem:v5+s19+$0x0], $0xffff  }
0x33e: {  	v3 =	vld.idx.msk [tilespmem:v3+s19+$0x0], $0xffff  }
0x33f: {  	v12 =	vmul.f32 $2.550000000e+02, v12;
	v4 =	vtrunc.f32 v4;
	v8 =	vld.idx.msk [tilespmem:v8+s19+$0x0], $0xffff  }
0x340: {  	v4 =	vcvt.f32.s32 v4;
	[tilespmem:s0+$0x20] =	vst v1;
	v1 =	vld.idx.msk [tilespmem:v2+s19+$0x0], $0xffff  }
0x341: {  	v9 =	vmul.f32 $2.550000000e+02, v9;
	v7 =	vld.idx.msk [tilespmem:v7+s19+$0x0], $0xffff;
	v2 =	vtrunc.f32 v12  }
0x342: {  	[tilespmem:s31+$0xFFFFFF50] =	vst v6;
	v60 =	vld [tilespmem:s2+$0x30];
	v2 =	vcvt.f32.s32 v2  }
0x343: {  	v6 =	vtrunc.f32 v9;
	v9 =	vmul.f32 $2.550000000e+02, v11;
	v11 =	vld [tilespmem:s22+$0xFFFFFF60];
	[tilespmem:s31+$0xE0] =	vst v3  }
0x344: {  	s16 =	simm.s32 $0xCF00;
	[tilespmem:s0+$0xB0] =	vst v8;
	v8 =	vld [tilespmem:s22+$0xF0]  }
0x345: {  	v6 =	vcvt.f32.s32 v6;
	v3 =	vtrunc.f32 v9;
	[tilespmem:s16+$0x80] =	vst v1;
	v1 =	vld [tilespmem:s2+$0xC0]  }
0x346: {  	v3 =	vcvt.f32.s32 v3;
	v61 =	vld [tilespmem:s1+$0x90]  }
0x347: {  	v4 =	vld.idx.msk [tilespmem:v4+s19+$0x0], $0xffff;
	v9 =	vmul.f32 $2.550000000e+02, v60  }
0x348: {  	[tilespmem:s31+$0xFFFFFFD0] =	vst v5;
	v11 =	vmul.f32 $2.550000000e+02, v11;
	v2 =	vld.idx.msk [tilespmem:v2+s19+$0x0], $0xffff  }
0x349: {  	v62 =	vld [tilespmem:s22+$0xFFFFFFE0];
	[tilespmem:s16+$0xFFFFFF00] =	vst v7;
	v9 =	vtrunc.f32 v9;
	v7 =	vmul.f32 $2.550000000e+02, v8  }
0x34a: {  	v8 =	vcvt.f32.s32 v9;
	v9 =	vld [tilespmem:s1+$0xFFFFFF10];
	v1 =	vmul.f32 $2.550000000e+02, v1  }
0x34b: {  	v6 =	vld.idx.msk [tilespmem:v6+s19+$0x0], $0xffff;
	v5 =	vmul.f32 $2.550000000e+02, v61;
	v7 =	vtrunc.f32 v7  }
0x34c: {  	[tilespmem:s16+$0xFFFFFF80] =	vst v10;
	v3 =	vld.idx.msk [tilespmem:v3+s19+$0x0], $0xffff;
	v1 =	vtrunc.f32 v1;
	v7 =	vcvt.f32.s32 v7  }
0x34d: {  	v10 =	vld [tilespmem:s1+$0xFFFFFF90];
	[tilespmem:s16+$0x0] =	vst v2;
	v5 =	vtrunc.f32 v5;
	v1 =	vcvt.f32.s32 v1  }
0x34e: {  	[tilespmem:s31+$0x50] =	vst v4;
	v12 =	vmul.f32 $2.550000000e+02, v62;
	v4 =	vld [tilespmem:s1+$0x10];
	v2 =	vcvt.f32.s32 v5  }
0x34f: {  	v5 =	vtrunc.f32 v11;
	v11 =	vld [tilespmem:s22+$0x60];
	v9 =	vmul.f32 $2.550000000e+02, v9  }
0x350: {  	[tilespmem:s0+$0xFFFFFF30] =	vst v6;
	v5 =	vcvt.f32.s32 v5;
	v6 =	vld.idx.msk [tilespmem:v8+s19+$0x0], $0xffff  }
0x351: {  	[tilespmem:s0+$0xFFFFFFB0] =	vst v3;
	v3 =	vtrunc.f32 v12;
	v8 =	vtrunc.f32 v9;
	v9 =	vld [tilespmem:s2+$0xFFFFFF40]  }
0x352: {  	v3 =	vcvt.f32.s32 v3;
	v8 =	vcvt.f32.s32 v8;
	v13 =	vld.idx.msk [tilespmem:v7+s19+$0x0], $0xffff  }
0x353: {  	v4 =	vmul.f32 $2.550000000e+02, v4;
	v7 =	vmul.f32 $2.550000000e+02, v10;
	v1 =	vld.idx.msk [tilespmem:v1+s19+$0x0], $0xffff  }
0x354: {  	v10 =	vld [tilespmem:s2+$0xFFFFFFC0]  }
0x355: {  	v2 =	vld.idx.msk [tilespmem:v2+s19+$0x0], $0xffff;
	v4 =	vtrunc.f32 v4;
	v7 =	vtrunc.f32 v7  }
0x356: {  	[tilespmem:s0+$0x30] =	vst v6;
	v5 =	vld.idx.msk [tilespmem:v5+s19+$0x0], $0xffff;
	v4 =	vcvt.f32.s32 v4;
	v7 =	vcvt.f32.s32 v7  }
0x357: {  	v6 =	vmul.f32 $2.550000000e+02, v9;
	v9 =	vmul.f32 $2.550000000e+02, v11;
	v11 =	vld [tilespmem:s2+$0x40]  }
0x358: {  	v8 =	vld.idx.msk [tilespmem:v8+s19+$0x0], $0xffff  }
0x359: {  	v3 =	vld.idx.msk [tilespmem:v3+s19+$0x0], $0xffff;
	v6 =	vtrunc.f32 v6;
	[tilespmem:s0+$0xC0] =	vst v1;
	v1 =	vtrunc.f32 v9  }
0x35a: {  	v9 =	vmul.f32 $2.550000000e+02, v10;
	[tilespmem:s16+$0x90] =	vst v2;
	v2 =	vcvt.f32.s32 v6;
	v6 =	vld [tilespmem:s2+$0xD0]  }
0x35b: {  	v1 =	vcvt.f32.s32 v1;
	v10 =	vld [tilespmem:s1+$0xA0]  }
0x35c: {  	v9 =	vtrunc.f32 v9;
	v11 =	vmul.f32 $2.550000000e+02, v11;
	v4 =	vld.idx.msk [tilespmem:v4+s19+$0x0], $0xffff  }
0x35d: {  	v9 =	vcvt.f32.s32 v9;
	v7 =	vld.idx.msk [tilespmem:v7+s19+$0x0], $0xffff;
	[tilespmem:s16+$0xFFFFFF10] =	vst v8  }
0x35e: {  	[tilespmem:s31+$0xFFFFFFE0] =	vst v3;
	v8 =	vtrunc.f32 v11;
	v11 =	vld [tilespmem:s1+$0xFFFFFF20]  }
0x35f: {  	v63 =	vld [tilespmem:s22+$0xFFFFFFF0];
	v6 =	vmul.f32 $2.550000000e+02, v6  }
0x360: {  	v8 =	vcvt.f32.s32 v8;
	v10 =	vmul.f32 $2.550000000e+02, v10;
	v2 =	vld.idx.msk [tilespmem:v2+s19+$0x0], $0xffff  }
0x361: {  	[tilespmem:s31+$0xFFFFFF60] =	vst v5;
	v1 =	vld.idx.msk [tilespmem:v1+s19+$0x0], $0xffff;
	v5 =	vtrunc.f32 v6  }
0x362: {  	[tilespmem:s16+$0xFFFFFF90] =	vst v7;
	v6 =	vtrunc.f32 v10;
	v5 =	vcvt.f32.s32 v5;
	v7 =	vld [tilespmem:s22+$0xFFFFFF70]  }
0x363: {  	[tilespmem:s16+$0x10] =	vst v4;
	v9 =	vld.idx.msk [tilespmem:v9+s19+$0x0], $0xffff;
	v4 =	vcvt.f32.s32 v6;
	v6 =	vmul.f32 $2.550000000e+02, v11  }
0x364: {  	v10 =	vld [tilespmem:s1+$0xFFFFFFA0]  }
0x365: {  	v11 =	vld [tilespmem:s1+$0x20];
	v6 =	vtrunc.f32 v6  }
0x366: {  	[tilespmem:s0+$0xFFFFFF40] =	vst v2;
	v2 =	vld.idx.msk [tilespmem:v8+s19+$0x0], $0xffff;
	v6 =	vcvt.f32.s32 v6  }
0x367: {  	v8 =	vld [tilespmem:s2+$0xFFFFFF50]  }
0x368: {  	v3 =	vmul.f32 $2.550000000e+02, v7;
	v5 =	vld.idx.msk [tilespmem:v5+s19+$0x0], $0xffff  }
0x369: {  	[tilespmem:s31+$0x60] =	vst v1;
	v1 =	vmul.f32 $2.550000000e+02, v10;
	v4 =	vld.idx.msk [tilespmem:v4+s19+$0x0], $0xffff  }
0x36a: {  	v14 =	vld [tilespmem:s22+$0x70];
	[tilespmem:s0+$0xFFFFFFC0] =	vst v9;
	v11 =	vmul.f32 $2.550000000e+02, v11;
	v3 =	vtrunc.f32 v3  }
0x36b: {  	v7 =	vld [tilespmem:s2+$0xFFFFFFD0];
	v9 =	vtrunc.f32 v1;
	v1 =	vcvt.f32.s32 v3  }
0x36c: {  	[tilespmem:s0+$0x40] =	vst v2;
	v15 =	vmul.f32 $2.550000000e+02, v8;
	v2 =	vtrunc.f32 v11;
	v10 =	vld.idx.msk [tilespmem:v6+s19+$0x0], $0xffff  }
0x36d: {  	v8 =	vcvt.f32.s32 v9;
	v9 =	vcvt.f32.s32 v2;
	v6 =	vld [tilespmem:s2+$0x50];
	[tilespmem:s0+$0xD0] =	vst v5  }
0x36e: {  	v2 =	vmul.f32 $2.550000000e+02, v63;
	v3 =	vtrunc.f32 v15;
	[tilespmem:s16+$0xA0] =	vst v4;
	v4 =	vld [tilespmem:s2+$0xE0]  }
0x36f: {  	s15 =	simm.s32 $0xCF00;
	s20 =	simm.s32 $0x8;
	[tilespmem:s31+$0xF0] =	vst v13;
	s22 =	simm.s32 $0x900;
	v5 =	vcvt.f32.s32 v3;
	v3 =	vmul.f32 $2.550000000e+02, v14;
	v11 =	vld [tilespmem:s1+$0xB0]  }
.LBB2_8:
0x370: {  	v12 =	vld [tilespmem:s22+$0x80];
	s20 =	sadd.s32 $0x4, s20;
	v7 =	vmul.f32 $2.550000000e+02, v7;
	v2 =	vtrunc.f32 v2  }
0x371: {  	v13 =	vld [tilespmem:s22+$0xFFFFFF80];
	p0 =	slt.u32 s20, $0xC4;
	v2 =	vcvt.f32.s32 v2;
	v3 =	vtrunc.f32 v3  }
0x372: {  	v14 =	vld [tilespmem:s22+$0x0];
	[tilespmem:s16+$0xFFFFFF20] =	vst v10;
	v7 =	vtrunc.f32 v7;
	v6 =	vmul.f32 $2.550000000e+02, v6  }
0x373: {  	v10 =	vld [tilespmem:s22+$0xFFFFFF00];
	v7 =	vcvt.f32.s32 v7;
	v4 =	vmul.f32 $2.550000000e+02, v4  }
0x374: {  	v8 =	vld.idx.msk [tilespmem:v8+s19+$0x0], $0xffff;
	v11 =	vmul.f32 $2.550000000e+02, v11;
	v6 =	vtrunc.f32 v6  }
0x375: {  	v12 =	vmul.f32 $2.550000000e+02, v12;
	v9 =	vld.idx.msk [tilespmem:v9+s19+$0x0], $0xffff;
	v4 =	vtrunc.f32 v4  }
0x376: {  	v15 =	vld [tilespmem:s1+$0xFFFFFF30];
	v11 =	vtrunc.f32 v11;
	v4 =	vcvt.f32.s32 v4  }
0x377: {  	v12 =	vtrunc.f32 v12;
	v11 =	vcvt.f32.s32 v11;
	v5 =	vld.idx.msk [tilespmem:v5+s19+$0x0], $0xffff  }
0x378: {  	v10 =	vmul.f32 $2.550000000e+02, v10;
	v12 =	vcvt.f32.s32 v12;
	v1 =	vld.idx.msk [tilespmem:v1+s19+$0x0], $0xffff  }
0x379: {  	v13 =	vmul.f32 $2.550000000e+02, v13;
	v14 =	vmul.f32 $2.550000000e+02, v14;
	v7 =	vld.idx.msk [tilespmem:v7+s19+$0x0], $0xffff  }
0x37a: {  	v6 =	vcvt.f32.s32 v6;
	v10 =	vtrunc.f32 v10;
	[tilespmem:s16+$0xFFFFFFA0] =	vst v8;
	v2 =	vld.idx.msk [tilespmem:v2+s19+$0x0], $0xffff  }
0x37b: {  	v8 =	vtrunc.f32 v13;
	v13 =	vtrunc.f32 v14;
	v14 =	vld [tilespmem:s1+$0xFFFFFFB0];
	[tilespmem:s16+$0x20] =	vst v9  }
0x37c: {  	v9 =	vcvt.f32.s32 v10;
	v8 =	vcvt.f32.s32 v8;
	v4 =	vld.idx.msk [tilespmem:v4+s19+$0x0], $0xffff  }
0x37d: {  	v10 =	vcvt.f32.s32 v13;
	v13 =	vmul.f32 $2.550000000e+02, v15;
	v11 =	vld.idx.msk [tilespmem:v11+s19+$0x0], $0xffff;
	[tilespmem:s0+$0xFFFFFF50] =	vst v5  }
0x37e: {  	v5 =	vld.idx.msk [tilespmem:v12+s19+$0x0], $0xffff;
	[tilespmem:s31+$0xFFFFFF70] =	vst v1;
	v1 =	vcvt.f32.s32 v3  }
0x37f: {  	v3 =	vtrunc.f32 v13;
	v12 =	vld [tilespmem:s1+$0x30];
	[tilespmem:s0+$0xFFFFFFD0] =	vst v7  }
0x380: {  	v3 =	vcvt.f32.s32 v3;
	v7 =	vmul.f32 $2.550000000e+02, v14;
	v6 =	vld.idx.msk [tilespmem:v6+s19+$0x0], $0xffff;
	[tilespmem:s31+$0xFFFFFFF0] =	vst v2  }
0x381: {  	v2 =	vld [tilespmem:s2+$0xFFFFFF60]  }
0x382: {  	v9 =	vld.idx.msk [tilespmem:v9+s19+$0x0], $0xffff;
	v7 =	vtrunc.f32 v7;
	[tilespmem:s0+$0xE0] =	vst v4  }
0x383: {  	s16 =	sadd.s32 $0x200, s16;
	v4 =	vcvt.f32.s32 v7;
	[tilespmem:s15+$0xB0] =	vst v11;
	v7 =	vld [tilespmem:s2+$0xF0]  }
0x384: {  	[tilespmem:s16+$0x80] =	vst v5;
	v5 =	vmul.f32 $2.550000000e+02, v12;
	v11 =	vld [tilespmem:s1+$0xC0]  }
0x385: {  	v12 =	vld [tilespmem:s22+$0x90]  }
0x386: {  	v8 =	vld.idx.msk [tilespmem:v8+s19+$0x0], $0xffff;
	v5 =	vtrunc.f32 v5;
	v2 =	vmul.f32 $2.550000000e+02, v2;
	[tilespmem:s0+$0x50] =	vst v6  }
0x387: {  	v6 =	vld.idx.msk [tilespmem:v10+s19+$0x0], $0xffff;
	v5 =	vcvt.f32.s32 v5  }
0x388: {  	[tilespmem:s16+$0xFFFFFF00] =	vst v9;
	v3 =	vld.idx.msk [tilespmem:v3+s19+$0x0], $0xffff;
	v2 =	vtrunc.f32 v2;
	v7 =	vmul.f32 $2.550000000e+02, v7  }
0x389: {  	v9 =	vld [tilespmem:s22+$0xFFFFFF10];
	v10 =	vmul.f32 $2.550000000e+02, v11;
	v2 =	vcvt.f32.s32 v2  }
0x38a: {  	v11 =	vmul.f32 $2.550000000e+02, v12;
	v4 =	vld.idx.msk [tilespmem:v4+s19+$0x0], $0xffff;
	v7 =	vtrunc.f32 v7  }
0x38b: {  	v10 =	vtrunc.f32 v10;
	v12 =	vld [tilespmem:s2+$0xFFFFFFE0];
	v7 =	vcvt.f32.s32 v7  }
0x38c: {  	[tilespmem:s16+$0xFFFFFF80] =	vst v8;
	v8 =	vtrunc.f32 v11;
	v10 =	vcvt.f32.s32 v10;
	v11 =	vld [tilespmem:s2+$0x60]  }
0x38d: {  	v13 =	vld [tilespmem:s22+$0xFFFFFF90];
	[tilespmem:s16+$0x0] =	vst v6;
	v6 =	vcvt.f32.s32 v8  }
0x38e: {  	v8 =	vmul.f32 $2.550000000e+02, v9;
	v9 =	vld [tilespmem:s22+$0x10];
	[tilespmem:s15+$0xFFFFFF30] =	vst v3  }
0x38f: {  	v3 =	vld.idx.msk [tilespmem:v5+s19+$0x0], $0xffff  }
0x390: {  	v5 =	vtrunc.f32 v8;
	v8 =	vld [tilespmem:s1+$0xFFFFFF40];
	[tilespmem:s15+$0xFFFFFFB0] =	vst v4;
	v4 =	vmul.f32 $2.550000000e+02, v12  }
0x391: {  	v5 =	vcvt.f32.s32 v5;
	v11 =	vmul.f32 $2.550000000e+02, v11;
	v7 =	vld.idx.msk [tilespmem:v7+s19+$0x0], $0xffff  }
0x392: {  	v12 =	vmul.f32 $2.550000000e+02, v13;
	v10 =	vld.idx.msk [tilespmem:v10+s19+$0x0], $0xffff;
	v4 =	vtrunc.f32 v4  }
0x393: {  	v9 =	vmul.f32 $2.550000000e+02, v9;
	v6 =	vld.idx.msk [tilespmem:v6+s19+$0x0], $0xffff;
	v11 =	vtrunc.f32 v11  }
0x394: {  	v4 =	vcvt.f32.s32 v4;
	v12 =	vtrunc.f32 v12;
	v13 =	vld [tilespmem:s1+$0xFFFFFFC0]  }
0x395: {  	v12 =	vcvt.f32.s32 v12;
	v9 =	vtrunc.f32 v9;
	[tilespmem:s15+$0x30] =	vst v3;
	v2 =	vld.idx.msk [tilespmem:v2+s19+$0x0], $0xffff  }
0x396: {  	v8 =	vmul.f32 $2.550000000e+02, v8;
	v3 =	vcvt.f32.s32 v9;
	v9 =	vld [tilespmem:s1+$0x40]  }
0x397: {  	v11 =	vcvt.f32.s32 v11;
	v5 =	vld.idx.msk [tilespmem:v5+s19+$0x0], $0xffff;
	[tilespmem:s0+$0xF0] =	vst v7  }
0x398: {  	v7 =	vtrunc.f32 v8;
	[tilespmem:s15+$0xC0] =	vst v10;
	v1 =	vld.idx.msk [tilespmem:v1+s19+$0x0], $0xffff  }
0x399: {  	[tilespmem:s16+$0x90] =	vst v6;
	v6 =	vcvt.f32.s32 v7;
	v7 =	vmul.f32 $2.550000000e+02, v13;
	v8 =	vld [tilespmem:s1+$0xD0]  }
0x39a: {  	v10 =	vld [tilespmem:s22+$0xA0]  }
0x39b: {  	v12 =	vld.idx.msk [tilespmem:v12+s19+$0x0], $0xffff;
	v7 =	vtrunc.f32 v7;
	v9 =	vmul.f32 $2.550000000e+02, v9;
	[tilespmem:s0+$0xFFFFFF60] =	vst v2  }
0x39c: {  	v2 =	vld.idx.msk [tilespmem:v3+s19+$0x0], $0xffff;
	v3 =	vcvt.f32.s32 v7  }
0x39d: {  	[tilespmem:s16+$0xFFFFFF10] =	vst v5;
	v5 =	vtrunc.f32 v9;
	v4 =	vld.idx.msk [tilespmem:v4+s19+$0x0], $0xffff  }
0x39e: {  	v7 =	vld [tilespmem:s22+$0xFFFFFF20];
	v5 =	vcvt.f32.s32 v5;
	v8 =	vmul.f32 $2.550000000e+02, v8;
	[tilespmem:s31+$0x70] =	vst v1;
	s31 =	smov.u32 s0;
	s0 =	smov.u32 s15;
	s15 =	smov.u32 s16  }
0x39f: {  	v1 =	vmul.f32 $2.550000000e+02, v10;
	v6 =	vld.idx.msk [tilespmem:v6+s19+$0x0], $0xffff  }
0x3a0: {  	v8 =	vtrunc.f32 v8;
	v9 =	vld.idx.msk [tilespmem:v11+s19+$0x0], $0xffff  }
0x3a1: {  	[tilespmem:s16+$0xFFFFFF90] =	vst v12;
	v1 =	vtrunc.f32 v1;
	v8 =	vcvt.f32.s32 v8;
	v10 =	vld [tilespmem:s2+$0xFFFFFF70]  }
0x3a2: {  	v11 =	vld [tilespmem:s22+$0xFFFFFFA0];
	[tilespmem:s16+$0x10] =	vst v2;
	v1 =	vcvt.f32.s32 v1  }
0x3a3: {  	v2 =	vmul.f32 $2.550000000e+02, v7;
	v7 =	vld [tilespmem:s22+$0x20];
	[tilespmem:s31+$0xFFFFFFE0] =	vst v4  }
0x3a4: {  	v3 =	vld.idx.msk [tilespmem:v3+s19+$0x0], $0xffff  }
0x3a5: {  	v2 =	vtrunc.f32 v2;
	[tilespmem:s0+$0xFFFFFF40] =	vst v6;
	v4 =	vld.idx.msk [tilespmem:v5+s19+$0x0], $0xffff  }
0x3a6: {  	v2 =	vcvt.f32.s32 v2;
	v5 =	vld [tilespmem:s1+$0xFFFFFF50];
	v6 =	vmul.f32 $2.550000000e+02, v10;
	[tilespmem:s31+$0x60] =	vst v9  }
0x3a7: {  	v9 =	vmul.f32 $2.550000000e+02, v11;
	v11 =	vld.idx.msk [tilespmem:v8+s19+$0x0], $0xffff  }
0x3a8: {  	v7 =	vmul.f32 $2.550000000e+02, v7;
	v12 =	vld.idx.msk [tilespmem:v1+s19+$0x0], $0xffff;
	v1 =	vtrunc.f32 v6  }
0x3a9: {  	v6 =	vtrunc.f32 v9;
	v1 =	vcvt.f32.s32 v1;
	v13 =	vld [tilespmem:s2+$0xFFFFFFF0]  }
0x3aa: {  	v8 =	vcvt.f32.s32 v6;
	v6 =	vtrunc.f32 v7;
	[tilespmem:s0+$0xFFFFFFC0] =	vst v3;
	v3 =	vld [tilespmem:s2+$0x70];
	s2 =	smov.u32 s1;
	s1 =	smov.u32 s22  }
.Ltmp3:
0x3ab: {  	v9 =	vcvt.f32.s32 v6;
	v5 =	vmul.f32 $2.550000000e+02, v5;
	v7 =	vld [tilespmem:s2+$0xFFFFFFD0];
	[tilespmem:s0+$0x40] =	vst v4;
	(pc) =	sbr.rel @p0 .LBB2_8-.Ltmp3, $4  }
0x3ac: {  	v10 =	vld.idx.msk [tilespmem:v2+s19+$0x0], $0xffff  }
0x3ad: {  	v2 =	vtrunc.f32 v5;
	v6 =	vld [tilespmem:s2+$0x50];
	[tilespmem:s0+$0xD0] =	vst v11  }
0x3ae: {  	[tilespmem:s16+$0xA0] =	vst v12;
	v5 =	vcvt.f32.s32 v2;
	v4 =	vld [tilespmem:s2+$0xE0];
	v2 =	vmul.f32 $2.550000000e+02, v13  }
0x3af: {  	s22 =	sadd.s32 $0x200, s22;
	v11 =	vld [tilespmem:s1+$0xB0];
	v3 =	vmul.f32 $2.550000000e+02, v3  }
0x3b0: {  	_ =	sdelay $0x3  }
0x3b1: {  	v8 =	vld.idx.msk [tilespmem:v8+s19+$0x0], $0xffff  }
0x3b2: {  	v9 =	vld.idx.msk [tilespmem:v9+s19+$0x0], $0xffff;
	[tilespmem:s16+$0xFFFFFF20] =	vst v10  }
0x3b3: {  	v10 =	vld [tilespmem:s1+$0xFFFFFF30];
	_ =	sdelay $0x1  }
0x3b4: {  	v11 =	vmul.f32 $2.550000000e+02, v11  }
0x3b5: {  	[tilespmem:s16+$0xFFFFFFA0] =	vst v8  }
0x3b6: {  	[tilespmem:s16+$0x20] =	vst v9;
	v8 =	vld [tilespmem:s1+$0xFFFFFFB0];
	v11 =	vtrunc.f32 v11  }
0x3b7: {  	v9 =	vld [tilespmem:s1+$0x30];
	v10 =	vmul.f32 $2.550000000e+02, v10;
	v11 =	vcvt.f32.s32 v11;
	_ =	sdelay $0x1  }
0x3b8: {  	v10 =	vtrunc.f32 v10  }
0x3b9: {  	v10 =	vcvt.f32.s32 v10  }
0x3ba: {  	v8 =	vmul.f32 $2.550000000e+02, v8  }
0x3bb: {  	v9 =	vmul.f32 $2.550000000e+02, v9  }
0x3bc: {  	v8 =	vtrunc.f32 v8;
	v11 =	vld.idx.msk [tilespmem:v11+s19+$0x0], $0xffff  }
0x3bd: {  	v9 =	vtrunc.f32 v9;
	v8 =	vcvt.f32.s32 v8  }
0x3be: {  	v9 =	vcvt.f32.s32 v9  }
0x3bf: {  	v10 =	vld.idx.msk [tilespmem:v10+s19+$0x0], $0xffff;
	_ =	sdelay $0x1  }
0x3c0: {  	[tilespmem:s15+$0xB0] =	vst v11  }
0x3c1: {  	v11 =	vld [tilespmem:s1+$0xC0]  }
0x3c2: {  	v8 =	vld.idx.msk [tilespmem:v8+s19+$0x0], $0xffff  }
0x3c3: {  	v9 =	vld.idx.msk [tilespmem:v9+s19+$0x0], $0xffff;
	[tilespmem:s15+$0xFFFFFF30] =	vst v10  }
0x3c4: {  	v10 =	vld [tilespmem:s1+$0xFFFFFF40];
	_ =	sdelay $0x1  }
0x3c5: {  	v11 =	vmul.f32 $2.550000000e+02, v11  }
0x3c6: {  	[tilespmem:s15+$0xFFFFFFB0] =	vst v8  }
0x3c7: {  	[tilespmem:s15+$0x30] =	vst v9;
	v8 =	vld [tilespmem:s1+$0xFFFFFFC0];
	v11 =	vtrunc.f32 v11  }
0x3c8: {  	v9 =	vld [tilespmem:s1+$0x40];
	v10 =	vmul.f32 $2.550000000e+02, v10;
	v11 =	vcvt.f32.s32 v11;
	_ =	sdelay $0x1  }
0x3c9: {  	v10 =	vtrunc.f32 v10  }
0x3ca: {  	v10 =	vcvt.f32.s32 v10  }
0x3cb: {  	v8 =	vmul.f32 $2.550000000e+02, v8  }
0x3cc: {  	v9 =	vmul.f32 $2.550000000e+02, v9  }
0x3cd: {  	v8 =	vtrunc.f32 v8;
	v11 =	vld.idx.msk [tilespmem:v11+s19+$0x0], $0xffff  }
0x3ce: {  	v9 =	vtrunc.f32 v9;
	v8 =	vcvt.f32.s32 v8  }
0x3cf: {  	v9 =	vcvt.f32.s32 v9  }
0x3d0: {  	v10 =	vld.idx.msk [tilespmem:v10+s19+$0x0], $0xffff;
	_ =	sdelay $0x1  }
0x3d1: {  	[tilespmem:s15+$0xC0] =	vst v11  }
0x3d2: {  	v6 =	vmul.f32 $2.550000000e+02, v6;
	v11 =	vld [tilespmem:s1+$0xD0]  }
0x3d3: {  	v8 =	vld.idx.msk [tilespmem:v8+s19+$0x0], $0xffff  }
0x3d4: {  	v7 =	vmul.f32 $2.550000000e+02, v7;
	v6 =	vtrunc.f32 v6;
	v9 =	vld.idx.msk [tilespmem:v9+s19+$0x0], $0xffff;
	[tilespmem:s15+$0xFFFFFF40] =	vst v10  }
0x3d5: {  	v6 =	vcvt.f32.s32 v6;
	v10 =	vld [tilespmem:s1+$0xFFFFFF50]  }
0x3d6: {  	v7 =	vtrunc.f32 v7  }
0x3d7: {  	v7 =	vcvt.f32.s32 v7;
	v11 =	vmul.f32 $2.550000000e+02, v11  }
0x3d8: {  	v5 =	vld.idx.msk [tilespmem:v5+s19+$0x0], $0xffff;
	[tilespmem:s15+$0xFFFFFFC0] =	vst v8  }
0x3d9: {  	[tilespmem:s15+$0x40] =	vst v9;
	v8 =	vld [tilespmem:s1+$0xFFFFFFD0];
	v11 =	vtrunc.f32 v11  }
0x3da: {  	v9 =	vld [tilespmem:s1+$0x50];
	v10 =	vmul.f32 $2.550000000e+02, v10;
	v11 =	vcvt.f32.s32 v11  }
0x3db: {  	v6 =	vld.idx.msk [tilespmem:v6+s19+$0x0], $0xffff  }
0x3dc: {  	v10 =	vtrunc.f32 v10  }
0x3dd: {  	[tilespmem:s0+$0xFFFFFF50] =	vst v5;
	v7 =	vld.idx.msk [tilespmem:v7+s19+$0x0], $0xffff;
	v5 =	vcvt.f32.s32 v10  }
0x3de: {  	v8 =	vmul.f32 $2.550000000e+02, v8  }
0x3df: {  	v10 =	vld [tilespmem:s2+$0xFFFFFF60];
	v9 =	vmul.f32 $2.550000000e+02, v9  }
0x3e0: {  	[tilespmem:s0+$0x50] =	vst v6;
	v8 =	vtrunc.f32 v8;
	v6 =	vld.idx.msk [tilespmem:v11+s19+$0x0], $0xffff  }
0x3e1: {  	v9 =	vtrunc.f32 v9;
	v11 =	vld [tilespmem:s2+$0x60];
	v8 =	vcvt.f32.s32 v8  }
0x3e2: {  	v4 =	vmul.f32 $2.550000000e+02, v4;
	[tilespmem:s0+$0xFFFFFFD0] =	vst v7;
	v7 =	vcvt.f32.s32 v9  }
0x3e3: {  	v5 =	vld.idx.msk [tilespmem:v5+s19+$0x0], $0xffff  }
0x3e4: {  	v4 =	vtrunc.f32 v4;
	v9 =	vld [tilespmem:s2+$0xFFFFFFE0]  }
0x3e5: {  	v4 =	vcvt.f32.s32 v4;
	[tilespmem:s15+$0xD0] =	vst v6  }
0x3e6: {  	v10 =	vmul.f32 $2.550000000e+02, v10;
	v6 =	vmul.f32 $2.550000000e+02, v11;
	v11 =	vld [tilespmem:s1+$0xE0]  }
0x3e7: {  	v8 =	vld.idx.msk [tilespmem:v8+s19+$0x0], $0xffff  }
0x3e8: {  	v10 =	vtrunc.f32 v10;
	v7 =	vld.idx.msk [tilespmem:v7+s19+$0x0], $0xffff;
	[tilespmem:s15+$0xFFFFFF50] =	vst v5;
	v5 =	vtrunc.f32 v6  }
0x3e9: {  	v9 =	vmul.f32 $2.550000000e+02, v9;
	v5 =	vcvt.f32.s32 v5  }
0x3ea: {  	v10 =	vcvt.f32.s32 v10  }
0x3eb: {  	v9 =	vtrunc.f32 v9;
	v6 =	vld [tilespmem:s1+$0xFFFFFF60];
	v11 =	vmul.f32 $2.550000000e+02, v11  }
0x3ec: {  	v4 =	vld.idx.msk [tilespmem:v4+s19+$0x0], $0xffff;
	v9 =	vcvt.f32.s32 v9;
	[tilespmem:s15+$0xFFFFFFD0] =	vst v8  }
0x3ed: {  	[tilespmem:s15+$0x50] =	vst v7;
	v7 =	vld [tilespmem:s1+$0xFFFFFFE0];
	v11 =	vtrunc.f32 v11  }
0x3ee: {  	v8 =	vld [tilespmem:s1+$0x60];
	v11 =	vcvt.f32.s32 v11  }
0x3ef: {  	v5 =	vld.idx.msk [tilespmem:v5+s19+$0x0], $0xffff  }
0x3f0: {  	v10 =	vld.idx.msk [tilespmem:v10+s19+$0x0], $0xffff;
	v6 =	vmul.f32 $2.550000000e+02, v6;
	_ =	sdelay $0x1  }
0x3f1: {  	v9 =	vld.idx.msk [tilespmem:v9+s19+$0x0], $0xffff;
	v6 =	vtrunc.f32 v6;
	v7 =	vmul.f32 $2.550000000e+02, v7  }
0x3f2: {  	[tilespmem:s0+$0xE0] =	vst v4;
	v4 =	vcvt.f32.s32 v6;
	v8 =	vmul.f32 $2.550000000e+02, v8  }
0x3f3: {  	v6 =	vtrunc.f32 v7;
	[tilespmem:s0+$0x60] =	vst v5;
	v5 =	vld.idx.msk [tilespmem:v11+s19+$0x0], $0xffff  }
0x3f4: {  	[tilespmem:s0+$0xFFFFFF60] =	vst v10;
	v8 =	vtrunc.f32 v8;
	v6 =	vcvt.f32.s32 v6  }
0x3f5: {  	v10 =	vld [tilespmem:s2+$0xFFFFFF70];
	v8 =	vcvt.f32.s32 v8  }
0x3f6: {  	v7 =	vld [tilespmem:s2+$0xF0];
	[tilespmem:s0+$0xFFFFFFE0] =	vst v9  }
0x3f7: {  	v9 =	vld [tilespmem:s2+$0xFFFFFFF0]  }
0x3f8: {  	v4 =	vld.idx.msk [tilespmem:v4+s19+$0x0], $0xffff;
	[tilespmem:s15+$0xE0] =	vst v5  }
0x3f9: {  	v5 =	vld [tilespmem:s1+$0xF0]  }
0x3fa: {  	v6 =	vld.idx.msk [tilespmem:v6+s19+$0x0], $0xffff  }
0x3fb: {  	v7 =	vmul.f32 $2.550000000e+02, v7;
	v8 =	vld.idx.msk [tilespmem:v8+s19+$0x0], $0xffff  }
0x3fc: {  	v2 =	vtrunc.f32 v2;
	v3 =	vtrunc.f32 v3;
	v11 =	vld [tilespmem:s2+$0x70]  }
0x3fd: {  	v2 =	vcvt.f32.s32 v2;
	v7 =	vtrunc.f32 v7  }
0x3fe: {  	[tilespmem:s15+$0xFFFFFF60] =	vst v4;
	v4 =	vcvt.f32.s32 v7;
	v7 =	vmul.f32 $2.550000000e+02, v9  }
0x3ff: {  	v3 =	vcvt.f32.s32 v3;
	v10 =	vmul.f32 $2.550000000e+02, v10;
	v9 =	vld [tilespmem:s1+$0xFFFFFF70];
	[tilespmem:s15+$0xFFFFFFE0] =	vst v6  }
0x400: {  	v7 =	vtrunc.f32 v7;
	v5 =	vmul.f32 $2.550000000e+02, v5;
	[tilespmem:s15+$0x60] =	vst v8;
	v8 =	vld [tilespmem:s1+$0xFFFFFFF0]  }
0x401: {  	v6 =	vtrunc.f32 v10;
	v10 =	vmul.f32 $2.550000000e+02, v11;
	v11 =	vld [tilespmem:s1+$0x70]  }
0x402: {  	v7 =	vcvt.f32.s32 v7;
	v6 =	vcvt.f32.s32 v6  }
0x403: {  	v5 =	vtrunc.f32 v5;
	v10 =	vtrunc.f32 v10  }
0x404: {  	v1 =	vld.idx.msk [tilespmem:v1+s19+$0x0], $0xffff;
	v9 =	vmul.f32 $2.550000000e+02, v9;
	v5 =	vcvt.f32.s32 v5  }
0x405: {  	v10 =	vcvt.f32.s32 v10;
	v8 =	vmul.f32 $2.550000000e+02, v8  }
0x406: {  	v2 =	vld.idx.msk [tilespmem:v2+s19+$0x0], $0xffff;
	v9 =	vtrunc.f32 v9;
	v11 =	vmul.f32 $2.550000000e+02, v11  }
0x407: {  	v4 =	vld.idx.msk [tilespmem:v4+s19+$0x0], $0xffff;
	v9 =	vcvt.f32.s32 v9;
	v8 =	vtrunc.f32 v8  }
0x408: {  	v3 =	vld.idx.msk [tilespmem:v3+s19+$0x0], $0xffff;
	v11 =	vtrunc.f32 v11;
	v8 =	vcvt.f32.s32 v8  }
0x409: {  	[tilespmem:s31+$0xFFFFFF70] =	vst v1;
	v1 =	vld.idx.msk [tilespmem:v7+s19+$0x0], $0xffff;
	v11 =	vcvt.f32.s32 v11  }
0x40a: {  	v6 =	vld.idx.msk [tilespmem:v6+s19+$0x0], $0xffff  }
0x40b: {  	[tilespmem:s31+$0xFFFFFFF0] =	vst v2;
	v2 =	vld.idx.msk [tilespmem:v5+s19+$0x0], $0xffff  }
0x40c: {  	[tilespmem:s0+$0xF0] =	vst v4;
	v4 =	vld.idx.msk [tilespmem:v10+s19+$0x0], $0xffff  }
0x40d: {  	[tilespmem:s31+$0x70] =	vst v3;
	v3 =	vld.idx.msk [tilespmem:v9+s19+$0x0], $0xffff  }
0x40e: {  	[tilespmem:s0+$0xFFFFFFF0] =	vst v1;
	v5 =	vld.idx.msk [tilespmem:v8+s19+$0x0], $0xffff  }
0x40f: {  	[tilespmem:s0+$0xFFFFFF70] =	vst v6;
	v1 =	vld.idx.msk [tilespmem:v11+s19+$0x0], $0xffff  }
0x410: {  	[tilespmem:s15+$0xF0] =	vst v2  }
0x411: {  	[tilespmem:s0+$0x70] =	vst v4  }
0x412: {  	[tilespmem:s15+$0xFFFFFF70] =	vst v3  }
0x413: {  	[tilespmem:s15+$0xFFFFFFF0] =	vst v5  }
0x414: {  	s20 =	simm.s32 $0xCA00;
	[tilespmem:s15+$0x70] =	vst v1  }
0x415: {  	[hbm4b:s10+s13] =	stream.strided.scatter [tilespmem:s20], [sflag:$0x7], $0x6400, s14, s13, $0x38;
	[tilespmem:$0x19200] =	vst v63  }
0x416: {  	_ =	swait.ge [sflag:s25], $0x6400  }
0x417: {  	[sflag:s25] =	ssyncset.done $0x0  }
0x418: {  	[sflag:s25] =	ssyncadd.s32 $0xFFFF9C00  }
0x419: {  	_ =	swait.ge [sflag:s26], $0x6400  }
0x41a: {  	[sflag:s26] =	ssyncset.done $0x0  }
0x41b: {  	s22 =	simm.s32 $0x6700;
	[sflag:s26] =	ssyncadd.s32 $0xFFFF9C00  }
0x41c: {  	v1 =	vld [tilespmem:s22+$0x80];
	_ =	sdelay $0x4  }
0x41d: {  	v1 =	vmul.f32 $2.550000000e+02, v1;
	_ =	sdelay $0x1  }
0x41e: {  	v1 =	vtrunc.f32 v1  }
0x41f: {  	v1 =	vcvt.f32.s32 v1;
	_ =	sdelay $0x3  }
0x420: {  	v2 =	vld [tilespmem:s22+$0xFFFFFF00]  }
0x421: {  	v3 =	vld [tilespmem:s22+$0xFFFFFF80]  }
0x422: {  	v1 =	vld.idx.msk [tilespmem:v1+s19+$0x0], $0xffff;
	_ =	sdelay $0x2  }
0x423: {  	v4 =	vld [tilespmem:s22+$0x0];
	v2 =	vmul.f32 $2.550000000e+02, v2  }
0x424: {  	s31 =	simm.s32 $0x12F00;
	v3 =	vmul.f32 $2.550000000e+02, v3  }
0x425: {  	v2 =	vtrunc.f32 v2;
	[tilespmem:s31+$0x80] =	vst v1  }
0x426: {  	v2 =	vcvt.f32.s32 v2;
	v1 =	vtrunc.f32 v3;
	v3 =	vld [tilespmem:s22+$0x90]  }
0x427: {  	v1 =	vcvt.f32.s32 v1  }
0x428: {  	v4 =	vmul.f32 $2.550000000e+02, v4;
	_ =	sdelay $0x1  }
0x429: {  	v4 =	vtrunc.f32 v4  }
0x42a: {  	v4 =	vcvt.f32.s32 v4;
	v3 =	vmul.f32 $2.550000000e+02, v3  }
0x42b: {  	v2 =	vld.idx.msk [tilespmem:v2+s19+$0x0], $0xffff  }
0x42c: {  	v1 =	vld.idx.msk [tilespmem:v1+s19+$0x0], $0xffff;
	v3 =	vtrunc.f32 v3  }
0x42d: {  	v3 =	vcvt.f32.s32 v3;
	_ =	sdelay $0x2  }
0x42e: {  	v4 =	vld.idx.msk [tilespmem:v4+s19+$0x0], $0xffff;
	[tilespmem:s31+$0xFFFFFF00] =	vst v2  }
0x42f: {  	v2 =	vld [tilespmem:s22+$0xFFFFFF10];
	[tilespmem:s31+$0xFFFFFF80] =	vst v1  }
0x430: {  	v1 =	vld [tilespmem:s22+$0xFFFFFF90]  }
0x431: {  	v3 =	vld.idx.msk [tilespmem:v3+s19+$0x0], $0xffff;
	_ =	sdelay $0x1  }
0x432: {  	[tilespmem:s31+$0x0] =	vst v4  }
0x433: {  	v4 =	vld [tilespmem:s22+$0x10];
	v2 =	vmul.f32 $2.550000000e+02, v2  }
0x434: {  	v1 =	vmul.f32 $2.550000000e+02, v1  }
0x435: {  	v2 =	vtrunc.f32 v2;
	[tilespmem:s31+$0x90] =	vst v3  }
0x436: {  	v2 =	vcvt.f32.s32 v2;
	v1 =	vtrunc.f32 v1;
	v3 =	vld [tilespmem:s22+$0xA0]  }
0x437: {  	v1 =	vcvt.f32.s32 v1  }
0x438: {  	v4 =	vmul.f32 $2.550000000e+02, v4;
	_ =	sdelay $0x1  }
0x439: {  	v4 =	vtrunc.f32 v4  }
0x43a: {  	v4 =	vcvt.f32.s32 v4;
	v3 =	vmul.f32 $2.550000000e+02, v3  }
0x43b: {  	v2 =	vld.idx.msk [tilespmem:v2+s19+$0x0], $0xffff  }
0x43c: {  	v1 =	vld.idx.msk [tilespmem:v1+s19+$0x0], $0xffff;
	v3 =	vtrunc.f32 v3  }
0x43d: {  	v3 =	vcvt.f32.s32 v3;
	_ =	sdelay $0x2  }
0x43e: {  	v4 =	vld.idx.msk [tilespmem:v4+s19+$0x0], $0xffff;
	[tilespmem:s31+$0xFFFFFF10] =	vst v2  }
0x43f: {  	v2 =	vld [tilespmem:s22+$0xFFFFFF20];
	[tilespmem:s31+$0xFFFFFF90] =	vst v1  }
0x440: {  	v1 =	vld [tilespmem:s22+$0xFFFFFFA0]  }
0x441: {  	v3 =	vld.idx.msk [tilespmem:v3+s19+$0x0], $0xffff;
	_ =	sdelay $0x1  }
0x442: {  	[tilespmem:s31+$0x10] =	vst v4  }
0x443: {  	v4 =	vld [tilespmem:s22+$0x20];
	v2 =	vmul.f32 $2.550000000e+02, v2;
	_ =	sdelay $0x1  }
0x444: {  	v2 =	vtrunc.f32 v2;
	v1 =	vmul.f32 $2.550000000e+02, v1;
	[tilespmem:s31+$0xA0] =	vst v3  }
0x445: {  	s2 =	simm.s32 $0x6900;
	v2 =	vcvt.f32.s32 v2;
	v3 =	vld [tilespmem:s22+$0xB0]  }
0x446: {  	v5 =	vld [tilespmem:s2+$0x80];
	v1 =	vtrunc.f32 v1  }
0x447: {  	v4 =	vmul.f32 $2.550000000e+02, v4;
	v1 =	vcvt.f32.s32 v1;
	_ =	sdelay $0x1  }
0x448: {  	v4 =	vtrunc.f32 v4  }
0x449: {  	v4 =	vcvt.f32.s32 v4;
	v3 =	vmul.f32 $2.550000000e+02, v3  }
0x44a: {  	v5 =	vmul.f32 $2.550000000e+02, v5;
	v2 =	vld.idx.msk [tilespmem:v2+s19+$0x0], $0xffff  }
0x44b: {  	v6 =	vld [tilespmem:s2+$0xFFFFFF00];
	v3 =	vtrunc.f32 v3  }
0x44c: {  	v5 =	vtrunc.f32 v5;
	v1 =	vld.idx.msk [tilespmem:v1+s19+$0x0], $0xffff;
	v3 =	vcvt.f32.s32 v3  }
0x44d: {  	v7 =	vld [tilespmem:s2+$0xFFFFFF80];
	v5 =	vcvt.f32.s32 v5  }
0x44e: {  	v8 =	vld [tilespmem:s2+$0x0]  }
0x44f: {  	[tilespmem:s31+$0xFFFFFF20] =	vst v2;
	v2 =	vld.idx.msk [tilespmem:v4+s19+$0x0], $0xffff;
	_ =	sdelay $0x1  }
0x450: {  	v4 =	vld [tilespmem:s22+$0xFFFFFF30];
	[tilespmem:s31+$0xFFFFFFA0] =	vst v1;
	v1 =	vmul.f32 $2.550000000e+02, v6  }
0x451: {  	v7 =	vmul.f32 $2.550000000e+02, v7;
	v3 =	vld.idx.msk [tilespmem:v3+s19+$0x0], $0xffff  }
0x452: {  	v8 =	vmul.f32 $2.550000000e+02, v8;
	v5 =	vld.idx.msk [tilespmem:v5+s19+$0x0], $0xffff;
	v1 =	vtrunc.f32 v1  }
0x453: {  	v7 =	vtrunc.f32 v7;
	[tilespmem:s31+$0x20] =	vst v2;
	v6 =	vld [tilespmem:s22+$0xFFFFFFB0];
	v1 =	vcvt.f32.s32 v1  }
0x454: {  	v8 =	vtrunc.f32 v8;
	v2 =	vcvt.f32.s32 v7;
	v7 =	vld [tilespmem:s22+$0x30]  }
0x455: {  	v8 =	vcvt.f32.s32 v8;
	v4 =	vmul.f32 $2.550000000e+02, v4  }
0x456: {  	s0 =	simm.s32 $0x13100;
	[tilespmem:s31+$0xB0] =	vst v3  }
0x457: {  	[tilespmem:s0+$0x80] =	vst v5;
	v3 =	vtrunc.f32 v4;
	v5 =	vld [tilespmem:s22+$0xC0]  }
0x458: {  	v4 =	vmul.f32 $2.550000000e+02, v6;
	v6 =	vld [tilespmem:s2+$0x90];
	v3 =	vcvt.f32.s32 v3  }
0x459: {  	v7 =	vmul.f32 $2.550000000e+02, v7;
	v1 =	vld.idx.msk [tilespmem:v1+s19+$0x0], $0xffff  }
0x45a: {  	v2 =	vld.idx.msk [tilespmem:v2+s19+$0x0], $0xffff  }
0x45b: {  	v8 =	vld.idx.msk [tilespmem:v8+s19+$0x0], $0xffff;
	v7 =	vtrunc.f32 v7;
	v4 =	vtrunc.f32 v4  }
0x45c: {  	v4 =	vcvt.f32.s32 v4;
	v5 =	vmul.f32 $2.550000000e+02, v5  }
0x45d: {  	v7 =	vcvt.f32.s32 v7;
	v6 =	vmul.f32 $2.550000000e+02, v6  }
0x45e: {  	[tilespmem:s0+$0xFFFFFF00] =	vst v1;
	v1 =	vld.idx.msk [tilespmem:v3+s19+$0x0], $0xffff;
	v3 =	vtrunc.f32 v5  }
0x45f: {  	[tilespmem:s0+$0xFFFFFF80] =	vst v2;
	v6 =	vtrunc.f32 v6;
	v5 =	vld [tilespmem:s2+$0xFFFFFF10];
	v3 =	vcvt.f32.s32 v3  }
0x460: {  	[tilespmem:s0+$0x0] =	vst v8;
	v2 =	vcvt.f32.s32 v6;
	v6 =	vld [tilespmem:s2+$0xFFFFFF90]  }
0x461: {  	v8 =	vld [tilespmem:s2+$0x10]  }
0x462: {  	v4 =	vld.idx.msk [tilespmem:v4+s19+$0x0], $0xffff  }
0x463: {  	[tilespmem:s31+$0xFFFFFF30] =	vst v1;
	v1 =	vld.idx.msk [tilespmem:v7+s19+$0x0], $0xffff  }
0x464: {  	v5 =	vmul.f32 $2.550000000e+02, v5;
	v7 =	vld [tilespmem:s22+$0xFFFFFF40]  }
0x465: {  	v6 =	vmul.f32 $2.550000000e+02, v6;
	v3 =	vld.idx.msk [tilespmem:v3+s19+$0x0], $0xffff  }
0x466: {  	v2 =	vld.idx.msk [tilespmem:v2+s19+$0x0], $0xffff;
	v5 =	vtrunc.f32 v5  }
0x467: {  	[tilespmem:s31+$0xFFFFFFB0] =	vst v4;
	v6 =	vtrunc.f32 v6;
	v4 =	vcvt.f32.s32 v5  }
0x468: {  	v5 =	vmul.f32 $2.550000000e+02, v8;
	v8 =	vld [tilespmem:s22+$0xFFFFFFC0];
	v6 =	vcvt.f32.s32 v6  }
0x469: {  	[tilespmem:s31+$0x30] =	vst v1  }
0x46a: {  	v1 =	vtrunc.f32 v5;
	v5 =	vld [tilespmem:s22+$0x40];
	[tilespmem:s31+$0xC0] =	vst v3  }
0x46b: {  	v1 =	vcvt.f32.s32 v1;
	[tilespmem:s0+$0x90] =	vst v2;
	v3 =	vmul.f32 $2.550000000e+02, v7;
	v2 =	vld [tilespmem:s22+$0xD0]  }
0x46c: {  	v7 =	vld [tilespmem:s2+$0xA0]  }
0x46d: {  	v8 =	vmul.f32 $2.550000000e+02, v8;
	v4 =	vld.idx.msk [tilespmem:v4+s19+$0x0], $0xffff;
	v3 =	vtrunc.f32 v3  }
0x46e: {  	v6 =	vld.idx.msk [tilespmem:v6+s19+$0x0], $0xffff;
	v3 =	vcvt.f32.s32 v3  }
0x46f: {  	v8 =	vtrunc.f32 v8;
	v5 =	vmul.f32 $2.550000000e+02, v5  }
0x470: {  	v8 =	vcvt.f32.s32 v8;
	v2 =	vmul.f32 $2.550000000e+02, v2  }
0x471: {  	v1 =	vld.idx.msk [tilespmem:v1+s19+$0x0], $0xffff;
	v5 =	vtrunc.f32 v5;
	v7 =	vmul.f32 $2.550000000e+02, v7  }
0x472: {  	[tilespmem:s0+$0xFFFFFF10] =	vst v4;
	v4 =	vcvt.f32.s32 v5;
	v2 =	vtrunc.f32 v2  }
0x473: {  	v7 =	vtrunc.f32 v7;
	[tilespmem:s0+$0xFFFFFF90] =	vst v6;
	v5 =	vld [tilespmem:s2+$0xFFFFFF20];
	v2 =	vcvt.f32.s32 v2  }
0x474: {  	v6 =	vcvt.f32.s32 v7;
	v7 =	vld [tilespmem:s2+$0xFFFFFFA0]  }
0x475: {  	v3 =	vld.idx.msk [tilespmem:v3+s19+$0x0], $0xffff  }
0x476: {  	s1 =	simm.s32 $0x6B00;
	[tilespmem:s0+$0x10] =	vst v1;
	v1 =	vld.idx.msk [tilespmem:v8+s19+$0x0], $0xffff  }
0x477: {  	v10 =	vld [tilespmem:s1+$0xFFFFFF80]  }
0x478: {  	v8 =	vld [tilespmem:s2+$0x20]  }
0x479: {  	v5 =	vmul.f32 $2.550000000e+02, v5;
	v2 =	vld.idx.msk [tilespmem:v2+s19+$0x0], $0xffff  }
0x47a: {  	v7 =	vmul.f32 $2.550000000e+02, v7;
	[tilespmem:s31+$0xFFFFFF40] =	vst v3;
	v3 =	vld.idx.msk [tilespmem:v6+s19+$0x0], $0xffff  }
0x47b: {  	v9 =	vld [tilespmem:s1+$0x80];
	[tilespmem:s31+$0xFFFFFFC0] =	vst v1;
	v1 =	vtrunc.f32 v5  }
0x47c: {  	v6 =	vld [tilespmem:s22+$0xFFFFFF50];
	v7 =	vtrunc.f32 v7;
	v1 =	vcvt.f32.s32 v1  }
0x47d: {  	v11 =	vld [tilespmem:s1+$0xFFFFFF00];
	v10 =	vmul.f32 $2.550000000e+02, v10;
	v7 =	vcvt.f32.s32 v7  }
0x47e: {  	v5 =	vld [tilespmem:s22+$0xFFFFFFD0];
	[tilespmem:s31+$0xD0] =	vst v2  }
0x47f: {  	v10 =	vtrunc.f32 v10;
	[tilespmem:s0+$0xA0] =	vst v3;
	v2 =	vmul.f32 $2.550000000e+02, v8;
	v3 =	vld [tilespmem:s22+$0xE0]  }
0x480: {  	v9 =	vmul.f32 $2.550000000e+02, v9;
	v10 =	vcvt.f32.s32 v10;
	v8 =	vld [tilespmem:s2+$0xB0]  }
0x481: {  	v4 =	vld.idx.msk [tilespmem:v4+s19+$0x0], $0xffff;
	v6 =	vmul.f32 $2.550000000e+02, v6;
	v2 =	vtrunc.f32 v2  }
0x482: {  	v11 =	vmul.f32 $2.550000000e+02, v11;
	v1 =	vld.idx.msk [tilespmem:v1+s19+$0x0], $0xffff;
	v2 =	vcvt.f32.s32 v2  }
0x483: {  	v5 =	vmul.f32 $2.550000000e+02, v5;
	v6 =	vtrunc.f32 v6;
	v7 =	vld.idx.msk [tilespmem:v7+s19+$0x0], $0xffff  }
0x484: {  	v6 =	vcvt.f32.s32 v6;
	v3 =	vmul.f32 $2.550000000e+02, v3  }
0x485: {  	v12 =	vld [tilespmem:s1+$0x0];
	v5 =	vtrunc.f32 v5;
	v8 =	vmul.f32 $2.550000000e+02, v8  }
0x486: {  	v10 =	vld.idx.msk [tilespmem:v10+s19+$0x0], $0xffff;
	[tilespmem:s31+$0x40] =	vst v4;
	v5 =	vcvt.f32.s32 v5;
	v3 =	vtrunc.f32 v3  }
0x487: {  	v4 =	vld [tilespmem:s22+$0x50];
	v8 =	vtrunc.f32 v8;
	[tilespmem:s0+$0xFFFFFF20] =	vst v1;
	v3 =	vcvt.f32.s32 v3  }
0x488: {  	[tilespmem:s0+$0xFFFFFFA0] =	vst v7;
	v8 =	vcvt.f32.s32 v8;
	v1 =	vld.idx.msk [tilespmem:v2+s19+$0x0], $0xffff;
	v2 =	vtrunc.f32 v9  }
0x489: {  	v7 =	vtrunc.f32 v11;
	v11 =	vld [tilespmem:s2+$0xFFFFFFB0];
	v2 =	vcvt.f32.s32 v2  }
0x48a: {  	v7 =	vcvt.f32.s32 v7;
	v9 =	vld [tilespmem:s2+$0xFFFFFF30]  }
0x48b: {  	v6 =	vld.idx.msk [tilespmem:v6+s19+$0x0], $0xffff  }
0x48c: {  	v4 =	vmul.f32 $2.550000000e+02, v4;
	v5 =	vld.idx.msk [tilespmem:v5+s19+$0x0], $0xffff  }
0x48d: {  	v3 =	vld.idx.msk [tilespmem:v3+s19+$0x0], $0xffff  }
0x48e: {  	v12 =	vmul.f32 $2.550000000e+02, v12;
	v4 =	vtrunc.f32 v4;
	v8 =	vld.idx.msk [tilespmem:v8+s19+$0x0], $0xffff  }
0x48f: {  	v4 =	vcvt.f32.s32 v4;
	[tilespmem:s0+$0x20] =	vst v1;
	v1 =	vld.idx.msk [tilespmem:v2+s19+$0x0], $0xffff  }
0x490: {  	v9 =	vmul.f32 $2.550000000e+02, v9;
	v7 =	vld.idx.msk [tilespmem:v7+s19+$0x0], $0xffff;
	v2 =	vtrunc.f32 v12  }
0x491: {  	[tilespmem:s31+$0xFFFFFF50] =	vst v6;
	v60 =	vld [tilespmem:s2+$0x30];
	v2 =	vcvt.f32.s32 v2  }
0x492: {  	v6 =	vtrunc.f32 v9;
	v9 =	vmul.f32 $2.550000000e+02, v11;
	v11 =	vld [tilespmem:s22+$0xFFFFFF60];
	[tilespmem:s31+$0xE0] =	vst v3  }
0x493: {  	s16 =	simm.s32 $0x13300;
	[tilespmem:s0+$0xB0] =	vst v8;
	v8 =	vld [tilespmem:s22+$0xF0]  }
0x494: {  	v6 =	vcvt.f32.s32 v6;
	v3 =	vtrunc.f32 v9;
	[tilespmem:s16+$0x80] =	vst v1;
	v1 =	vld [tilespmem:s2+$0xC0]  }
0x495: {  	v3 =	vcvt.f32.s32 v3;
	v61 =	vld [tilespmem:s1+$0x90]  }
0x496: {  	v4 =	vld.idx.msk [tilespmem:v4+s19+$0x0], $0xffff;
	v9 =	vmul.f32 $2.550000000e+02, v60  }
0x497: {  	[tilespmem:s31+$0xFFFFFFD0] =	vst v5;
	v11 =	vmul.f32 $2.550000000e+02, v11;
	v2 =	vld.idx.msk [tilespmem:v2+s19+$0x0], $0xffff  }
0x498: {  	v62 =	vld [tilespmem:s22+$0xFFFFFFE0];
	[tilespmem:s16+$0xFFFFFF00] =	vst v7;
	v9 =	vtrunc.f32 v9;
	v7 =	vmul.f32 $2.550000000e+02, v8  }
0x499: {  	v8 =	vcvt.f32.s32 v9;
	v9 =	vld [tilespmem:s1+$0xFFFFFF10];
	v1 =	vmul.f32 $2.550000000e+02, v1  }
0x49a: {  	v6 =	vld.idx.msk [tilespmem:v6+s19+$0x0], $0xffff;
	v5 =	vmul.f32 $2.550000000e+02, v61;
	v7 =	vtrunc.f32 v7  }
0x49b: {  	[tilespmem:s16+$0xFFFFFF80] =	vst v10;
	v3 =	vld.idx.msk [tilespmem:v3+s19+$0x0], $0xffff;
	v1 =	vtrunc.f32 v1;
	v7 =	vcvt.f32.s32 v7  }
0x49c: {  	v10 =	vld [tilespmem:s1+$0xFFFFFF90];
	[tilespmem:s16+$0x0] =	vst v2;
	v5 =	vtrunc.f32 v5;
	v1 =	vcvt.f32.s32 v1  }
0x49d: {  	[tilespmem:s31+$0x50] =	vst v4;
	v12 =	vmul.f32 $2.550000000e+02, v62;
	v4 =	vld [tilespmem:s1+$0x10];
	v2 =	vcvt.f32.s32 v5  }
0x49e: {  	v5 =	vtrunc.f32 v11;
	v11 =	vld [tilespmem:s22+$0x60];
	v9 =	vmul.f32 $2.550000000e+02, v9  }
0x49f: {  	[tilespmem:s0+$0xFFFFFF30] =	vst v6;
	v5 =	vcvt.f32.s32 v5;
	v6 =	vld.idx.msk [tilespmem:v8+s19+$0x0], $0xffff  }
0x4a0: {  	[tilespmem:s0+$0xFFFFFFB0] =	vst v3;
	v3 =	vtrunc.f32 v12;
	v8 =	vtrunc.f32 v9;
	v9 =	vld [tilespmem:s2+$0xFFFFFF40]  }
0x4a1: {  	v3 =	vcvt.f32.s32 v3;
	v8 =	vcvt.f32.s32 v8;
	v13 =	vld.idx.msk [tilespmem:v7+s19+$0x0], $0xffff  }
0x4a2: {  	v4 =	vmul.f32 $2.550000000e+02, v4;
	v7 =	vmul.f32 $2.550000000e+02, v10;
	v1 =	vld.idx.msk [tilespmem:v1+s19+$0x0], $0xffff  }
0x4a3: {  	v10 =	vld [tilespmem:s2+$0xFFFFFFC0]  }
0x4a4: {  	v2 =	vld.idx.msk [tilespmem:v2+s19+$0x0], $0xffff;
	v4 =	vtrunc.f32 v4;
	v7 =	vtrunc.f32 v7  }
0x4a5: {  	[tilespmem:s0+$0x30] =	vst v6;
	v5 =	vld.idx.msk [tilespmem:v5+s19+$0x0], $0xffff;
	v4 =	vcvt.f32.s32 v4;
	v7 =	vcvt.f32.s32 v7  }
0x4a6: {  	v6 =	vmul.f32 $2.550000000e+02, v9;
	v9 =	vmul.f32 $2.550000000e+02, v11;
	v11 =	vld [tilespmem:s2+$0x40]  }
0x4a7: {  	v8 =	vld.idx.msk [tilespmem:v8+s19+$0x0], $0xffff  }
0x4a8: {  	v3 =	vld.idx.msk [tilespmem:v3+s19+$0x0], $0xffff;
	v6 =	vtrunc.f32 v6;
	[tilespmem:s0+$0xC0] =	vst v1;
	v1 =	vtrunc.f32 v9  }
0x4a9: {  	v9 =	vmul.f32 $2.550000000e+02, v10;
	[tilespmem:s16+$0x90] =	vst v2;
	v2 =	vcvt.f32.s32 v6;
	v6 =	vld [tilespmem:s2+$0xD0]  }
0x4aa: {  	v1 =	vcvt.f32.s32 v1;
	v10 =	vld [tilespmem:s1+$0xA0]  }
0x4ab: {  	v9 =	vtrunc.f32 v9;
	v11 =	vmul.f32 $2.550000000e+02, v11;
	v4 =	vld.idx.msk [tilespmem:v4+s19+$0x0], $0xffff  }
0x4ac: {  	v9 =	vcvt.f32.s32 v9;
	v7 =	vld.idx.msk [tilespmem:v7+s19+$0x0], $0xffff;
	[tilespmem:s16+$0xFFFFFF10] =	vst v8  }
0x4ad: {  	[tilespmem:s31+$0xFFFFFFE0] =	vst v3;
	v8 =	vtrunc.f32 v11;
	v11 =	vld [tilespmem:s1+$0xFFFFFF20]  }
0x4ae: {  	v63 =	vld [tilespmem:s22+$0xFFFFFFF0];
	v6 =	vmul.f32 $2.550000000e+02, v6  }
0x4af: {  	v8 =	vcvt.f32.s32 v8;
	v10 =	vmul.f32 $2.550000000e+02, v10;
	v2 =	vld.idx.msk [tilespmem:v2+s19+$0x0], $0xffff  }
0x4b0: {  	[tilespmem:s31+$0xFFFFFF60] =	vst v5;
	v1 =	vld.idx.msk [tilespmem:v1+s19+$0x0], $0xffff;
	v5 =	vtrunc.f32 v6  }
0x4b1: {  	[tilespmem:s16+$0xFFFFFF90] =	vst v7;
	v6 =	vtrunc.f32 v10;
	v5 =	vcvt.f32.s32 v5;
	v7 =	vld [tilespmem:s22+$0xFFFFFF70]  }
0x4b2: {  	[tilespmem:s16+$0x10] =	vst v4;
	v9 =	vld.idx.msk [tilespmem:v9+s19+$0x0], $0xffff;
	v4 =	vcvt.f32.s32 v6;
	v6 =	vmul.f32 $2.550000000e+02, v11  }
0x4b3: {  	v10 =	vld [tilespmem:s1+$0xFFFFFFA0]  }
0x4b4: {  	v11 =	vld [tilespmem:s1+$0x20];
	v6 =	vtrunc.f32 v6  }
0x4b5: {  	[tilespmem:s0+$0xFFFFFF40] =	vst v2;
	v2 =	vld.idx.msk [tilespmem:v8+s19+$0x0], $0xffff;
	v6 =	vcvt.f32.s32 v6  }
0x4b6: {  	v8 =	vld [tilespmem:s2+$0xFFFFFF50]  }
0x4b7: {  	v3 =	vmul.f32 $2.550000000e+02, v7;
	v5 =	vld.idx.msk [tilespmem:v5+s19+$0x0], $0xffff  }
0x4b8: {  	[tilespmem:s31+$0x60] =	vst v1;
	v1 =	vmul.f32 $2.550000000e+02, v10;
	v4 =	vld.idx.msk [tilespmem:v4+s19+$0x0], $0xffff  }
0x4b9: {  	v14 =	vld [tilespmem:s22+$0x70];
	[tilespmem:s0+$0xFFFFFFC0] =	vst v9;
	v11 =	vmul.f32 $2.550000000e+02, v11;
	v3 =	vtrunc.f32 v3  }
0x4ba: {  	v7 =	vld [tilespmem:s2+$0xFFFFFFD0];
	v9 =	vtrunc.f32 v1;
	v1 =	vcvt.f32.s32 v3  }
0x4bb: {  	[tilespmem:s0+$0x40] =	vst v2;
	v15 =	vmul.f32 $2.550000000e+02, v8;
	v2 =	vtrunc.f32 v11;
	v10 =	vld.idx.msk [tilespmem:v6+s19+$0x0], $0xffff  }
0x4bc: {  	v8 =	vcvt.f32.s32 v9;
	v9 =	vcvt.f32.s32 v2;
	v6 =	vld [tilespmem:s2+$0x50];
	[tilespmem:s0+$0xD0] =	vst v5  }
0x4bd: {  	v2 =	vmul.f32 $2.550000000e+02, v63;
	v3 =	vtrunc.f32 v15;
	[tilespmem:s16+$0xA0] =	vst v4;
	v4 =	vld [tilespmem:s2+$0xE0]  }
0x4be: {  	s15 =	simm.s32 $0x13300;
	s20 =	simm.s32 $0x8;
	[tilespmem:s31+$0xF0] =	vst v13;
	s22 =	simm.s32 $0x6D00;
	v5 =	vcvt.f32.s32 v3;
	v3 =	vmul.f32 $2.550000000e+02, v14;
	v11 =	vld [tilespmem:s1+$0xB0]  }
.LBB2_10:
0x4bf: {  	v12 =	vld [tilespmem:s22+$0x80];
	s20 =	sadd.s32 $0x4, s20;
	v7 =	vmul.f32 $2.550000000e+02, v7;
	v2 =	vtrunc.f32 v2  }
0x4c0: {  	v13 =	vld [tilespmem:s22+$0xFFFFFF80];
	p0 =	slt.u32 s20, $0xC4;
	v2 =	vcvt.f32.s32 v2;
	v3 =	vtrunc.f32 v3  }
0x4c1: {  	v14 =	vld [tilespmem:s22+$0x0];
	[tilespmem:s16+$0xFFFFFF20] =	vst v10;
	v7 =	vtrunc.f32 v7;
	v6 =	vmul.f32 $2.550000000e+02, v6  }
0x4c2: {  	v10 =	vld [tilespmem:s22+$0xFFFFFF00];
	v7 =	vcvt.f32.s32 v7;
	v4 =	vmul.f32 $2.550000000e+02, v4  }
0x4c3: {  	v8 =	vld.idx.msk [tilespmem:v8+s19+$0x0], $0xffff;
	v11 =	vmul.f32 $2.550000000e+02, v11;
	v6 =	vtrunc.f32 v6  }
0x4c4: {  	v12 =	vmul.f32 $2.550000000e+02, v12;
	v9 =	vld.idx.msk [tilespmem:v9+s19+$0x0], $0xffff;
	v4 =	vtrunc.f32 v4  }
0x4c5: {  	v15 =	vld [tilespmem:s1+$0xFFFFFF30];
	v11 =	vtrunc.f32 v11;
	v4 =	vcvt.f32.s32 v4  }
0x4c6: {  	v12 =	vtrunc.f32 v12;
	v11 =	vcvt.f32.s32 v11;
	v5 =	vld.idx.msk [tilespmem:v5+s19+$0x0], $0xffff  }
0x4c7: {  	v10 =	vmul.f32 $2.550000000e+02, v10;
	v12 =	vcvt.f32.s32 v12;
	v1 =	vld.idx.msk [tilespmem:v1+s19+$0x0], $0xffff  }
0x4c8: {  	v13 =	vmul.f32 $2.550000000e+02, v13;
	v14 =	vmul.f32 $2.550000000e+02, v14;
	v7 =	vld.idx.msk [tilespmem:v7+s19+$0x0], $0xffff  }
0x4c9: {  	v6 =	vcvt.f32.s32 v6;
	v10 =	vtrunc.f32 v10;
	[tilespmem:s16+$0xFFFFFFA0] =	vst v8;
	v2 =	vld.idx.msk [tilespmem:v2+s19+$0x0], $0xffff  }
0x4ca: {  	v8 =	vtrunc.f32 v13;
	v13 =	vtrunc.f32 v14;
	v14 =	vld [tilespmem:s1+$0xFFFFFFB0];
	[tilespmem:s16+$0x20] =	vst v9  }
0x4cb: {  	v9 =	vcvt.f32.s32 v10;
	v8 =	vcvt.f32.s32 v8;
	v4 =	vld.idx.msk [tilespmem:v4+s19+$0x0], $0xffff  }
0x4cc: {  	v10 =	vcvt.f32.s32 v13;
	v13 =	vmul.f32 $2.550000000e+02, v15;
	v11 =	vld.idx.msk [tilespmem:v11+s19+$0x0], $0xffff;
	[tilespmem:s0+$0xFFFFFF50] =	vst v5  }
0x4cd: {  	v5 =	vld.idx.msk [tilespmem:v12+s19+$0x0], $0xffff;
	[tilespmem:s31+$0xFFFFFF70] =	vst v1;
	v1 =	vcvt.f32.s32 v3  }
0x4ce: {  	v3 =	vtrunc.f32 v13;
	v12 =	vld [tilespmem:s1+$0x30];
	[tilespmem:s0+$0xFFFFFFD0] =	vst v7  }
0x4cf: {  	v3 =	vcvt.f32.s32 v3;
	v7 =	vmul.f32 $2.550000000e+02, v14;
	v6 =	vld.idx.msk [tilespmem:v6+s19+$0x0], $0xffff;
	[tilespmem:s31+$0xFFFFFFF0] =	vst v2  }
0x4d0: {  	v2 =	vld [tilespmem:s2+$0xFFFFFF60]  }
0x4d1: {  	v9 =	vld.idx.msk [tilespmem:v9+s19+$0x0], $0xffff;
	v7 =	vtrunc.f32 v7;
	[tilespmem:s0+$0xE0] =	vst v4  }
0x4d2: {  	s16 =	sadd.s32 $0x200, s16;
	v4 =	vcvt.f32.s32 v7;
	[tilespmem:s15+$0xB0] =	vst v11;
	v7 =	vld [tilespmem:s2+$0xF0]  }
0x4d3: {  	[tilespmem:s16+$0x80] =	vst v5;
	v5 =	vmul.f32 $2.550000000e+02, v12;
	v11 =	vld [tilespmem:s1+$0xC0]  }
0x4d4: {  	v12 =	vld [tilespmem:s22+$0x90]  }
0x4d5: {  	v8 =	vld.idx.msk [tilespmem:v8+s19+$0x0], $0xffff;
	v5 =	vtrunc.f32 v5;
	v2 =	vmul.f32 $2.550000000e+02, v2;
	[tilespmem:s0+$0x50] =	vst v6  }
0x4d6: {  	v6 =	vld.idx.msk [tilespmem:v10+s19+$0x0], $0xffff;
	v5 =	vcvt.f32.s32 v5  }
0x4d7: {  	[tilespmem:s16+$0xFFFFFF00] =	vst v9;
	v3 =	vld.idx.msk [tilespmem:v3+s19+$0x0], $0xffff;
	v2 =	vtrunc.f32 v2;
	v7 =	vmul.f32 $2.550000000e+02, v7  }
0x4d8: {  	v9 =	vld [tilespmem:s22+$0xFFFFFF10];
	v10 =	vmul.f32 $2.550000000e+02, v11;
	v2 =	vcvt.f32.s32 v2  }
0x4d9: {  	v11 =	vmul.f32 $2.550000000e+02, v12;
	v4 =	vld.idx.msk [tilespmem:v4+s19+$0x0], $0xffff;
	v7 =	vtrunc.f32 v7  }
0x4da: {  	v10 =	vtrunc.f32 v10;
	v12 =	vld [tilespmem:s2+$0xFFFFFFE0];
	v7 =	vcvt.f32.s32 v7  }
0x4db: {  	[tilespmem:s16+$0xFFFFFF80] =	vst v8;
	v8 =	vtrunc.f32 v11;
	v10 =	vcvt.f32.s32 v10;
	v11 =	vld [tilespmem:s2+$0x60]  }
0x4dc: {  	v13 =	vld [tilespmem:s22+$0xFFFFFF90];
	[tilespmem:s16+$0x0] =	vst v6;
	v6 =	vcvt.f32.s32 v8  }
0x4dd: {  	v8 =	vmul.f32 $2.550000000e+02, v9;
	v9 =	vld [tilespmem:s22+$0x10];
	[tilespmem:s15+$0xFFFFFF30] =	vst v3  }
0x4de: {  	v3 =	vld.idx.msk [tilespmem:v5+s19+$0x0], $0xffff  }
0x4df: {  	v5 =	vtrunc.f32 v8;
	v8 =	vld [tilespmem:s1+$0xFFFFFF40];
	[tilespmem:s15+$0xFFFFFFB0] =	vst v4;
	v4 =	vmul.f32 $2.550000000e+02, v12  }
0x4e0: {  	v5 =	vcvt.f32.s32 v5;
	v11 =	vmul.f32 $2.550000000e+02, v11;
	v7 =	vld.idx.msk [tilespmem:v7+s19+$0x0], $0xffff  }
0x4e1: {  	v12 =	vmul.f32 $2.550000000e+02, v13;
	v10 =	vld.idx.msk [tilespmem:v10+s19+$0x0], $0xffff;
	v4 =	vtrunc.f32 v4  }
0x4e2: {  	v9 =	vmul.f32 $2.550000000e+02, v9;
	v6 =	vld.idx.msk [tilespmem:v6+s19+$0x0], $0xffff;
	v11 =	vtrunc.f32 v11  }
0x4e3: {  	v4 =	vcvt.f32.s32 v4;
	v12 =	vtrunc.f32 v12;
	v13 =	vld [tilespmem:s1+$0xFFFFFFC0]  }
0x4e4: {  	v12 =	vcvt.f32.s32 v12;
	v9 =	vtrunc.f32 v9;
	[tilespmem:s15+$0x30] =	vst v3;
	v2 =	vld.idx.msk [tilespmem:v2+s19+$0x0], $0xffff  }
0x4e5: {  	v8 =	vmul.f32 $2.550000000e+02, v8;
	v3 =	vcvt.f32.s32 v9;
	v9 =	vld [tilespmem:s1+$0x40]  }
0x4e6: {  	v11 =	vcvt.f32.s32 v11;
	v5 =	vld.idx.msk [tilespmem:v5+s19+$0x0], $0xffff;
	[tilespmem:s0+$0xF0] =	vst v7  }
0x4e7: {  	v7 =	vtrunc.f32 v8;
	[tilespmem:s15+$0xC0] =	vst v10;
	v1 =	vld.idx.msk [tilespmem:v1+s19+$0x0], $0xffff  }
0x4e8: {  	[tilespmem:s16+$0x90] =	vst v6;
	v6 =	vcvt.f32.s32 v7;
	v7 =	vmul.f32 $2.550000000e+02, v13;
	v8 =	vld [tilespmem:s1+$0xD0]  }
0x4e9: {  	v10 =	vld [tilespmem:s22+$0xA0]  }
0x4ea: {  	v12 =	vld.idx.msk [tilespmem:v12+s19+$0x0], $0xffff;
	v7 =	vtrunc.f32 v7;
	v9 =	vmul.f32 $2.550000000e+02, v9;
	[tilespmem:s0+$0xFFFFFF60] =	vst v2  }
0x4eb: {  	v2 =	vld.idx.msk [tilespmem:v3+s19+$0x0], $0xffff;
	v3 =	vcvt.f32.s32 v7  }
0x4ec: {  	[tilespmem:s16+$0xFFFFFF10] =	vst v5;
	v5 =	vtrunc.f32 v9;
	v4 =	vld.idx.msk [tilespmem:v4+s19+$0x0], $0xffff  }
0x4ed: {  	v7 =	vld [tilespmem:s22+$0xFFFFFF20];
	v5 =	vcvt.f32.s32 v5;
	v8 =	vmul.f32 $2.550000000e+02, v8;
	[tilespmem:s31+$0x70] =	vst v1;
	s31 =	smov.u32 s0;
	s0 =	smov.u32 s15;
	s15 =	smov.u32 s16  }
0x4ee: {  	v1 =	vmul.f32 $2.550000000e+02, v10;
	v6 =	vld.idx.msk [tilespmem:v6+s19+$0x0], $0xffff  }
0x4ef: {  	v8 =	vtrunc.f32 v8;
	v9 =	vld.idx.msk [tilespmem:v11+s19+$0x0], $0xffff  }
0x4f0: {  	[tilespmem:s16+$0xFFFFFF90] =	vst v12;
	v1 =	vtrunc.f32 v1;
	v8 =	vcvt.f32.s32 v8;
	v10 =	vld [tilespmem:s2+$0xFFFFFF70]  }
0x4f1: {  	v11 =	vld [tilespmem:s22+$0xFFFFFFA0];
	[tilespmem:s16+$0x10] =	vst v2;
	v1 =	vcvt.f32.s32 v1  }
0x4f2: {  	v2 =	vmul.f32 $2.550000000e+02, v7;
	v7 =	vld [tilespmem:s22+$0x20];
	[tilespmem:s31+$0xFFFFFFE0] =	vst v4  }
0x4f3: {  	v3 =	vld.idx.msk [tilespmem:v3+s19+$0x0], $0xffff  }
0x4f4: {  	v2 =	vtrunc.f32 v2;
	[tilespmem:s0+$0xFFFFFF40] =	vst v6;
	v4 =	vld.idx.msk [tilespmem:v5+s19+$0x0], $0xffff  }
0x4f5: {  	v2 =	vcvt.f32.s32 v2;
	v5 =	vld [tilespmem:s1+$0xFFFFFF50];
	v6 =	vmul.f32 $2.550000000e+02, v10;
	[tilespmem:s31+$0x60] =	vst v9  }
0x4f6: {  	v9 =	vmul.f32 $2.550000000e+02, v11;
	v11 =	vld.idx.msk [tilespmem:v8+s19+$0x0], $0xffff  }
0x4f7: {  	v7 =	vmul.f32 $2.550000000e+02, v7;
	v12 =	vld.idx.msk [tilespmem:v1+s19+$0x0], $0xffff;
	v1 =	vtrunc.f32 v6  }
0x4f8: {  	v6 =	vtrunc.f32 v9;
	v1 =	vcvt.f32.s32 v1;
	v13 =	vld [tilespmem:s2+$0xFFFFFFF0]  }
0x4f9: {  	v8 =	vcvt.f32.s32 v6;
	v6 =	vtrunc.f32 v7;
	[tilespmem:s0+$0xFFFFFFC0] =	vst v3;
	v3 =	vld [tilespmem:s2+$0x70];
	s2 =	smov.u32 s1;
	s1 =	smov.u32 s22  }
.Ltmp4:
0x4fa: {  	v9 =	vcvt.f32.s32 v6;
	v5 =	vmul.f32 $2.550000000e+02, v5;
	v7 =	vld [tilespmem:s2+$0xFFFFFFD0];
	[tilespmem:s0+$0x40] =	vst v4;
	(pc) =	sbr.rel @p0 .LBB2_10-.Ltmp4, $4  }
0x4fb: {  	v10 =	vld.idx.msk [tilespmem:v2+s19+$0x0], $0xffff  }
0x4fc: {  	v2 =	vtrunc.f32 v5;
	v6 =	vld [tilespmem:s2+$0x50];
	[tilespmem:s0+$0xD0] =	vst v11  }
0x4fd: {  	[tilespmem:s16+$0xA0] =	vst v12;
	v5 =	vcvt.f32.s32 v2;
	v4 =	vld [tilespmem:s2+$0xE0];
	v2 =	vmul.f32 $2.550000000e+02, v13  }
0x4fe: {  	s22 =	sadd.s32 $0x200, s22;
	v11 =	vld [tilespmem:s1+$0xB0];
	v3 =	vmul.f32 $2.550000000e+02, v3  }
0x4ff: {  	_ =	sdelay $0x3  }
0x500: {  	v8 =	vld.idx.msk [tilespmem:v8+s19+$0x0], $0xffff  }
0x501: {  	v9 =	vld.idx.msk [tilespmem:v9+s19+$0x0], $0xffff;
	_ =	sdelay $0x2  }
0x502: {  	[tilespmem:s16+$0xFFFFFF20] =	vst v10  }
0x503: {  	v10 =	vld [tilespmem:s1+$0xFFFFFF30];
	[tilespmem:s16+$0xFFFFFFA0] =	vst v8  }
0x504: {  	[tilespmem:s16+$0x20] =	vst v9;
	v8 =	vld [tilespmem:s1+$0xFFFFFFB0]  }
0x505: {  	v9 =	vld [tilespmem:s1+$0x30]  }
0x506: {  	v11 =	vmul.f32 $2.550000000e+02, v11;
	_ =	sdelay $0x1  }
0x507: {  	v11 =	vtrunc.f32 v11;
	v10 =	vmul.f32 $2.550000000e+02, v10  }
0x508: {  	v11 =	vcvt.f32.s32 v11;
	v8 =	vmul.f32 $2.550000000e+02, v8  }
0x509: {  	v10 =	vtrunc.f32 v10;
	v9 =	vmul.f32 $2.550000000e+02, v9  }
0x50a: {  	v10 =	vcvt.f32.s32 v10;
	v8 =	vtrunc.f32 v8  }
0x50b: {  	v9 =	vtrunc.f32 v9;
	v8 =	vcvt.f32.s32 v8  }
0x50c: {  	v9 =	vcvt.f32.s32 v9;
	_ =	sdelay $0x1  }
0x50d: {  	v11 =	vld.idx.msk [tilespmem:v11+s19+$0x0], $0xffff;
	_ =	sdelay $0x1  }
0x50e: {  	v10 =	vld.idx.msk [tilespmem:v10+s19+$0x0], $0xffff  }
0x50f: {  	v8 =	vld.idx.msk [tilespmem:v8+s19+$0x0], $0xffff  }
0x510: {  	v9 =	vld.idx.msk [tilespmem:v9+s19+$0x0], $0xffff  }
0x511: {  	[tilespmem:s15+$0xB0] =	vst v11  }
0x512: {  	v11 =	vld [tilespmem:s1+$0xC0]  }
0x513: {  	[tilespmem:s15+$0xFFFFFF30] =	vst v10  }
0x514: {  	v10 =	vld [tilespmem:s1+$0xFFFFFF40];
	[tilespmem:s15+$0xFFFFFFB0] =	vst v8  }
0x515: {  	[tilespmem:s15+$0x30] =	vst v9;
	v8 =	vld [tilespmem:s1+$0xFFFFFFC0]  }
0x516: {  	v9 =	vld [tilespmem:s1+$0x40]  }
0x517: {  	v11 =	vmul.f32 $2.550000000e+02, v11;
	_ =	sdelay $0x1  }
0x518: {  	v11 =	vtrunc.f32 v11;
	v10 =	vmul.f32 $2.550000000e+02, v10  }
0x519: {  	v11 =	vcvt.f32.s32 v11;
	v8 =	vmul.f32 $2.550000000e+02, v8  }
0x51a: {  	v10 =	vtrunc.f32 v10;
	v9 =	vmul.f32 $2.550000000e+02, v9  }
0x51b: {  	v10 =	vcvt.f32.s32 v10;
	v8 =	vtrunc.f32 v8  }
0x51c: {  	v9 =	vtrunc.f32 v9;
	v8 =	vcvt.f32.s32 v8  }
0x51d: {  	v9 =	vcvt.f32.s32 v9;
	_ =	sdelay $0x1  }
0x51e: {  	v11 =	vld.idx.msk [tilespmem:v11+s19+$0x0], $0xffff;
	_ =	sdelay $0x1  }
0x51f: {  	v10 =	vld.idx.msk [tilespmem:v10+s19+$0x0], $0xffff  }
0x520: {  	v7 =	vmul.f32 $2.550000000e+02, v7;
	v8 =	vld.idx.msk [tilespmem:v8+s19+$0x0], $0xffff  }
0x521: {  	v6 =	vmul.f32 $2.550000000e+02, v6;
	v9 =	vld.idx.msk [tilespmem:v9+s19+$0x0], $0xffff  }
0x522: {  	v7 =	vtrunc.f32 v7;
	[tilespmem:s15+$0xC0] =	vst v11  }
0x523: {  	v7 =	vcvt.f32.s32 v7;
	v6 =	vtrunc.f32 v6;
	v11 =	vld [tilespmem:s1+$0xD0]  }
0x524: {  	v6 =	vcvt.f32.s32 v6;
	[tilespmem:s15+$0xFFFFFF40] =	vst v10  }
0x525: {  	v10 =	vld [tilespmem:s1+$0xFFFFFF50];
	[tilespmem:s15+$0xFFFFFFC0] =	vst v8  }
0x526: {  	[tilespmem:s15+$0x40] =	vst v9;
	v8 =	vld [tilespmem:s1+$0xFFFFFFD0]  }
0x527: {  	v9 =	vld [tilespmem:s1+$0x50]  }
0x528: {  	v5 =	vld.idx.msk [tilespmem:v5+s19+$0x0], $0xffff;
	v11 =	vmul.f32 $2.550000000e+02, v11  }
0x529: {  	v7 =	vld.idx.msk [tilespmem:v7+s19+$0x0], $0xffff  }
0x52a: {  	v6 =	vld.idx.msk [tilespmem:v6+s19+$0x0], $0xffff;
	v11 =	vtrunc.f32 v11;
	v10 =	vmul.f32 $2.550000000e+02, v10  }
0x52b: {  	v11 =	vcvt.f32.s32 v11;
	v8 =	vmul.f32 $2.550000000e+02, v8  }
0x52c: {  	v10 =	vtrunc.f32 v10;
	v9 =	vmul.f32 $2.550000000e+02, v9  }
0x52d: {  	[tilespmem:s0+$0xFFFFFF50] =	vst v5;
	v38 =	vcvt.f32.s32 v10;
	v8 =	vtrunc.f32 v8  }
0x52e: {  	v39 =	vld [tilespmem:s2+$0xFFFFFF60];
	[tilespmem:s0+$0xFFFFFFD0] =	vst v7;
	v9 =	vtrunc.f32 v9;
	v8 =	vcvt.f32.s32 v8  }
0x52f: {  	v41 =	vld [tilespmem:s2+$0xFFFFFFE0];
	[tilespmem:s0+$0x50] =	vst v6;
	v40 =	vcvt.f32.s32 v9  }
0x530: {  	v43 =	vld [tilespmem:s2+$0x60]  }
0x531: {  	v42 =	vld.idx.msk [tilespmem:v11+s19+$0x0], $0xffff  }
0x532: {  	v4 =	vmul.f32 $2.550000000e+02, v4  }
0x533: {  	v5 =	vld.idx.msk [tilespmem:v38+s19+$0x0], $0xffff  }
0x534: {  	v4 =	vtrunc.f32 v4;
	v10 =	vmul.f32 $2.550000000e+02, v39;
	v8 =	vld.idx.msk [tilespmem:v8+s19+$0x0], $0xffff  }
0x535: {  	v4 =	vcvt.f32.s32 v4;
	v9 =	vmul.f32 $2.550000000e+02, v41;
	v7 =	vld.idx.msk [tilespmem:v40+s19+$0x0], $0xffff  }
0x536: {  	v44 =	vmul.f32 $2.550000000e+02, v43;
	v10 =	vtrunc.f32 v10;
	[tilespmem:s15+$0xD0] =	vst v42  }
0x537: {  	v10 =	vcvt.f32.s32 v10;
	v9 =	vtrunc.f32 v9;
	v45 =	vld [tilespmem:s1+$0xE0]  }
0x538: {  	v9 =	vcvt.f32.s32 v9;
	[tilespmem:s15+$0xFFFFFF50] =	vst v5  }
0x539: {  	v46 =	vtrunc.f32 v44;
	v47 =	vld [tilespmem:s1+$0xFFFFFF60];
	[tilespmem:s15+$0xFFFFFFD0] =	vst v8  }
0x53a: {  	v5 =	vcvt.f32.s32 v46;
	[tilespmem:s15+$0x50] =	vst v7;
	v48 =	vld [tilespmem:s1+$0xFFFFFFE0]  }
0x53b: {  	v49 =	vld [tilespmem:s1+$0x60]  }
0x53c: {  	v4 =	vld.idx.msk [tilespmem:v4+s19+$0x0], $0xffff;
	v11 =	vmul.f32 $2.550000000e+02, v45  }
0x53d: {  	v10 =	vld.idx.msk [tilespmem:v10+s19+$0x0], $0xffff  }
0x53e: {  	v9 =	vld.idx.msk [tilespmem:v9+s19+$0x0], $0xffff;
	v11 =	vtrunc.f32 v11;
	v6 =	vmul.f32 $2.550000000e+02, v47  }
0x53f: {  	v11 =	vcvt.f32.s32 v11;
	v7 =	vmul.f32 $2.550000000e+02, v48  }
0x540: {  	v5 =	vld.idx.msk [tilespmem:v5+s19+$0x0], $0xffff;
	v6 =	vtrunc.f32 v6;
	v8 =	vmul.f32 $2.550000000e+02, v49  }
0x541: {  	[tilespmem:s0+$0xE0] =	vst v4;
	v50 =	vcvt.f32.s32 v6;
	v51 =	vtrunc.f32 v7  }
0x542: {  	v52 =	vld [tilespmem:s2+$0xF0];
	[tilespmem:s0+$0xFFFFFF60] =	vst v10;
	v8 =	vtrunc.f32 v8;
	v6 =	vcvt.f32.s32 v51  }
0x543: {  	v10 =	vld [tilespmem:s2+$0xFFFFFF70];
	[tilespmem:s0+$0xFFFFFFE0] =	vst v9;
	v8 =	vcvt.f32.s32 v8  }
0x544: {  	v9 =	vld [tilespmem:s2+$0xFFFFFFF0]  }
0x545: {  	[tilespmem:s0+$0x60] =	vst v5;
	v53 =	vld.idx.msk [tilespmem:v11+s19+$0x0], $0xffff  }
0x546: {  	v54 =	vld [tilespmem:s2+$0x70]  }
0x547: {  	v4 =	vld.idx.msk [tilespmem:v50+s19+$0x0], $0xffff  }
0x548: {  	v6 =	vld.idx.msk [tilespmem:v6+s19+$0x0], $0xffff  }
0x549: {  	v2 =	vtrunc.f32 v2;
	v8 =	vld.idx.msk [tilespmem:v8+s19+$0x0], $0xffff  }
0x54a: {  	v3 =	vtrunc.f32 v3;
	v7 =	vmul.f32 $2.550000000e+02, v52;
	[tilespmem:s15+$0xE0] =	vst v53  }
0x54b: {  	v2 =	vcvt.f32.s32 v2;
	v3 =	vcvt.f32.s32 v3;
	v5 =	vld [tilespmem:s1+$0xF0]  }
0x54c: {  	v56 =	vmul.f32 $2.550000000e+02, v9;
	v7 =	vtrunc.f32 v7;
	[tilespmem:s15+$0xFFFFFF60] =	vst v4  }
0x54d: {  	v10 =	vmul.f32 $2.550000000e+02, v10;
	v55 =	vcvt.f32.s32 v7;
	v57 =	vld [tilespmem:s1+$0xFFFFFF70];
	[tilespmem:s15+$0xFFFFFFE0] =	vst v6  }
0x54e: {  	v7 =	vtrunc.f32 v56;
	v59 =	vmul.f32 $2.550000000e+02, v54;
	[tilespmem:s15+$0x60] =	vst v8;
	v60 =	vld [tilespmem:s1+$0xFFFFFFF0]  }
0x54f: {  	v58 =	vtrunc.f32 v10;
	v7 =	vcvt.f32.s32 v7;
	v61 =	vld [tilespmem:s1+$0x70]  }
0x550: {  	v10 =	vtrunc.f32 v59;
	v5 =	vmul.f32 $2.550000000e+02, v5  }
0x551: {  	v10 =	vcvt.f32.s32 v10;
	v6 =	vcvt.f32.s32 v58  }
0x552: {  	v1 =	vld.idx.msk [tilespmem:v1+s19+$0x0], $0xffff;
	v5 =	vtrunc.f32 v5;
	v9 =	vmul.f32 $2.550000000e+02, v57  }
0x553: {  	v5 =	vcvt.f32.s32 v5;
	v8 =	vmul.f32 $2.550000000e+02, v60  }
0x554: {  	v2 =	vld.idx.msk [tilespmem:v2+s19+$0x0], $0xffff;
	v9 =	vtrunc.f32 v9;
	v11 =	vmul.f32 $2.550000000e+02, v61  }
0x555: {  	v3 =	vld.idx.msk [tilespmem:v3+s19+$0x0], $0xffff;
	v9 =	vcvt.f32.s32 v9;
	v8 =	vtrunc.f32 v8  }
0x556: {  	v4 =	vld.idx.msk [tilespmem:v55+s19+$0x0], $0xffff;
	v11 =	vtrunc.f32 v11;
	v8 =	vcvt.f32.s32 v8  }
0x557: {  	[tilespmem:s31+$0xFFFFFF70] =	vst v1;
	v1 =	vld.idx.msk [tilespmem:v7+s19+$0x0], $0xffff;
	v11 =	vcvt.f32.s32 v11  }
0x558: {  	v62 =	vld.idx.msk [tilespmem:v10+s19+$0x0], $0xffff  }
0x559: {  	[tilespmem:s31+$0xFFFFFFF0] =	vst v2;
	v6 =	vld.idx.msk [tilespmem:v6+s19+$0x0], $0xffff  }
0x55a: {  	[tilespmem:s31+$0x70] =	vst v3;
	v2 =	vld.idx.msk [tilespmem:v5+s19+$0x0], $0xffff  }
0x55b: {  	[tilespmem:s0+$0xF0] =	vst v4;
	v3 =	vld.idx.msk [tilespmem:v9+s19+$0x0], $0xffff  }
0x55c: {  	[tilespmem:s0+$0xFFFFFFF0] =	vst v1;
	v63 =	vld.idx.msk [tilespmem:v8+s19+$0x0], $0xffff  }
0x55d: {  	[tilespmem:s0+$0x70] =	vst v62;
	v1 =	vld.idx.msk [tilespmem:v11+s19+$0x0], $0xffff  }
0x55e: {  	[tilespmem:s0+$0xFFFFFF70] =	vst v6  }
0x55f: {  	[tilespmem:s15+$0xF0] =	vst v2  }
0x560: {  	[tilespmem:s15+$0xFFFFFF70] =	vst v3  }
0x561: {  	[tilespmem:s15+$0xFFFFFFF0] =	vst v63  }
0x562: {  	s30 =	sadd.s32 $0x1, s30;
	s31 =	simm.s32 $0x12E00;
	[tilespmem:s15+$0x70] =	vst v1  }
0x563: {  	[hbm4b:s11+s13] =	stream.strided.scatter [tilespmem:s31], [sflag:$0x8], $0x6400, s14, s13, $0x38;
	[tilespmem:$0x19200] =	vst v63  }
0x564: {  	p0 =	sne.s32 s30, s12;
	_ =	swait.ge [sflag:s28], $0x6400  }
.Ltmp5:
0x565: {  	[sflag:s28] =	ssyncset.done $0x0;
	(pc) =	sbr.rel @p0 .LBB2_1-.Ltmp5, $4  }
0x566: {  	[sflag:s28] =	ssyncadd.s32 $0xFFFF9C00  }
0x567: {  	_ =	swait.ge [sflag:s29], $0x6400  }
0x568: {  	[sflag:s29] =	ssyncset.done $0x0  }
0x569: {  	[sflag:s29] =	ssyncadd.s32 $0xFFFF9C00  }
0x56a: {  	_ =	sfence.sel $0x180000  }
0x56b: {  	[bflag:$0x0] =	sbarrier.arrive $0xFFFF  }
0x56c: {  	_ =	strace $0x90000047  }
0x56d: {  	s0 =	stileid.u32;
	[bflag:$0x2] =	sbarrier.arrive $0xFFFF  }
0x56e: {  	p0 =	sne.s32 s0, $0x0;
	s0 =	rddreg [dreg:$0x3]  }
0x56f: {  	s0 =	sadd.s32 @!p0 $0x100000, s0  }
0x570: {  	[sflag:s0] =	ssyncadd.tile.s32 @!p0 $0x1;
	_ =	shalt  }
.Lfunc_end2:
_tile_overlayer_lowered:
.L_overlay_start_2:
0x571: {  	(tag) =	ssettag $0x2  }
0x572: {  	s0 =	rddreg [dreg:$0x0];
	s2 =	stileid.u32  }
0x573: {  	s1 =	rddreg [dreg:$0x1];
	p0 =	sne.s32 s2, $0x0  }
0x574: {  	s3 =	rddreg [dreg:$0x2];
	[bflag:$0x3] =	sbarrier.arrive $0xFFFF;
	s2 =	simm.s32 @!p0 $0x1C09  }
0x575: {  	[timem:s3], [sflag:s2] =	dma.local @!p0 [hbm:s0], s1  }
0x576: {  	s0 =	simm.s32 @!p0 $0x9  }
0x577: {  	_ =	swait.ge @!p0 [sflag:s0], s1  }
0x578: {  	s1 =	ssub.s32 @!p0 $0x0, s1;
	[sflag:s0] =	ssyncset.done @!p0 $0x0  }
0x579: {  	[sflag:s0] =	ssyncadd.s32 @!p0 s1  }
0x57a: {  	[bflag:$0x3] =	sbarrier.arrive $0xFFFF  }
0x57b: {  	_ =	shalt  }

</sc_bundles>
